<compile_context>
chip_gen: v7x
topology: tpu7x:2x2x1
jax: 0.10.2.dev20260603
libtpu: 0.0.44.dev20260713+nightly
codegen_flags: <defaults>
</compile_context>

<pallas_src>
import jax
import jax.numpy as jnp
from jax import lax
from jax.experimental import pallas as pl
from jax.experimental.pallas import tpu as pltpu
from jax.experimental.pallas import tpu_sc as plsc

NUM_FACTORS = 32
LANES = 16
CHUNK = 128


def kernel(user_id, item_id, user_emb, item_emb, user_bias, item_bias):
    batch = user_id.shape[0]
    info = plsc.get_sparse_core_info()
    nc, ns = info.num_cores, info.num_subcores
    nw = nc * ns
    b_per_w = batch // nw

    def body(uid_hbm, iid_hbm, uemb_hbm, iemb_hbm, ubias_hbm, ibias_hbm,
             out_hbm, uid_v, iid_v, uq_v, iq_v, urows, irows, ubrows, ibrows,
             out_v, sem):
        wid = lax.axis_index("s") * nc + lax.axis_index("c")
        base = wid * b_per_w
        pltpu.sync_copy(uid_hbm.at[pl.ds(base, b_per_w)], uid_v)
        pltpu.sync_copy(iid_hbm.at[pl.ds(base, b_per_w)], iid_v)

        def idx_body(k, carry):
            sl = pl.ds(k * LANES, LANES)
            uq_v[sl] = lax.shift_right_logical(uid_v[sl], 4)
            iq_v[sl] = lax.shift_right_logical(iid_v[sl], 4)
            return carry

        lax.fori_loop(0, b_per_w // LANES, idx_body, 0)

        copies = []
        for c in range(b_per_w // CHUNK):
            sl = pl.ds(c * CHUNK, CHUNK)
            copies.append(pltpu.async_copy(uemb_hbm.at[uid_v.at[sl]], urows.at[sl], sem))
            copies.append(pltpu.async_copy(iemb_hbm.at[iid_v.at[sl]], irows.at[sl], sem))
            copies.append(pltpu.async_copy(ubias_hbm.at[uq_v.at[sl]], ubrows.at[sl], sem))
            copies.append(pltpu.async_copy(ibias_hbm.at[iq_v.at[sl]], ibrows.at[sl], sem))
        for cp in copies:
            cp.wait()

        lane = lax.iota(jnp.int32, LANES)
        zero = jnp.zeros((LANES,), jnp.float32)

        def blk_body(blk, carry):
            sl = pl.ds(blk * LANES, LANES)
            uqs = jnp.bitwise_and(uid_v[sl], 15)
            iqs = jnp.bitwise_and(iid_v[sl], 15)
            res = zero
            for r in range(LANES):
                row = blk * LANES + r
                v = (urows[row, pl.ds(0, LANES)] * irows[row, pl.ds(0, LANES)] +
                     urows[row, pl.ds(LANES, LANES)] * irows[row, pl.ds(LANES, LANES)])
                v = v + jnp.where(lane == uqs[r], ubrows[row, pl.ds(0, LANES)], zero)
                v = v + jnp.where(lane == iqs[r], ibrows[row, pl.ds(0, LANES)], zero)
                for k in (1, 2, 4, 8):
                    v = v + v.at[lane ^ k].get(mode="promise_in_bounds")
                res = jnp.where(lane == r, v, res)
            out_v[sl] = res
            return carry

        lax.fori_loop(0, b_per_w // LANES, blk_body, 0)
        pltpu.sync_copy(out_v, out_hbm.at[pl.ds(base, b_per_w)])

    run = pl.kernel(
        body,
        out_type=jax.ShapeDtypeStruct((batch,), jnp.float32),
        mesh=plsc.VectorSubcoreMesh(core_axis_name="c", subcore_axis_name="s"),
        compiler_params=pltpu.CompilerParams(use_tc_tiling_on_sc=False),
        scratch_types=[
            pltpu.VMEM((b_per_w,), jnp.int32),
            pltpu.VMEM((b_per_w,), jnp.int32),
            pltpu.VMEM((b_per_w,), jnp.int32),
            pltpu.VMEM((b_per_w,), jnp.int32),
            pltpu.VMEM((b_per_w, NUM_FACTORS), jnp.float32),
            pltpu.VMEM((b_per_w, NUM_FACTORS), jnp.float32),
            pltpu.VMEM((b_per_w, LANES), jnp.float32),
            pltpu.VMEM((b_per_w, LANES), jnp.float32),
            pltpu.VMEM((b_per_w,), jnp.float32),
            pltpu.SemaphoreType.DMA,
        ],
    )
    return run(user_id.astype(jnp.int32), item_id.astype(jnp.int32),
               user_emb, item_emb,
               user_bias.reshape(-1, LANES), item_bias.reshape(-1, LANES))

# --- scband reference (transcript-rebuilt; emitter-appended) ---
"""Pipeline reference for scband-matrix-factorization-3942779977774 (READ-ONLY COPY).

The authoritative reference and input builder live on the scoring server;
editing this copy changes nothing except your own understanding.
"""

import jax, jax.numpy as jnp
import numpy as np

NUM_USERS = 1000000
NUM_ITEMS = 100000
NUM_FACTORS = 32
BATCH = 16384

def setup_inputs(seed: int = 0) -> dict:
    key = jax.random.key(seed)
    k1, k2, k3, k4, k5, k6 = jax.random.split(key, 6)
    user_id = jax.random.randint(k1, (BATCH,), 0, NUM_USERS, dtype=jnp.int64) if jax.config.jax_enable_x64 else jax.random.randint(k1, (BATCH,), 0, NUM_USERS, dtype=jnp.int32)
    item_id = jax.random.randint(k2, (BATCH,), 0, NUM_ITEMS, dtype=jnp.int32)
    user_emb = jax.random.normal(k3, (NUM_USERS, NUM_FACTORS), dtype=jnp.float32)
    item_emb = jax.random.normal(k4, (NUM_ITEMS, NUM_FACTORS), dtype=jnp.float32)
    user_bias = jax.random.normal(k5, (NUM_USERS, 1), dtype=jnp.float32)
    item_bias = jax.random.normal(k6, (NUM_ITEMS, 1), dtype=jnp.float32)
    return {"user_id": user_id, "item_id": item_id, "user_emb": user_emb, "item_emb": item_emb, "user_bias": user_bias, "item_bias": item_bias}

def reference(user_id, item_id, user_emb, item_emb, user_bias, item_bias):
    user_feats = jnp.take(user_emb, user_id, axis=0)           # [B, F]
    item_feats = jnp.take(item_emb, item_id, axis=0)           # [B, F]
    u_bias = jnp.take(user_bias, user_id, axis=0)              # [B, 1]
    i_bias = jnp.take(item_bias, item_id, axis=0)              # [B, 1]
    outputs = (user_feats * item_feats).sum(axis=1) + jnp.squeeze(u_bias) + jnp.squeeze(i_bias)
    return outputs

if __name__ == "__main__":
    import jax
    _d = setup_inputs()
    print(jax.jit(kernel)(*tuple(_d.values())))

</pallas_src>

<mosaic_0001>
#map = affine_map<(d0, d1) -> (0)>
#map1 = affine_map<(d0, d1) -> (0, 0)>
module attributes {stable_mosaic.version = 14 : i64} {
  func.func @body(%arg0: i32, %arg1: i32, %arg2: memref<16384xi32, #tpu.memory_space<hbm>>, %arg3: memref<16384xi32, #tpu.memory_space<hbm>>, %arg4: memref<1000000x32xf32, #tpu.memory_space<hbm>>, %arg5: memref<100000x32xf32, #tpu.memory_space<hbm>>, %arg6: memref<62500x16xf32, #tpu.memory_space<hbm>>, %arg7: memref<6250x16xf32, #tpu.memory_space<hbm>>, %arg8: memref<16384xf32, #tpu.memory_space<hbm>>, %arg9: memref<512xi32, #tpu.memory_space<vmem>>, %arg10: memref<512xi32, #tpu.memory_space<vmem>>, %arg11: memref<512xi32, #tpu.memory_space<vmem>>, %arg12: memref<512xi32, #tpu.memory_space<vmem>>, %arg13: memref<512x32xf32, #tpu.memory_space<vmem>>, %arg14: memref<512x32xf32, #tpu.memory_space<vmem>>, %arg15: memref<512x16xf32, #tpu.memory_space<vmem>>, %arg16: memref<512x16xf32, #tpu.memory_space<vmem>>, %arg17: memref<512xf32, #tpu.memory_space<vmem>>, %arg18: memref<!tpu.dma_semaphore, #tpu.memory_space<semaphore_mem>>) attributes {dimension_semantics = [#tpu.dimension_semantics<core_parallel>, #tpu.dimension_semantics<subcore_parallel>], iteration_bounds = array<i64: 2, 16>, scalar_prefetch = 0 : i64, scratch_operands = 10 : i64, tpu.core_type = #tpu.core_type<sc_vector_subcore>, window_params = [{transform_indices = #map}, {transform_indices = #map}, {transform_indices = #map1}, {transform_indices = #map1}, {transform_indices = #map1}, {transform_indices = #map1}, {transform_indices = #map}]} {
    %mul3A = arith.constant 2 : i32
    %mul3A_0 = arith.muli %arg1, %mul3A : i32
    %add3A = arith.addi %mul3A_0, %arg0 : i32
    %mul3A_1 = arith.constant 512 : i32
    %mul3A_2 = arith.muli %add3A, %mul3A_1 : i32
    "tpu.region"() ({
      %run_scoped3A = tpu.sem_alloc : memref<!tpu.dma_semaphore, #tpu.memory_space<semaphore_mem>>
      %dma_start3A_269 = tpu.memref_slice %arg2[%mul3A_2] : memref<16384xi32, #tpu.memory_space<hbm>> -> memref<512xi32, #tpu.memory_space<hbm>>
      %dma_start3A_270 = tpu.memref_slice %arg2[%mul3A_2] : memref<16384xi32, #tpu.memory_space<hbm>> -> memref<512xi32, #tpu.memory_space<hbm>>
      tpu.enqueue_dma source(%dma_start3A_270 : memref<512xi32, #tpu.memory_space<hbm>>) target(%arg9 : memref<512xi32, #tpu.memory_space<vmem>>) target_semaphore(%run_scoped3A : memref<!tpu.dma_semaphore, #tpu.memory_space<semaphore_mem>>)
      %dma_wait3A_271 = tpu.memref_slice %arg2[%mul3A_2] : memref<16384xi32, #tpu.memory_space<hbm>> -> memref<512xi32, #tpu.memory_space<hbm>>
      %dma_wait3A_272 = tpu.memref_slice %arg2[%mul3A_2] : memref<16384xi32, #tpu.memory_space<hbm>> -> memref<512xi32, #tpu.memory_space<hbm>>
      tpu.wait_dma2 semaphore(%run_scoped3A : memref<!tpu.dma_semaphore, #tpu.memory_space<semaphore_mem>>) src(%dma_wait3A_272 : memref<512xi32, #tpu.memory_space<hbm>>) dst(%arg9 : memref<512xi32, #tpu.memory_space<vmem>>)
      tpu.yield
    }) : () -> ()
    "tpu.region"() ({
      %run_scoped3A = tpu.sem_alloc : memref<!tpu.dma_semaphore, #tpu.memory_space<semaphore_mem>>
      %dma_start3A_269 = tpu.memref_slice %arg3[%mul3A_2] : memref<16384xi32, #tpu.memory_space<hbm>> -> memref<512xi32, #tpu.memory_space<hbm>>
      %dma_start3A_270 = tpu.memref_slice %arg3[%mul3A_2] : memref<16384xi32, #tpu.memory_space<hbm>> -> memref<512xi32, #tpu.memory_space<hbm>>
      tpu.enqueue_dma source(%dma_start3A_270 : memref<512xi32, #tpu.memory_space<hbm>>) target(%arg10 : memref<512xi32, #tpu.memory_space<vmem>>) target_semaphore(%run_scoped3A : memref<!tpu.dma_semaphore, #tpu.memory_space<semaphore_mem>>)
      %dma_wait3A_271 = tpu.memref_slice %arg3[%mul3A_2] : memref<16384xi32, #tpu.memory_space<hbm>> -> memref<512xi32, #tpu.memory_space<hbm>>
      %dma_wait3A_272 = tpu.memref_slice %arg3[%mul3A_2] : memref<16384xi32, #tpu.memory_space<hbm>> -> memref<512xi32, #tpu.memory_space<hbm>>
      tpu.wait_dma2 semaphore(%run_scoped3A : memref<!tpu.dma_semaphore, #tpu.memory_space<semaphore_mem>>) src(%dma_wait3A_272 : memref<512xi32, #tpu.memory_space<hbm>>) dst(%arg10 : memref<512xi32, #tpu.memory_space<vmem>>)
      tpu.yield
    }) : () -> ()
    %scan3A = arith.constant 0 : i32
    %scan3A_3 = arith.constant 0 : i32
    %scan3A_4 = arith.constant 32 : i32
    %scan3A_5 = arith.addi %scan3A_3, %scan3A_4 : i32
    %scan3A_6 = arith.constant 1 : i32
    scf.for %scan3A_269 = %scan3A_3 to %scan3A_5 step %scan3A_6  : i32 {
      %mul3A_270 = arith.constant 16 : i32
      %mul3A_271 = arith.muli %scan3A_269, %mul3A_270 : i32
      %get3A = arith.index_cast %mul3A_271 : i32 to index
      %get3A_272 = tpu.vector_load %arg9[%get3A] {strides = array<i32>} : memref<512xi32, #tpu.memory_space<vmem>>, vector<16xi32>,
      %get3A_273 = vector.shape_cast %get3A_272 : vector<16xi32> to vector<16xi32>
      %shift_right_logical3A = arith.constant 4 : i32
      %shift_right_logical3A_274 = vector.broadcast %shift_right_logical3A : i32 to vector<16xi32>
      %shift_right_logical3A_275 = arith.shrui %get3A_273, %shift_right_logical3A_274 : vector<16xi32>
      %swap3A = arith.index_cast %mul3A_271 : i32 to index
      %swap3A_276 = tpu.vector_load %arg11[%swap3A] {strides = array<i32>} : memref<512xi32, #tpu.memory_space<vmem>>, vector<16xi32>,
      %swap3A_277 = vector.shape_cast %swap3A_276 : vector<16xi32> to vector<16xi32>
      %swap3A_278 = vector.shape_cast %shift_right_logical3A_275 : vector<16xi32> to vector<16xi32>
      tpu.vector_store %arg11[%swap3A], %swap3A_278 {strides = array<i32>} : memref<512xi32, #tpu.memory_space<vmem>>, vector<16xi32>,
      %get3A_279 = arith.index_cast %mul3A_271 : i32 to index
      %get3A_280 = tpu.vector_load %arg10[%get3A_279] {strides = array<i32>} : memref<512xi32, #tpu.memory_space<vmem>>, vector<16xi32>,
      %get3A_281 = vector.shape_cast %get3A_280 : vector<16xi32> to vector<16xi32>
      %shift_right_logical3A_282 = arith.constant 4 : i32
      %shift_right_logical3A_283 = vector.broadcast %shift_right_logical3A_282 : i32 to vector<16xi32>
      %shift_right_logical3A_284 = arith.shrui %get3A_281, %shift_right_logical3A_283 : vector<16xi32>
      %swap3A_285 = arith.index_cast %mul3A_271 : i32 to index
      %swap3A_286 = tpu.vector_load %arg12[%swap3A_285] {strides = array<i32>} : memref<512xi32, #tpu.memory_space<vmem>>, vector<16xi32>,
      %swap3A_287 = vector.shape_cast %swap3A_286 : vector<16xi32> to vector<16xi32>
      %swap3A_288 = vector.shape_cast %shift_right_logical3A_284 : vector<16xi32> to vector<16xi32>
      tpu.vector_store %arg12[%swap3A_285], %swap3A_288 {strides = array<i32>} : memref<512xi32, #tpu.memory_space<vmem>>, vector<16xi32>,
    }
    %scan3A_7 = arith.constant 32 : i32
    %dma_start3A = arith.constant 0 : i32
    %dma_start3A_8 = arith.constant 0 : i32
    %dma_start3A_9 = tpu.memref_slice %arg13[%dma_start3A, %dma_start3A_8] : memref<512x32xf32, #tpu.memory_space<vmem>> -> memref<128x32xf32, #tpu.memory_space<vmem>>
    %dma_start3A_10 = arith.constant 0 : i32
    %dma_start3A_11 = tpu.memref_slice %arg9[%dma_start3A_10] : memref<512xi32, #tpu.memory_space<vmem>> -> memref<128xi32, #tpu.memory_space<vmem>>
    %dma_start3A_12 = arith.constant 0 : i32
    %dma_start3A_13 = arith.constant 0 : i32
    %dma_start3A_14 = tpu.memref_slice %arg4[%dma_start3A_12, %dma_start3A_13] : memref<1000000x32xf32, #tpu.memory_space<hbm>> -> memref<1000000x32xf32, #tpu.memory_space<hbm>>
    tpu.enqueue_indirect_dma source(%dma_start3A_14 : memref<1000000x32xf32, #tpu.memory_space<hbm>>) target(%dma_start3A_9 : memref<128x32xf32, #tpu.memory_space<vmem>>) offsets(%dma_start3A_11 : memref<128xi32, #tpu.memory_space<vmem>>) semaphore(%arg18 : memref<!tpu.dma_semaphore, #tpu.memory_space<semaphore_mem>>)
    %dma_start3A_15 = arith.constant 0 : i32
    %dma_start3A_16 = arith.constant 0 : i32
    %dma_start3A_17 = tpu.memref_slice %arg14[%dma_start3A_15, %dma_start3A_16] : memref<512x32xf32, #tpu.memory_space<vmem>> -> memref<128x32xf32, #tpu.memory_space<vmem>>
    %dma_start3A_18 = arith.constant 0 : i32
    %dma_start3A_19 = tpu.memref_slice %arg10[%dma_start3A_18] : memref<512xi32, #tpu.memory_space<vmem>> -> memref<128xi32, #tpu.memory_space<vmem>>
    %dma_start3A_20 = arith.constant 0 : i32
    %dma_start3A_21 = arith.constant 0 : i32
    %dma_start3A_22 = tpu.memref_slice %arg5[%dma_start3A_20, %dma_start3A_21] : memref<100000x32xf32, #tpu.memory_space<hbm>> -> memref<100000x32xf32, #tpu.memory_space<hbm>>
    tpu.enqueue_indirect_dma source(%dma_start3A_22 : memref<100000x32xf32, #tpu.memory_space<hbm>>) target(%dma_start3A_17 : memref<128x32xf32, #tpu.memory_space<vmem>>) offsets(%dma_start3A_19 : memref<128xi32, #tpu.memory_space<vmem>>) semaphore(%arg18 : memref<!tpu.dma_semaphore, #tpu.memory_space<semaphore_mem>>)
    %dma_start3A_23 = arith.constant 0 : i32
    %dma_start3A_24 = arith.constant 0 : i32
    %dma_start3A_25 = tpu.memref_slice %arg15[%dma_start3A_23, %dma_start3A_24] : memref<512x16xf32, #tpu.memory_space<vmem>> -> memref<128x16xf32, #tpu.memory_space<vmem>>
    %dma_start3A_26 = arith.constant 0 : i32
    %dma_start3A_27 = tpu.memref_slice %arg11[%dma_start3A_26] : memref<512xi32, #tpu.memory_space<vmem>> -> memref<128xi32, #tpu.memory_space<vmem>>
    %dma_start3A_28 = arith.constant 0 : i32
    %dma_start3A_29 = arith.constant 0 : i32
    %dma_start3A_30 = tpu.memref_slice %arg6[%dma_start3A_28, %dma_start3A_29] : memref<62500x16xf32, #tpu.memory_space<hbm>> -> memref<62500x16xf32, #tpu.memory_space<hbm>>
    tpu.enqueue_indirect_dma source(%dma_start3A_30 : memref<62500x16xf32, #tpu.memory_space<hbm>>) target(%dma_start3A_25 : memref<128x16xf32, #tpu.memory_space<vmem>>) offsets(%dma_start3A_27 : memref<128xi32, #tpu.memory_space<vmem>>) semaphore(%arg18 : memref<!tpu.dma_semaphore, #tpu.memory_space<semaphore_mem>>)
    %dma_start3A_31 = arith.constant 0 : i32
    %dma_start3A_32 = arith.constant 0 : i32
    %dma_start3A_33 = tpu.memref_slice %arg16[%dma_start3A_31, %dma_start3A_32] : memref<512x16xf32, #tpu.memory_space<vmem>> -> memref<128x16xf32, #tpu.memory_space<vmem>>
    %dma_start3A_34 = arith.constant 0 : i32
    %dma_start3A_35 = tpu.memref_slice %arg12[%dma_start3A_34] : memref<512xi32, #tpu.memory_space<vmem>> -> memref<128xi32, #tpu.memory_space<vmem>>
    %dma_start3A_36 = arith.constant 0 : i32
    %dma_start3A_37 = arith.constant 0 : i32
    %dma_start3A_38 = tpu.memref_slice %arg7[%dma_start3A_36, %dma_start3A_37] : memref<6250x16xf32, #tpu.memory_space<hbm>> -> memref<6250x16xf32, #tpu.memory_space<hbm>>
    tpu.enqueue_indirect_dma source(%dma_start3A_38 : memref<6250x16xf32, #tpu.memory_space<hbm>>) target(%dma_start3A_33 : memref<128x16xf32, #tpu.memory_space<vmem>>) offsets(%dma_start3A_35 : memref<128xi32, #tpu.memory_space<vmem>>) semaphore(%arg18 : memref<!tpu.dma_semaphore, #tpu.memory_space<semaphore_mem>>)
    %dma_start3A_39 = arith.constant 128 : i32
    %dma_start3A_40 = arith.constant 0 : i32
    %dma_start3A_41 = tpu.memref_slice %arg13[%dma_start3A_39, %dma_start3A_40] : memref<512x32xf32, #tpu.memory_space<vmem>> -> memref<128x32xf32, #tpu.memory_space<vmem>>
    %dma_start3A_42 = arith.constant 128 : i32
    %dma_start3A_43 = tpu.memref_slice %arg9[%dma_start3A_42] : memref<512xi32, #tpu.memory_space<vmem>> -> memref<128xi32, #tpu.memory_space<vmem>>
    %dma_start3A_44 = arith.constant 0 : i32
    %dma_start3A_45 = arith.constant 0 : i32
    %dma_start3A_46 = tpu.memref_slice %arg4[%dma_start3A_44, %dma_start3A_45] : memref<1000000x32xf32, #tpu.memory_space<hbm>> -> memref<1000000x32xf32, #tpu.memory_space<hbm>>
    tpu.enqueue_indirect_dma source(%dma_start3A_46 : memref<1000000x32xf32, #tpu.memory_space<hbm>>) target(%dma_start3A_41 : memref<128x32xf32, #tpu.memory_space<vmem>>) offsets(%dma_start3A_43 : memref<128xi32, #tpu.memory_space<vmem>>) semaphore(%arg18 : memref<!tpu.dma_semaphore, #tpu.memory_space<semaphore_mem>>)
    %dma_start3A_47 = arith.constant 128 : i32
    %dma_start3A_48 = arith.constant 0 : i32
    %dma_start3A_49 = tpu.memref_slice %arg14[%dma_start3A_47, %dma_start3A_48] : memref<512x32xf32, #tpu.memory_space<vmem>> -> memref<128x32xf32, #tpu.memory_space<vmem>>
    %dma_start3A_50 = arith.constant 128 : i32
    %dma_start3A_51 = tpu.memref_slice %arg10[%dma_start3A_50] : memref<512xi32, #tpu.memory_space<vmem>> -> memref<128xi32, #tpu.memory_space<vmem>>
    %dma_start3A_52 = arith.constant 0 : i32
    %dma_start3A_53 = arith.constant 0 : i32
    %dma_start3A_54 = tpu.memref_slice %arg5[%dma_start3A_52, %dma_start3A_53] : memref<100000x32xf32, #tpu.memory_space<hbm>> -> memref<100000x32xf32, #tpu.memory_space<hbm>>
    tpu.enqueue_indirect_dma source(%dma_start3A_54 : memref<100000x32xf32, #tpu.memory_space<hbm>>) target(%dma_start3A_49 : memref<128x32xf32, #tpu.memory_space<vmem>>) offsets(%dma_start3A_51 : memref<128xi32, #tpu.memory_space<vmem>>) semaphore(%arg18 : memref<!tpu.dma_semaphore, #tpu.memory_space<semaphore_mem>>)
    %dma_start3A_55 = arith.constant 128 : i32
    %dma_start3A_56 = arith.constant 0 : i32
    %dma_start3A_57 = tpu.memref_slice %arg15[%dma_start3A_55, %dma_start3A_56] : memref<512x16xf32, #tpu.memory_space<vmem>> -> memref<128x16xf32, #tpu.memory_space<vmem>>
    %dma_start3A_58 = arith.constant 128 : i32
    %dma_start3A_59 = tpu.memref_slice %arg11[%dma_start3A_58] : memref<512xi32, #tpu.memory_space<vmem>> -> memref<128xi32, #tpu.memory_space<vmem>>
    %dma_start3A_60 = arith.constant 0 : i32
    %dma_start3A_61 = arith.constant 0 : i32
    %dma_start3A_62 = tpu.memref_slice %arg6[%dma_start3A_60, %dma_start3A_61] : memref<62500x16xf32, #tpu.memory_space<hbm>> -> memref<62500x16xf32, #tpu.memory_space<hbm>>
    tpu.enqueue_indirect_dma source(%dma_start3A_62 : memref<62500x16xf32, #tpu.memory_space<hbm>>) target(%dma_start3A_57 : memref<128x16xf32, #tpu.memory_space<vmem>>) offsets(%dma_start3A_59 : memref<128xi32, #tpu.memory_space<vmem>>) semaphore(%arg18 : memref<!tpu.dma_semaphore, #tpu.memory_space<semaphore_mem>>)
    %dma_start3A_63 = arith.constant 128 : i32
    %dma_start3A_64 = arith.constant 0 : i32
    %dma_start3A_65 = tpu.memref_slice %arg16[%dma_start3A_63, %dma_start3A_64] : memref<512x16xf32, #tpu.memory_space<vmem>> -> memref<128x16xf32, #tpu.memory_space<vmem>>
    %dma_start3A_66 = arith.constant 128 : i32
    %dma_start3A_67 = tpu.memref_slice %arg12[%dma_start3A_66] : memref<512xi32, #tpu.memory_space<vmem>> -> memref<128xi32, #tpu.memory_space<vmem>>
    %dma_start3A_68 = arith.constant 0 : i32
    %dma_start3A_69 = arith.constant 0 : i32
    %dma_start3A_70 = tpu.memref_slice %arg7[%dma_start3A_68, %dma_start3A_69] : memref<6250x16xf32, #tpu.memory_space<hbm>> -> memref<6250x16xf32, #tpu.memory_space<hbm>>
    tpu.enqueue_indirect_dma source(%dma_start3A_70 : memref<6250x16xf32, #tpu.memory_space<hbm>>) target(%dma_start3A_65 : memref<128x16xf32, #tpu.memory_space<vmem>>) offsets(%dma_start3A_67 : memref<128xi32, #tpu.memory_space<vmem>>) semaphore(%arg18 : memref<!tpu.dma_semaphore, #tpu.memory_space<semaphore_mem>>)
    %dma_start3A_71 = arith.constant 256 : i32
    %dma_start3A_72 = arith.constant 0 : i32
    %dma_start3A_73 = tpu.memref_slice %arg13[%dma_start3A_71, %dma_start3A_72] : memref<512x32xf32, #tpu.memory_space<vmem>> -> memref<128x32xf32, #tpu.memory_space<vmem>>
    %dma_start3A_74 = arith.constant 256 : i32
    %dma_start3A_75 = tpu.memref_slice %arg9[%dma_start3A_74] : memref<512xi32, #tpu.memory_space<vmem>> -> memref<128xi32, #tpu.memory_space<vmem>>
    %dma_start3A_76 = arith.constant 0 : i32
    %dma_start3A_77 = arith.constant 0 : i32
    %dma_start3A_78 = tpu.memref_slice %arg4[%dma_start3A_76, %dma_start3A_77] : memref<1000000x32xf32, #tpu.memory_space<hbm>> -> memref<1000000x32xf32, #tpu.memory_space<hbm>>
    tpu.enqueue_indirect_dma source(%dma_start3A_78 : memref<1000000x32xf32, #tpu.memory_space<hbm>>) target(%dma_start3A_73 : memref<128x32xf32, #tpu.memory_space<vmem>>) offsets(%dma_start3A_75 : memref<128xi32, #tpu.memory_space<vmem>>) semaphore(%arg18 : memref<!tpu.dma_semaphore, #tpu.memory_space<semaphore_mem>>)
    %dma_start3A_79 = arith.constant 256 : i32
    %dma_start3A_80 = arith.constant 0 : i32
    %dma_start3A_81 = tpu.memref_slice %arg14[%dma_start3A_79, %dma_start3A_80] : memref<512x32xf32, #tpu.memory_space<vmem>> -> memref<128x32xf32, #tpu.memory_space<vmem>>
    %dma_start3A_82 = arith.constant 256 : i32
    %dma_start3A_83 = tpu.memref_slice %arg10[%dma_start3A_82] : memref<512xi32, #tpu.memory_space<vmem>> -> memref<128xi32, #tpu.memory_space<vmem>>
    %dma_start3A_84 = arith.constant 0 : i32
    %dma_start3A_85 = arith.constant 0 : i32
    %dma_start3A_86 = tpu.memref_slice %arg5[%dma_start3A_84, %dma_start3A_85] : memref<100000x32xf32, #tpu.memory_space<hbm>> -> memref<100000x32xf32, #tpu.memory_space<hbm>>
    tpu.enqueue_indirect_dma source(%dma_start3A_86 : memref<100000x32xf32, #tpu.memory_space<hbm>>) target(%dma_start3A_81 : memref<128x32xf32, #tpu.memory_space<vmem>>) offsets(%dma_start3A_83 : memref<128xi32, #tpu.memory_space<vmem>>) semaphore(%arg18 : memref<!tpu.dma_semaphore, #tpu.memory_space<semaphore_mem>>)
    %dma_start3A_87 = arith.constant 256 : i32
    %dma_start3A_88 = arith.constant 0 : i32
    %dma_start3A_89 = tpu.memref_slice %arg15[%dma_start3A_87, %dma_start3A_88] : memref<512x16xf32, #tpu.memory_space<vmem>> -> memref<128x16xf32, #tpu.memory_space<vmem>>
    %dma_start3A_90 = arith.constant 256 : i32
    %dma_start3A_91 = tpu.memref_slice %arg11[%dma_start3A_90] : memref<512xi32, #tpu.memory_space<vmem>> -> memref<128xi32, #tpu.memory_space<vmem>>
    %dma_start3A_92 = arith.constant 0 : i32
    %dma_start3A_93 = arith.constant 0 : i32
    %dma_start3A_94 = tpu.memref_slice %arg6[%dma_start3A_92, %dma_start3A_93] : memref<62500x16xf32, #tpu.memory_space<hbm>> -> memref<62500x16xf32, #tpu.memory_space<hbm>>
    tpu.enqueue_indirect_dma source(%dma_start3A_94 : memref<62500x16xf32, #tpu.memory_space<hbm>>) target(%dma_start3A_89 : memref<128x16xf32, #tpu.memory_space<vmem>>) offsets(%dma_start3A_91 : memref<128xi32, #tpu.memory_space<vmem>>) semaphore(%arg18 : memref<!tpu.dma_semaphore, #tpu.memory_space<semaphore_mem>>)
    %dma_start3A_95 = arith.constant 256 : i32
    %dma_start3A_96 = arith.constant 0 : i32
    %dma_start3A_97 = tpu.memref_slice %arg16[%dma_start3A_95, %dma_start3A_96] : memref<512x16xf32, #tpu.memory_space<vmem>> -> memref<128x16xf32, #tpu.memory_space<vmem>>
    %dma_start3A_98 = arith.constant 256 : i32
    %dma_start3A_99 = tpu.memref_slice %arg12[%dma_start3A_98] : memref<512xi32, #tpu.memory_space<vmem>> -> memref<128xi32, #tpu.memory_space<vmem>>
    %dma_start3A_100 = arith.constant 0 : i32
    %dma_start3A_101 = arith.constant 0 : i32
    %dma_start3A_102 = tpu.memref_slice %arg7[%dma_start3A_100, %dma_start3A_101] : memref<6250x16xf32, #tpu.memory_space<hbm>> -> memref<6250x16xf32, #tpu.memory_space<hbm>>
    tpu.enqueue_indirect_dma source(%dma_start3A_102 : memref<6250x16xf32, #tpu.memory_space<hbm>>) target(%dma_start3A_97 : memref<128x16xf32, #tpu.memory_space<vmem>>) offsets(%dma_start3A_99 : memref<128xi32, #tpu.memory_space<vmem>>) semaphore(%arg18 : memref<!tpu.dma_semaphore, #tpu.memory_space<semaphore_mem>>)
    %dma_start3A_103 = arith.constant 384 : i32
    %dma_start3A_104 = arith.constant 0 : i32
    %dma_start3A_105 = tpu.memref_slice %arg13[%dma_start3A_103, %dma_start3A_104] : memref<512x32xf32, #tpu.memory_space<vmem>> -> memref<128x32xf32, #tpu.memory_space<vmem>>
    %dma_start3A_106 = arith.constant 384 : i32
    %dma_start3A_107 = tpu.memref_slice %arg9[%dma_start3A_106] : memref<512xi32, #tpu.memory_space<vmem>> -> memref<128xi32, #tpu.memory_space<vmem>>
    %dma_start3A_108 = arith.constant 0 : i32
    %dma_start3A_109 = arith.constant 0 : i32
    %dma_start3A_110 = tpu.memref_slice %arg4[%dma_start3A_108, %dma_start3A_109] : memref<1000000x32xf32, #tpu.memory_space<hbm>> -> memref<1000000x32xf32, #tpu.memory_space<hbm>>
    tpu.enqueue_indirect_dma source(%dma_start3A_110 : memref<1000000x32xf32, #tpu.memory_space<hbm>>) target(%dma_start3A_105 : memref<128x32xf32, #tpu.memory_space<vmem>>) offsets(%dma_start3A_107 : memref<128xi32, #tpu.memory_space<vmem>>) semaphore(%arg18 : memref<!tpu.dma_semaphore, #tpu.memory_space<semaphore_mem>>)
    %dma_start3A_111 = arith.constant 384 : i32
    %dma_start3A_112 = arith.constant 0 : i32
    %dma_start3A_113 = tpu.memref_slice %arg14[%dma_start3A_111, %dma_start3A_112] : memref<512x32xf32, #tpu.memory_space<vmem>> -> memref<128x32xf32, #tpu.memory_space<vmem>>
    %dma_start3A_114 = arith.constant 384 : i32
    %dma_start3A_115 = tpu.memref_slice %arg10[%dma_start3A_114] : memref<512xi32, #tpu.memory_space<vmem>> -> memref<128xi32, #tpu.memory_space<vmem>>
    %dma_start3A_116 = arith.constant 0 : i32
    %dma_start3A_117 = arith.constant 0 : i32
    %dma_start3A_118 = tpu.memref_slice %arg5[%dma_start3A_116, %dma_start3A_117] : memref<100000x32xf32, #tpu.memory_space<hbm>> -> memref<100000x32xf32, #tpu.memory_space<hbm>>
    tpu.enqueue_indirect_dma source(%dma_start3A_118 : memref<100000x32xf32, #tpu.memory_space<hbm>>) target(%dma_start3A_113 : memref<128x32xf32, #tpu.memory_space<vmem>>) offsets(%dma_start3A_115 : memref<128xi32, #tpu.memory_space<vmem>>) semaphore(%arg18 : memref<!tpu.dma_semaphore, #tpu.memory_space<semaphore_mem>>)
    %dma_start3A_119 = arith.constant 384 : i32
    %dma_start3A_120 = arith.constant 0 : i32
    %dma_start3A_121 = tpu.memref_slice %arg15[%dma_start3A_119, %dma_start3A_120] : memref<512x16xf32, #tpu.memory_space<vmem>> -> memref<128x16xf32, #tpu.memory_space<vmem>>
    %dma_start3A_122 = arith.constant 384 : i32
    %dma_start3A_123 = tpu.memref_slice %arg11[%dma_start3A_122] : memref<512xi32, #tpu.memory_space<vmem>> -> memref<128xi32, #tpu.memory_space<vmem>>
    %dma_start3A_124 = arith.constant 0 : i32
    %dma_start3A_125 = arith.constant 0 : i32
    %dma_start3A_126 = tpu.memref_slice %arg6[%dma_start3A_124, %dma_start3A_125] : memref<62500x16xf32, #tpu.memory_space<hbm>> -> memref<62500x16xf32, #tpu.memory_space<hbm>>
    tpu.enqueue_indirect_dma source(%dma_start3A_126 : memref<62500x16xf32, #tpu.memory_space<hbm>>) target(%dma_start3A_121 : memref<128x16xf32, #tpu.memory_space<vmem>>) offsets(%dma_start3A_123 : memref<128xi32, #tpu.memory_space<vmem>>) semaphore(%arg18 : memref<!tpu.dma_semaphore, #tpu.memory_space<semaphore_mem>>)
    %dma_start3A_127 = arith.constant 384 : i32
    %dma_start3A_128 = arith.constant 0 : i32
    %dma_start3A_129 = tpu.memref_slice %arg16[%dma_start3A_127, %dma_start3A_128] : memref<512x16xf32, #tpu.memory_space<vmem>> -> memref<128x16xf32, #tpu.memory_space<vmem>>
    %dma_start3A_130 = arith.constant 384 : i32
    %dma_start3A_131 = tpu.memref_slice %arg12[%dma_start3A_130] : memref<512xi32, #tpu.memory_space<vmem>> -> memref<128xi32, #tpu.memory_space<vmem>>
    %dma_start3A_132 = arith.constant 0 : i32
    %dma_start3A_133 = arith.constant 0 : i32
    %dma_start3A_134 = tpu.memref_slice %arg7[%dma_start3A_132, %dma_start3A_133] : memref<6250x16xf32, #tpu.memory_space<hbm>> -> memref<6250x16xf32, #tpu.memory_space<hbm>>
    tpu.enqueue_indirect_dma source(%dma_start3A_134 : memref<6250x16xf32, #tpu.memory_space<hbm>>) target(%dma_start3A_129 : memref<128x16xf32, #tpu.memory_space<vmem>>) offsets(%dma_start3A_131 : memref<128xi32, #tpu.memory_space<vmem>>) semaphore(%arg18 : memref<!tpu.dma_semaphore, #tpu.memory_space<semaphore_mem>>)
    %dma_wait3A = arith.constant 0 : i32
    %dma_wait3A_135 = arith.constant 0 : i32
    %dma_wait3A_136 = tpu.memref_slice %arg13[%dma_wait3A, %dma_wait3A_135] : memref<512x32xf32, #tpu.memory_space<vmem>> -> memref<128x32xf32, #tpu.memory_space<vmem>>
    %dma_wait3A_137 = arith.constant 0 : i32
    %dma_wait3A_138 = tpu.memref_slice %arg9[%dma_wait3A_137] : memref<512xi32, #tpu.memory_space<vmem>> -> memref<128xi32, #tpu.memory_space<vmem>>
    %dma_wait3A_139 = arith.constant 0 : i32
    %dma_wait3A_140 = arith.constant 0 : i32
    %dma_wait3A_141 = tpu.memref_slice %arg4[%dma_wait3A_139, %dma_wait3A_140] : memref<1000000x32xf32, #tpu.memory_space<hbm>> -> memref<1000000x32xf32, #tpu.memory_space<hbm>>
    tpu.wait_indirect_dma semaphore(%arg18 : memref<!tpu.dma_semaphore, #tpu.memory_space<semaphore_mem>>) src(%dma_wait3A_141 : memref<1000000x32xf32, #tpu.memory_space<hbm>>) dst(%dma_wait3A_136 : memref<128x32xf32, #tpu.memory_space<vmem>>)
    %dma_wait3A_142 = arith.constant 0 : i32
    %dma_wait3A_143 = arith.constant 0 : i32
    %dma_wait3A_144 = tpu.memref_slice %arg14[%dma_wait3A_142, %dma_wait3A_143] : memref<512x32xf32, #tpu.memory_space<vmem>> -> memref<128x32xf32, #tpu.memory_space<vmem>>
    %dma_wait3A_145 = arith.constant 0 : i32
    %dma_wait3A_146 = tpu.memref_slice %arg10[%dma_wait3A_145] : memref<512xi32, #tpu.memory_space<vmem>> -> memref<128xi32, #tpu.memory_space<vmem>>
    %dma_wait3A_147 = arith.constant 0 : i32
    %dma_wait3A_148 = arith.constant 0 : i32
    %dma_wait3A_149 = tpu.memref_slice %arg5[%dma_wait3A_147, %dma_wait3A_148] : memref<100000x32xf32, #tpu.memory_space<hbm>> -> memref<100000x32xf32, #tpu.memory_space<hbm>>
    tpu.wait_indirect_dma semaphore(%arg18 : memref<!tpu.dma_semaphore, #tpu.memory_space<semaphore_mem>>) src(%dma_wait3A_149 : memref<100000x32xf32, #tpu.memory_space<hbm>>) dst(%dma_wait3A_144 : memref<128x32xf32, #tpu.memory_space<vmem>>)
    %dma_wait3A_150 = arith.constant 0 : i32
    %dma_wait3A_151 = arith.constant 0 : i32
    %dma_wait3A_152 = tpu.memref_slice %arg15[%dma_wait3A_150, %dma_wait3A_151] : memref<512x16xf32, #tpu.memory_space<vmem>> -> memref<128x16xf32, #tpu.memory_space<vmem>>
    %dma_wait3A_153 = arith.constant 0 : i32
    %dma_wait3A_154 = tpu.memref_slice %arg11[%dma_wait3A_153] : memref<512xi32, #tpu.memory_space<vmem>> -> memref<128xi32, #tpu.memory_space<vmem>>
    %dma_wait3A_155 = arith.constant 0 : i32
    %dma_wait3A_156 = arith.constant 0 : i32
    %dma_wait3A_157 = tpu.memref_slice %arg6[%dma_wait3A_155, %dma_wait3A_156] : memref<62500x16xf32, #tpu.memory_space<hbm>> -> memref<62500x16xf32, #tpu.memory_space<hbm>>
    tpu.wait_indirect_dma semaphore(%arg18 : memref<!tpu.dma_semaphore, #tpu.memory_space<semaphore_mem>>) src(%dma_wait3A_157 : memref<62500x16xf32, #tpu.memory_space<hbm>>) dst(%dma_wait3A_152 : memref<128x16xf32, #tpu.memory_space<vmem>>)
    %dma_wait3A_158 = arith.constant 0 : i32
    %dma_wait3A_159 = arith.constant 0 : i32
    %dma_wait3A_160 = tpu.memref_slice %arg16[%dma_wait3A_158, %dma_wait3A_159] : memref<512x16xf32, #tpu.memory_space<vmem>> -> memref<128x16xf32, #tpu.memory_space<vmem>>
    %dma_wait3A_161 = arith.constant 0 : i32
    %dma_wait3A_162 = tpu.memref_slice %arg12[%dma_wait3A_161] : memref<512xi32, #tpu.memory_space<vmem>> -> memref<128xi32, #tpu.memory_space<vmem>>
    %dma_wait3A_163 = arith.constant 0 : i32
    %dma_wait3A_164 = arith.constant 0 : i32
    %dma_wait3A_165 = tpu.memref_slice %arg7[%dma_wait3A_163, %dma_wait3A_164] : memref<6250x16xf32, #tpu.memory_space<hbm>> -> memref<6250x16xf32, #tpu.memory_space<hbm>>
    tpu.wait_indirect_dma semaphore(%arg18 : memref<!tpu.dma_semaphore, #tpu.memory_space<semaphore_mem>>) src(%dma_wait3A_165 : memref<6250x16xf32, #tpu.memory_space<hbm>>) dst(%dma_wait3A_160 : memref<128x16xf32, #tpu.memory_space<vmem>>)
    %dma_wait3A_166 = arith.constant 128 : i32
    %dma_wait3A_167 = arith.constant 0 : i32
    %dma_wait3A_168 = tpu.memref_slice %arg13[%dma_wait3A_166, %dma_wait3A_167] : memref<512x32xf32, #tpu.memory_space<vmem>> -> memref<128x32xf32, #tpu.memory_space<vmem>>
    %dma_wait3A_169 = arith.constant 128 : i32
    %dma_wait3A_170 = tpu.memref_slice %arg9[%dma_wait3A_169] : memref<512xi32, #tpu.memory_space<vmem>> -> memref<128xi32, #tpu.memory_space<vmem>>
    %dma_wait3A_171 = arith.constant 0 : i32
    %dma_wait3A_172 = arith.constant 0 : i32
    %dma_wait3A_173 = tpu.memref_slice %arg4[%dma_wait3A_171, %dma_wait3A_172] : memref<1000000x32xf32, #tpu.memory_space<hbm>> -> memref<1000000x32xf32, #tpu.memory_space<hbm>>
    tpu.wait_indirect_dma semaphore(%arg18 : memref<!tpu.dma_semaphore, #tpu.memory_space<semaphore_mem>>) src(%dma_wait3A_173 : memref<1000000x32xf32, #tpu.memory_space<hbm>>) dst(%dma_wait3A_168 : memref<128x32xf32, #tpu.memory_space<vmem>>)
    %dma_wait3A_174 = arith.constant 128 : i32
    %dma_wait3A_175 = arith.constant 0 : i32
    %dma_wait3A_176 = tpu.memref_slice %arg14[%dma_wait3A_174, %dma_wait3A_175] : memref<512x32xf32, #tpu.memory_space<vmem>> -> memref<128x32xf32, #tpu.memory_space<vmem>>
    %dma_wait3A_177 = arith.constant 128 : i32
    %dma_wait3A_178 = tpu.memref_slice %arg10[%dma_wait3A_177] : memref<512xi32, #tpu.memory_space<vmem>> -> memref<128xi32, #tpu.memory_space<vmem>>
    %dma_wait3A_179 = arith.constant 0 : i32
    %dma_wait3A_180 = arith.constant 0 : i32
    %dma_wait3A_181 = tpu.memref_slice %arg5[%dma_wait3A_179, %dma_wait3A_180] : memref<100000x32xf32, #tpu.memory_space<hbm>> -> memref<100000x32xf32, #tpu.memory_space<hbm>>
    tpu.wait_indirect_dma semaphore(%arg18 : memref<!tpu.dma_semaphore, #tpu.memory_space<semaphore_mem>>) src(%dma_wait3A_181 : memref<100000x32xf32, #tpu.memory_space<hbm>>) dst(%dma_wait3A_176 : memref<128x32xf32, #tpu.memory_space<vmem>>)
    %dma_wait3A_182 = arith.constant 128 : i32
    %dma_wait3A_183 = arith.constant 0 : i32
    %dma_wait3A_184 = tpu.memref_slice %arg15[%dma_wait3A_182, %dma_wait3A_183] : memref<512x16xf32, #tpu.memory_space<vmem>> -> memref<128x16xf32, #tpu.memory_space<vmem>>
    %dma_wait3A_185 = arith.constant 128 : i32
    %dma_wait3A_186 = tpu.memref_slice %arg11[%dma_wait3A_185] : memref<512xi32, #tpu.memory_space<vmem>> -> memref<128xi32, #tpu.memory_space<vmem>>
    %dma_wait3A_187 = arith.constant 0 : i32
    %dma_wait3A_188 = arith.constant 0 : i32
    %dma_wait3A_189 = tpu.memref_slice %arg6[%dma_wait3A_187, %dma_wait3A_188] : memref<62500x16xf32, #tpu.memory_space<hbm>> -> memref<62500x16xf32, #tpu.memory_space<hbm>>
    tpu.wait_indirect_dma semaphore(%arg18 : memref<!tpu.dma_semaphore, #tpu.memory_space<semaphore_mem>>) src(%dma_wait3A_189 : memref<62500x16xf32, #tpu.memory_space<hbm>>) dst(%dma_wait3A_184 : memref<128x16xf32, #tpu.memory_space<vmem>>)
    %dma_wait3A_190 = arith.constant 128 : i32
    %dma_wait3A_191 = arith.constant 0 : i32
    %dma_wait3A_192 = tpu.memref_slice %arg16[%dma_wait3A_190, %dma_wait3A_191] : memref<512x16xf32, #tpu.memory_space<vmem>> -> memref<128x16xf32, #tpu.memory_space<vmem>>
    %dma_wait3A_193 = arith.constant 128 : i32
    %dma_wait3A_194 = tpu.memref_slice %arg12[%dma_wait3A_193] : memref<512xi32, #tpu.memory_space<vmem>> -> memref<128xi32, #tpu.memory_space<vmem>>
    %dma_wait3A_195 = arith.constant 0 : i32
    %dma_wait3A_196 = arith.constant 0 : i32
    %dma_wait3A_197 = tpu.memref_slice %arg7[%dma_wait3A_195, %dma_wait3A_196] : memref<6250x16xf32, #tpu.memory_space<hbm>> -> memref<6250x16xf32, #tpu.memory_space<hbm>>
    tpu.wait_indirect_dma semaphore(%arg18 : memref<!tpu.dma_semaphore, #tpu.memory_space<semaphore_mem>>) src(%dma_wait3A_197 : memref<6250x16xf32, #tpu.memory_space<hbm>>) dst(%dma_wait3A_192 : memref<128x16xf32, #tpu.memory_space<vmem>>)
    %dma_wait3A_198 = arith.constant 256 : i32
    %dma_wait3A_199 = arith.constant 0 : i32
    %dma_wait3A_200 = tpu.memref_slice %arg13[%dma_wait3A_198, %dma_wait3A_199] : memref<512x32xf32, #tpu.memory_space<vmem>> -> memref<128x32xf32, #tpu.memory_space<vmem>>
    %dma_wait3A_201 = arith.constant 256 : i32
    %dma_wait3A_202 = tpu.memref_slice %arg9[%dma_wait3A_201] : memref<512xi32, #tpu.memory_space<vmem>> -> memref<128xi32, #tpu.memory_space<vmem>>
    %dma_wait3A_203 = arith.constant 0 : i32
    %dma_wait3A_204 = arith.constant 0 : i32
    %dma_wait3A_205 = tpu.memref_slice %arg4[%dma_wait3A_203, %dma_wait3A_204] : memref<1000000x32xf32, #tpu.memory_space<hbm>> -> memref<1000000x32xf32, #tpu.memory_space<hbm>>
    tpu.wait_indirect_dma semaphore(%arg18 : memref<!tpu.dma_semaphore, #tpu.memory_space<semaphore_mem>>) src(%dma_wait3A_205 : memref<1000000x32xf32, #tpu.memory_space<hbm>>) dst(%dma_wait3A_200 : memref<128x32xf32, #tpu.memory_space<vmem>>)
    %dma_wait3A_206 = arith.constant 256 : i32
    %dma_wait3A_207 = arith.constant 0 : i32
    %dma_wait3A_208 = tpu.memref_slice %arg14[%dma_wait3A_206, %dma_wait3A_207] : memref<512x32xf32, #tpu.memory_space<vmem>> -> memref<128x32xf32, #tpu.memory_space<vmem>>
    %dma_wait3A_209 = arith.constant 256 : i32
    %dma_wait3A_210 = tpu.memref_slice %arg10[%dma_wait3A_209] : memref<512xi32, #tpu.memory_space<vmem>> -> memref<128xi32, #tpu.memory_space<vmem>>
    %dma_wait3A_211 = arith.constant 0 : i32
    %dma_wait3A_212 = arith.constant 0 : i32
    %dma_wait3A_213 = tpu.memref_slice %arg5[%dma_wait3A_211, %dma_wait3A_212] : memref<100000x32xf32, #tpu.memory_space<hbm>> -> memref<100000x32xf32, #tpu.memory_space<hbm>>
    tpu.wait_indirect_dma semaphore(%arg18 : memref<!tpu.dma_semaphore, #tpu.memory_space<semaphore_mem>>) src(%dma_wait3A_213 : memref<100000x32xf32, #tpu.memory_space<hbm>>) dst(%dma_wait3A_208 : memref<128x32xf32, #tpu.memory_space<vmem>>)
    %dma_wait3A_214 = arith.constant 256 : i32
    %dma_wait3A_215 = arith.constant 0 : i32
    %dma_wait3A_216 = tpu.memref_slice %arg15[%dma_wait3A_214, %dma_wait3A_215] : memref<512x16xf32, #tpu.memory_space<vmem>> -> memref<128x16xf32, #tpu.memory_space<vmem>>
    %dma_wait3A_217 = arith.constant 256 : i32
    %dma_wait3A_218 = tpu.memref_slice %arg11[%dma_wait3A_217] : memref<512xi32, #tpu.memory_space<vmem>> -> memref<128xi32, #tpu.memory_space<vmem>>
    %dma_wait3A_219 = arith.constant 0 : i32
    %dma_wait3A_220 = arith.constant 0 : i32
    %dma_wait3A_221 = tpu.memref_slice %arg6[%dma_wait3A_219, %dma_wait3A_220] : memref<62500x16xf32, #tpu.memory_space<hbm>> -> memref<62500x16xf32, #tpu.memory_space<hbm>>
    tpu.wait_indirect_dma semaphore(%arg18 : memref<!tpu.dma_semaphore, #tpu.memory_space<semaphore_mem>>) src(%dma_wait3A_221 : memref<62500x16xf32, #tpu.memory_space<hbm>>) dst(%dma_wait3A_216 : memref<128x16xf32, #tpu.memory_space<vmem>>)
    %dma_wait3A_222 = arith.constant 256 : i32
    %dma_wait3A_223 = arith.constant 0 : i32
    %dma_wait3A_224 = tpu.memref_slice %arg16[%dma_wait3A_222, %dma_wait3A_223] : memref<512x16xf32, #tpu.memory_space<vmem>> -> memref<128x16xf32, #tpu.memory_space<vmem>>
    %dma_wait3A_225 = arith.constant 256 : i32
    %dma_wait3A_226 = tpu.memref_slice %arg12[%dma_wait3A_225] : memref<512xi32, #tpu.memory_space<vmem>> -> memref<128xi32, #tpu.memory_space<vmem>>
    %dma_wait3A_227 = arith.constant 0 : i32
    %dma_wait3A_228 = arith.constant 0 : i32
    %dma_wait3A_229 = tpu.memref_slice %arg7[%dma_wait3A_227, %dma_wait3A_228] : memref<6250x16xf32, #tpu.memory_space<hbm>> -> memref<6250x16xf32, #tpu.memory_space<hbm>>
    tpu.wait_indirect_dma semaphore(%arg18 : memref<!tpu.dma_semaphore, #tpu.memory_space<semaphore_mem>>) src(%dma_wait3A_229 : memref<6250x16xf32, #tpu.memory_space<hbm>>) dst(%dma_wait3A_224 : memref<128x16xf32, #tpu.memory_space<vmem>>)
    %dma_wait3A_230 = arith.constant 384 : i32
    %dma_wait3A_231 = arith.constant 0 : i32
    %dma_wait3A_232 = tpu.memref_slice %arg13[%dma_wait3A_230, %dma_wait3A_231] : memref<512x32xf32, #tpu.memory_space<vmem>> -> memref<128x32xf32, #tpu.memory_space<vmem>>
    %dma_wait3A_233 = arith.constant 384 : i32
    %dma_wait3A_234 = tpu.memref_slice %arg9[%dma_wait3A_233] : memref<512xi32, #tpu.memory_space<vmem>> -> memref<128xi32, #tpu.memory_space<vmem>>
    %dma_wait3A_235 = arith.constant 0 : i32
    %dma_wait3A_236 = arith.constant 0 : i32
    %dma_wait3A_237 = tpu.memref_slice %arg4[%dma_wait3A_235, %dma_wait3A_236] : memref<1000000x32xf32, #tpu.memory_space<hbm>> -> memref<1000000x32xf32, #tpu.memory_space<hbm>>
    tpu.wait_indirect_dma semaphore(%arg18 : memref<!tpu.dma_semaphore, #tpu.memory_space<semaphore_mem>>) src(%dma_wait3A_237 : memref<1000000x32xf32, #tpu.memory_space<hbm>>) dst(%dma_wait3A_232 : memref<128x32xf32, #tpu.memory_space<vmem>>)
    %dma_wait3A_238 = arith.constant 384 : i32
    %dma_wait3A_239 = arith.constant 0 : i32
    %dma_wait3A_240 = tpu.memref_slice %arg14[%dma_wait3A_238, %dma_wait3A_239] : memref<512x32xf32, #tpu.memory_space<vmem>> -> memref<128x32xf32, #tpu.memory_space<vmem>>
    %dma_wait3A_241 = arith.constant 384 : i32
    %dma_wait3A_242 = tpu.memref_slice %arg10[%dma_wait3A_241] : memref<512xi32, #tpu.memory_space<vmem>> -> memref<128xi32, #tpu.memory_space<vmem>>
    %dma_wait3A_243 = arith.constant 0 : i32
    %dma_wait3A_244 = arith.constant 0 : i32
    %dma_wait3A_245 = tpu.memref_slice %arg5[%dma_wait3A_243, %dma_wait3A_244] : memref<100000x32xf32, #tpu.memory_space<hbm>> -> memref<100000x32xf32, #tpu.memory_space<hbm>>
    tpu.wait_indirect_dma semaphore(%arg18 : memref<!tpu.dma_semaphore, #tpu.memory_space<semaphore_mem>>) src(%dma_wait3A_245 : memref<100000x32xf32, #tpu.memory_space<hbm>>) dst(%dma_wait3A_240 : memref<128x32xf32, #tpu.memory_space<vmem>>)
    %dma_wait3A_246 = arith.constant 384 : i32
    %dma_wait3A_247 = arith.constant 0 : i32
    %dma_wait3A_248 = tpu.memref_slice %arg15[%dma_wait3A_246, %dma_wait3A_247] : memref<512x16xf32, #tpu.memory_space<vmem>> -> memref<128x16xf32, #tpu.memory_space<vmem>>
    %dma_wait3A_249 = arith.constant 384 : i32
    %dma_wait3A_250 = tpu.memref_slice %arg11[%dma_wait3A_249] : memref<512xi32, #tpu.memory_space<vmem>> -> memref<128xi32, #tpu.memory_space<vmem>>
    %dma_wait3A_251 = arith.constant 0 : i32
    %dma_wait3A_252 = arith.constant 0 : i32
    %dma_wait3A_253 = tpu.memref_slice %arg6[%dma_wait3A_251, %dma_wait3A_252] : memref<62500x16xf32, #tpu.memory_space<hbm>> -> memref<62500x16xf32, #tpu.memory_space<hbm>>
    tpu.wait_indirect_dma semaphore(%arg18 : memref<!tpu.dma_semaphore, #tpu.memory_space<semaphore_mem>>) src(%dma_wait3A_253 : memref<62500x16xf32, #tpu.memory_space<hbm>>) dst(%dma_wait3A_248 : memref<128x16xf32, #tpu.memory_space<vmem>>)
    %dma_wait3A_254 = arith.constant 384 : i32
    %dma_wait3A_255 = arith.constant 0 : i32
    %dma_wait3A_256 = tpu.memref_slice %arg16[%dma_wait3A_254, %dma_wait3A_255] : memref<512x16xf32, #tpu.memory_space<vmem>> -> memref<128x16xf32, #tpu.memory_space<vmem>>
    %dma_wait3A_257 = arith.constant 384 : i32
    %dma_wait3A_258 = tpu.memref_slice %arg12[%dma_wait3A_257] : memref<512xi32, #tpu.memory_space<vmem>> -> memref<128xi32, #tpu.memory_space<vmem>>
    %dma_wait3A_259 = arith.constant 0 : i32
    %dma_wait3A_260 = arith.constant 0 : i32
    %dma_wait3A_261 = tpu.memref_slice %arg7[%dma_wait3A_259, %dma_wait3A_260] : memref<6250x16xf32, #tpu.memory_space<hbm>> -> memref<6250x16xf32, #tpu.memory_space<hbm>>
    tpu.wait_indirect_dma semaphore(%arg18 : memref<!tpu.dma_semaphore, #tpu.memory_space<semaphore_mem>>) src(%dma_wait3A_261 : memref<6250x16xf32, #tpu.memory_space<hbm>>) dst(%dma_wait3A_256 : memref<128x16xf32, #tpu.memory_space<vmem>>)
    %iota3A = tpu.iota {dimensions = array<i32: 0>} : vector<16xi32>
    %broadcast_in_dim3A = arith.constant 0.000000e+00 : f32
    %broadcast_in_dim3A_262 = vector.broadcast %broadcast_in_dim3A : f32 to vector<16xf32>
    %scan3A_263 = arith.constant 0 : i32
    %scan3A_264 = arith.constant 0 : i32
    %scan3A_265 = arith.constant 32 : i32
    %scan3A_266 = arith.addi %scan3A_264, %scan3A_265 : i32
    %scan3A_267 = arith.constant 1 : i32
    scf.for %scan3A_269 = %scan3A_264 to %scan3A_266 step %scan3A_267  : i32 {
      %mul3A_270 = arith.constant 16 : i32
      %mul3A_271 = arith.muli %scan3A_269, %mul3A_270 : i32
      %get3A = arith.index_cast %mul3A_271 : i32 to index
      %get3A_272 = tpu.vector_load %arg9[%get3A] {strides = array<i32>} : memref<512xi32, #tpu.memory_space<vmem>>, vector<16xi32>,
      %get3A_273 = vector.shape_cast %get3A_272 : vector<16xi32> to vector<16xi32>
      %and3A = arith.constant 15 : i32
      %and3A_274 = vector.broadcast %and3A : i32 to vector<16xi32>
      %and3A_275 = arith.andi %get3A_273, %and3A_274 : vector<16xi32>
      %get3A_276 = arith.index_cast %mul3A_271 : i32 to index
      %get3A_277 = tpu.vector_load %arg10[%get3A_276] {strides = array<i32>} : memref<512xi32, #tpu.memory_space<vmem>>, vector<16xi32>,
      %get3A_278 = vector.shape_cast %get3A_277 : vector<16xi32> to vector<16xi32>
      %and3A_279 = arith.constant 15 : i32
      %and3A_280 = vector.broadcast %and3A_279 : i32 to vector<16xi32>
      %and3A_281 = arith.andi %get3A_278, %and3A_280 : vector<16xi32>
      %mul3A_282 = arith.constant 16 : i32
      %mul3A_283 = arith.muli %scan3A_269, %mul3A_282 : i32
      %add3A_284 = arith.constant 0 : i32
      %add3A_285 = arith.addi %mul3A_283, %add3A_284 : i32
      %get3A_286 = arith.index_cast %add3A_285 : i32 to index
      %get3A_287 = arith.constant 0 : index
      %get3A_288 = tpu.vector_load %arg13[%get3A_286, %get3A_287] {strides = array<i32>} : memref<512x32xf32, #tpu.memory_space<vmem>>, vector<1x16xf32>,
      %get3A_289 = vector.shape_cast %get3A_288 : vector<1x16xf32> to vector<16xf32>
      %get3A_290 = arith.index_cast %add3A_285 : i32 to index
      %get3A_291 = arith.constant 0 : index
      %get3A_292 = tpu.vector_load %arg14[%get3A_290, %get3A_291] {strides = array<i32>} : memref<512x32xf32, #tpu.memory_space<vmem>>, vector<1x16xf32>,
      %get3A_293 = vector.shape_cast %get3A_292 : vector<1x16xf32> to vector<16xf32>
      %mul3A_294 = arith.mulf %get3A_289, %get3A_293 : vector<16xf32>
      %get3A_295 = arith.index_cast %add3A_285 : i32 to index
      %get3A_296 = arith.constant 16 : index
      %get3A_297 = tpu.vector_load %arg13[%get3A_295, %get3A_296] {strides = array<i32>} : memref<512x32xf32, #tpu.memory_space<vmem>>, vector<1x16xf32>,
      %get3A_298 = vector.shape_cast %get3A_297 : vector<1x16xf32> to vector<16xf32>
      %get3A_299 = arith.index_cast %add3A_285 : i32 to index
      %get3A_300 = arith.constant 16 : index
      %get3A_301 = tpu.vector_load %arg14[%get3A_299, %get3A_300] {strides = array<i32>} : memref<512x32xf32, #tpu.memory_space<vmem>>, vector<1x16xf32>,
      %get3A_302 = vector.shape_cast %get3A_301 : vector<1x16xf32> to vector<16xf32>
      %mul3A_303 = arith.mulf %get3A_298, %get3A_302 : vector<16xf32>
      %add3A_304 = arith.addf %mul3A_294, %mul3A_303 : vector<16xf32>
      %slice3A = vector.extract_strided_slice %and3A_275 {offsets = [0], sizes = [1], strides = [1]} : vector<16xi32> to vector<1xi32>
      %squeeze3A = vector.extract %slice3A[0] : i32 from vector<1xi32>
      %eq3A = vector.broadcast %squeeze3A : i32 to vector<16xi32>
      %eq3A_305 = arith.cmpi eq, %iota3A, %eq3A : vector<16xi32>
      %get3A_306 = arith.index_cast %add3A_285 : i32 to index
      %get3A_307 = arith.constant 0 : index
      %get3A_308 = tpu.vector_load %arg15[%get3A_306, %get3A_307] {strides = array<i32>} : memref<512x16xf32, #tpu.memory_space<vmem>>, vector<1x16xf32>,
      %get3A_309 = vector.shape_cast %get3A_308 : vector<1x16xf32> to vector<16xf32>
      %select_n3A = arith.select %eq3A_305, %get3A_309, %broadcast_in_dim3A_262 : vector<16xi1>, vector<16xf32>
      %add3A_310 = arith.addf %add3A_304, %select_n3A : vector<16xf32>
      %slice3A_311 = vector.extract_strided_slice %and3A_281 {offsets = [0], sizes = [1], strides = [1]} : vector<16xi32> to vector<1xi32>
      %squeeze3A_312 = vector.extract %slice3A_311[0] : i32 from vector<1xi32>
      %eq3A_313 = vector.broadcast %squeeze3A_312 : i32 to vector<16xi32>
      %eq3A_314 = arith.cmpi eq, %iota3A, %eq3A_313 : vector<16xi32>
      %get3A_315 = arith.index_cast %add3A_285 : i32 to index
      %get3A_316 = arith.constant 0 : index
      %get3A_317 = tpu.vector_load %arg16[%get3A_315, %get3A_316] {strides = array<i32>} : memref<512x16xf32, #tpu.memory_space<vmem>>, vector<1x16xf32>,
      %get3A_318 = vector.shape_cast %get3A_317 : vector<1x16xf32> to vector<16xf32>
      %select_n3A_319 = arith.select %eq3A_314, %get3A_318, %broadcast_in_dim3A_262 : vector<16xi1>, vector<16xf32>
      %add3A_320 = arith.addf %add3A_310, %select_n3A_319 : vector<16xf32>
      %xor3A = arith.constant 1 : i32
      %xor3A_321 = vector.broadcast %xor3A : i32 to vector<16xi32>
      %xor3A_322 = arith.xori %iota3A, %xor3A_321 : vector<16xi32>
      %lt3A = arith.constant 0 : i32
      %lt3A_323 = vector.broadcast %lt3A : i32 to vector<16xi32>
      %lt3A_324 = arith.cmpi slt, %xor3A_322, %lt3A_323 : vector<16xi32>
      %add3A_325 = arith.constant 16 : i32
      %add3A_326 = vector.broadcast %add3A_325 : i32 to vector<16xi32>
      %add3A_327 = arith.addi %xor3A_322, %add3A_326 : vector<16xi32>
      %select_n3A_328 = arith.select %lt3A_324, %add3A_327, %xor3A_322 : vector<16xi1>, vector<16xi32>
      %broadcast_in_dim3A_329 = vector.shape_cast %select_n3A_328 : vector<16xi32> to vector<16x1xi32>
      %gather3A = vector.shape_cast %broadcast_in_dim3A_329 : vector<16x1xi32> to vector<16xi32>
      %gather3A_330 = tpu.dynamic_gather %add3A_320[%gather3A] in [0] : vector<16xf32>, vector<16xi32> -> vector<16xf32>
      %add3A_331 = arith.addf %add3A_320, %gather3A_330 : vector<16xf32>
      %xor3A_332 = arith.constant 2 : i32
      %xor3A_333 = vector.broadcast %xor3A_332 : i32 to vector<16xi32>
      %xor3A_334 = arith.xori %iota3A, %xor3A_333 : vector<16xi32>
      %lt3A_335 = arith.constant 0 : i32
      %lt3A_336 = vector.broadcast %lt3A_335 : i32 to vector<16xi32>
      %lt3A_337 = arith.cmpi slt, %xor3A_334, %lt3A_336 : vector<16xi32>
      %add3A_338 = arith.constant 16 : i32
      %add3A_339 = vector.broadcast %add3A_338 : i32 to vector<16xi32>
      %add3A_340 = arith.addi %xor3A_334, %add3A_339 : vector<16xi32>
      %select_n3A_341 = arith.select %lt3A_337, %add3A_340, %xor3A_334 : vector<16xi1>, vector<16xi32>
      %broadcast_in_dim3A_342 = vector.shape_cast %select_n3A_341 : vector<16xi32> to vector<16x1xi32>
      %gather3A_343 = vector.shape_cast %broadcast_in_dim3A_342 : vector<16x1xi32> to vector<16xi32>
      %gather3A_344 = tpu.dynamic_gather %add3A_331[%gather3A_343] in [0] : vector<16xf32>, vector<16xi32> -> vector<16xf32>
      %add3A_345 = arith.addf %add3A_331, %gather3A_344 : vector<16xf32>
      %xor3A_346 = arith.constant 4 : i32
      %xor3A_347 = vector.broadcast %xor3A_346 : i32 to vector<16xi32>
      %xor3A_348 = arith.xori %iota3A, %xor3A_347 : vector<16xi32>
      %lt3A_349 = arith.constant 0 : i32
      %lt3A_350 = vector.broadcast %lt3A_349 : i32 to vector<16xi32>
      %lt3A_351 = arith.cmpi slt, %xor3A_348, %lt3A_350 : vector<16xi32>
      %add3A_352 = arith.constant 16 : i32
      %add3A_353 = vector.broadcast %add3A_352 : i32 to vector<16xi32>
      %add3A_354 = arith.addi %xor3A_348, %add3A_353 : vector<16xi32>
      %select_n3A_355 = arith.select %lt3A_351, %add3A_354, %xor3A_348 : vector<16xi1>, vector<16xi32>
      %broadcast_in_dim3A_356 = vector.shape_cast %select_n3A_355 : vector<16xi32> to vector<16x1xi32>
      %gather3A_357 = vector.shape_cast %broadcast_in_dim3A_356 : vector<16x1xi32> to vector<16xi32>
      %gather3A_358 = tpu.dynamic_gather %add3A_345[%gather3A_357] in [0] : vector<16xf32>, vector<16xi32> -> vector<16xf32>
      %add3A_359 = arith.addf %add3A_345, %gather3A_358 : vector<16xf32>
      %xor3A_360 = arith.constant 8 : i32
      %xor3A_361 = vector.broadcast %xor3A_360 : i32 to vector<16xi32>
      %xor3A_362 = arith.xori %iota3A, %xor3A_361 : vector<16xi32>
      %lt3A_363 = arith.constant 0 : i32
      %lt3A_364 = vector.broadcast %lt3A_363 : i32 to vector<16xi32>
      %lt3A_365 = arith.cmpi slt, %xor3A_362, %lt3A_364 : vector<16xi32>
      %add3A_366 = arith.constant 16 : i32
      %add3A_367 = vector.broadcast %add3A_366 : i32 to vector<16xi32>
      %add3A_368 = arith.addi %xor3A_362, %add3A_367 : vector<16xi32>
      %select_n3A_369 = arith.select %lt3A_365, %add3A_368, %xor3A_362 : vector<16xi1>, vector<16xi32>
      %broadcast_in_dim3A_370 = vector.shape_cast %select_n3A_369 : vector<16xi32> to vector<16x1xi32>
      %gather3A_371 = vector.shape_cast %broadcast_in_dim3A_370 : vector<16x1xi32> to vector<16xi32>
      %gather3A_372 = tpu.dynamic_gather %add3A_359[%gather3A_371] in [0] : vector<16xf32>, vector<16xi32> -> vector<16xf32>
      %add3A_373 = arith.addf %add3A_359, %gather3A_372 : vector<16xf32>
      %eq3A_374 = arith.constant 0 : i32
      %eq3A_375 = vector.broadcast %eq3A_374 : i32 to vector<16xi32>
      %eq3A_376 = arith.cmpi eq, %iota3A, %eq3A_375 : vector<16xi32>
      %select_n3A_377 = arith.select %eq3A_376, %add3A_373, %broadcast_in_dim3A_262 : vector<16xi1>, vector<16xf32>
      %mul3A_378 = arith.constant 16 : i32
      %mul3A_379 = arith.muli %scan3A_269, %mul3A_378 : i32
      %add3A_380 = arith.constant 1 : i32
      %add3A_381 = arith.addi %mul3A_379, %add3A_380 : i32
      %get3A_382 = arith.index_cast %add3A_381 : i32 to index
      %get3A_383 = arith.constant 0 : index
      %get3A_384 = tpu.vector_load %arg13[%get3A_382, %get3A_383] {strides = array<i32>} : memref<512x32xf32, #tpu.memory_space<vmem>>, vector<1x16xf32>,
      %get3A_385 = vector.shape_cast %get3A_384 : vector<1x16xf32> to vector<16xf32>
      %get3A_386 = arith.index_cast %add3A_381 : i32 to index
      %get3A_387 = arith.constant 0 : index
      %get3A_388 = tpu.vector_load %arg14[%get3A_386, %get3A_387] {strides = array<i32>} : memref<512x32xf32, #tpu.memory_space<vmem>>, vector<1x16xf32>,
      %get3A_389 = vector.shape_cast %get3A_388 : vector<1x16xf32> to vector<16xf32>
      %mul3A_390 = arith.mulf %get3A_385, %get3A_389 : vector<16xf32>
      %get3A_391 = arith.index_cast %add3A_381 : i32 to index
      %get3A_392 = arith.constant 16 : index
      %get3A_393 = tpu.vector_load %arg13[%get3A_391, %get3A_392] {strides = array<i32>} : memref<512x32xf32, #tpu.memory_space<vmem>>, vector<1x16xf32>,
      %get3A_394 = vector.shape_cast %get3A_393 : vector<1x16xf32> to vector<16xf32>
      %get3A_395 = arith.index_cast %add3A_381 : i32 to index
      %get3A_396 = arith.constant 16 : index
      %get3A_397 = tpu.vector_load %arg14[%get3A_395, %get3A_396] {strides = array<i32>} : memref<512x32xf32, #tpu.memory_space<vmem>>, vector<1x16xf32>,
      %get3A_398 = vector.shape_cast %get3A_397 : vector<1x16xf32> to vector<16xf32>
      %mul3A_399 = arith.mulf %get3A_394, %get3A_398 : vector<16xf32>
      %add3A_400 = arith.addf %mul3A_390, %mul3A_399 : vector<16xf32>
      %slice3A_401 = vector.extract_strided_slice %and3A_275 {offsets = [1], sizes = [1], strides = [1]} : vector<16xi32> to vector<1xi32>
      %squeeze3A_402 = vector.extract %slice3A_401[0] : i32 from vector<1xi32>
      %eq3A_403 = vector.broadcast %squeeze3A_402 : i32 to vector<16xi32>
      %eq3A_404 = arith.cmpi eq, %iota3A, %eq3A_403 : vector<16xi32>
      %get3A_405 = arith.index_cast %add3A_381 : i32 to index
      %get3A_406 = arith.constant 0 : index
      %get3A_407 = tpu.vector_load %arg15[%get3A_405, %get3A_406] {strides = array<i32>} : memref<512x16xf32, #tpu.memory_space<vmem>>, vector<1x16xf32>,
      %get3A_408 = vector.shape_cast %get3A_407 : vector<1x16xf32> to vector<16xf32>
      %select_n3A_409 = arith.select %eq3A_404, %get3A_408, %broadcast_in_dim3A_262 : vector<16xi1>, vector<16xf32>
      %add3A_410 = arith.addf %add3A_400, %select_n3A_409 : vector<16xf32>
      %slice3A_411 = vector.extract_strided_slice %and3A_281 {offsets = [1], sizes = [1], strides = [1]} : vector<16xi32> to vector<1xi32>
      %squeeze3A_412 = vector.extract %slice3A_411[0] : i32 from vector<1xi32>
      %eq3A_413 = vector.broadcast %squeeze3A_412 : i32 to vector<16xi32>
      %eq3A_414 = arith.cmpi eq, %iota3A, %eq3A_413 : vector<16xi32>
      %get3A_415 = arith.index_cast %add3A_381 : i32 to index
      %get3A_416 = arith.constant 0 : index
      %get3A_417 = tpu.vector_load %arg16[%get3A_415, %get3A_416] {strides = array<i32>} : memref<512x16xf32, #tpu.memory_space<vmem>>, vector<1x16xf32>,
      %get3A_418 = vector.shape_cast %get3A_417 : vector<1x16xf32> to vector<16xf32>
      %select_n3A_419 = arith.select %eq3A_414, %get3A_418, %broadcast_in_dim3A_262 : vector<16xi1>, vector<16xf32>
      %add3A_420 = arith.addf %add3A_410, %select_n3A_419 : vector<16xf32>
      %xor3A_421 = arith.constant 1 : i32
      %xor3A_422 = vector.broadcast %xor3A_421 : i32 to vector<16xi32>
      %xor3A_423 = arith.xori %iota3A, %xor3A_422 : vector<16xi32>
      %lt3A_424 = arith.constant 0 : i32
      %lt3A_425 = vector.broadcast %lt3A_424 : i32 to vector<16xi32>
      %lt3A_426 = arith.cmpi slt, %xor3A_423, %lt3A_425 : vector<16xi32>
      %add3A_427 = arith.constant 16 : i32
      %add3A_428 = vector.broadcast %add3A_427 : i32 to vector<16xi32>
      %add3A_429 = arith.addi %xor3A_423, %add3A_428 : vector<16xi32>
      %select_n3A_430 = arith.select %lt3A_426, %add3A_429, %xor3A_423 : vector<16xi1>, vector<16xi32>
      %broadcast_in_dim3A_431 = vector.shape_cast %select_n3A_430 : vector<16xi32> to vector<16x1xi32>
      %gather3A_432 = vector.shape_cast %broadcast_in_dim3A_431 : vector<16x1xi32> to vector<16xi32>
      %gather3A_433 = tpu.dynamic_gather %add3A_420[%gather3A_432] in [0] : vector<16xf32>, vector<16xi32> -> vector<16xf32>
      %add3A_434 = arith.addf %add3A_420, %gather3A_433 : vector<16xf32>
      %xor3A_435 = arith.constant 2 : i32
      %xor3A_436 = vector.broadcast %xor3A_435 : i32 to vector<16xi32>
      %xor3A_437 = arith.xori %iota3A, %xor3A_436 : vector<16xi32>
      %lt3A_438 = arith.constant 0 : i32
      %lt3A_439 = vector.broadcast %lt3A_438 : i32 to vector<16xi32>
      %lt3A_440 = arith.cmpi slt, %xor3A_437, %lt3A_439 : vector<16xi32>
      %add3A_441 = arith.constant 16 : i32
      %add3A_442 = vector.broadcast %add3A_441 : i32 to vector<16xi32>
      %add3A_443 = arith.addi %xor3A_437, %add3A_442 : vector<16xi32>
      %select_n3A_444 = arith.select %lt3A_440, %add3A_443, %xor3A_437 : vector<16xi1>, vector<16xi32>
      %broadcast_in_dim3A_445 = vector.shape_cast %select_n3A_444 : vector<16xi32> to vector<16x1xi32>
      %gather3A_446 = vector.shape_cast %broadcast_in_dim3A_445 : vector<16x1xi32> to vector<16xi32>
      %gather3A_447 = tpu.dynamic_gather %add3A_434[%gather3A_446] in [0] : vector<16xf32>, vector<16xi32> -> vector<16xf32>
      %add3A_448 = arith.addf %add3A_434, %gather3A_447 : vector<16xf32>
      %xor3A_449 = arith.constant 4 : i32
      %xor3A_450 = vector.broadcast %xor3A_449 : i32 to vector<16xi32>
      %xor3A_451 = arith.xori %iota3A, %xor3A_450 : vector<16xi32>
      %lt3A_452 = arith.constant 0 : i32
      %lt3A_453 = vector.broadcast %lt3A_452 : i32 to vector<16xi32>
      %lt3A_454 = arith.cmpi slt, %xor3A_451, %lt3A_453 : vector<16xi32>
      %add3A_455 = arith.constant 16 : i32
      %add3A_456 = vector.broadcast %add3A_455 : i32 to vector<16xi32>
      %add3A_457 = arith.addi %xor3A_451, %add3A_456 : vector<16xi32>
      %select_n3A_458 = arith.select %lt3A_454, %add3A_457, %xor3A_451 : vector<16xi1>, vector<16xi32>
      %broadcast_in_dim3A_459 = vector.shape_cast %select_n3A_458 : vector<16xi32> to vector<16x1xi32>
      %gather3A_460 = vector.shape_cast %broadcast_in_dim3A_459 : vector<16x1xi32> to vector<16xi32>
      %gather3A_461 = tpu.dynamic_gather %add3A_448[%gather3A_460] in [0] : vector<16xf32>, vector<16xi32> -> vector<16xf32>
      %add3A_462 = arith.addf %add3A_448, %gather3A_461 : vector<16xf32>
      %xor3A_463 = arith.constant 8 : i32
      %xor3A_464 = vector.broadcast %xor3A_463 : i32 to vector<16xi32>
      %xor3A_465 = arith.xori %iota3A, %xor3A_464 : vector<16xi32>
      %lt3A_466 = arith.constant 0 : i32
      %lt3A_467 = vector.broadcast %lt3A_466 : i32 to vector<16xi32>
      %lt3A_468 = arith.cmpi slt, %xor3A_465, %lt3A_467 : vector<16xi32>
      %add3A_469 = arith.constant 16 : i32
      %add3A_470 = vector.broadcast %add3A_469 : i32 to vector<16xi32>
      %add3A_471 = arith.addi %xor3A_465, %add3A_470 : vector<16xi32>
      %select_n3A_472 = arith.select %lt3A_468, %add3A_471, %xor3A_465 : vector<16xi1>, vector<16xi32>
      %broadcast_in_dim3A_473 = vector.shape_cast %select_n3A_472 : vector<16xi32> to vector<16x1xi32>
      %gather3A_474 = vector.shape_cast %broadcast_in_dim3A_473 : vector<16x1xi32> to vector<16xi32>
      %gather3A_475 = tpu.dynamic_gather %add3A_462[%gather3A_474] in [0] : vector<16xf32>, vector<16xi32> -> vector<16xf32>
      %add3A_476 = arith.addf %add3A_462, %gather3A_475 : vector<16xf32>
      %eq3A_477 = arith.constant 1 : i32
      %eq3A_478 = vector.broadcast %eq3A_477 : i32 to vector<16xi32>
      %eq3A_479 = arith.cmpi eq, %iota3A, %eq3A_478 : vector<16xi32>
      %select_n3A_480 = arith.select %eq3A_479, %add3A_476, %select_n3A_377 : vector<16xi1>, vector<16xf32>
      %mul3A_481 = arith.constant 16 : i32
      %mul3A_482 = arith.muli %scan3A_269, %mul3A_481 : i32
      %add3A_483 = arith.constant 2 : i32
      %add3A_484 = arith.addi %mul3A_482, %add3A_483 : i32
      %get3A_485 = arith.index_cast %add3A_484 : i32 to index
      %get3A_486 = arith.constant 0 : index
      %get3A_487 = tpu.vector_load %arg13[%get3A_485, %get3A_486] {strides = array<i32>} : memref<512x32xf32, #tpu.memory_space<vmem>>, vector<1x16xf32>,
      %get3A_488 = vector.shape_cast %get3A_487 : vector<1x16xf32> to vector<16xf32>
      %get3A_489 = arith.index_cast %add3A_484 : i32 to index
      %get3A_490 = arith.constant 0 : index
      %get3A_491 = tpu.vector_load %arg14[%get3A_489, %get3A_490] {strides = array<i32>} : memref<512x32xf32, #tpu.memory_space<vmem>>, vector<1x16xf32>,
      %get3A_492 = vector.shape_cast %get3A_491 : vector<1x16xf32> to vector<16xf32>
      %mul3A_493 = arith.mulf %get3A_488, %get3A_492 : vector<16xf32>
      %get3A_494 = arith.index_cast %add3A_484 : i32 to index
      %get3A_495 = arith.constant 16 : index
      %get3A_496 = tpu.vector_load %arg13[%get3A_494, %get3A_495] {strides = array<i32>} : memref<512x32xf32, #tpu.memory_space<vmem>>, vector<1x16xf32>,
      %get3A_497 = vector.shape_cast %get3A_496 : vector<1x16xf32> to vector<16xf32>
      %get3A_498 = arith.index_cast %add3A_484 : i32 to index
      %get3A_499 = arith.constant 16 : index
      %get3A_500 = tpu.vector_load %arg14[%get3A_498, %get3A_499] {strides = array<i32>} : memref<512x32xf32, #tpu.memory_space<vmem>>, vector<1x16xf32>,
      %get3A_501 = vector.shape_cast %get3A_500 : vector<1x16xf32> to vector<16xf32>
      %mul3A_502 = arith.mulf %get3A_497, %get3A_501 : vector<16xf32>
      %add3A_503 = arith.addf %mul3A_493, %mul3A_502 : vector<16xf32>
      %slice3A_504 = vector.extract_strided_slice %and3A_275 {offsets = [2], sizes = [1], strides = [1]} : vector<16xi32> to vector<1xi32>
      %squeeze3A_505 = vector.extract %slice3A_504[0] : i32 from vector<1xi32>
      %eq3A_506 = vector.broadcast %squeeze3A_505 : i32 to vector<16xi32>
      %eq3A_507 = arith.cmpi eq, %iota3A, %eq3A_506 : vector<16xi32>
      %get3A_508 = arith.index_cast %add3A_484 : i32 to index
      %get3A_509 = arith.constant 0 : index
      %get3A_510 = tpu.vector_load %arg15[%get3A_508, %get3A_509] {strides = array<i32>} : memref<512x16xf32, #tpu.memory_space<vmem>>, vector<1x16xf32>,
      %get3A_511 = vector.shape_cast %get3A_510 : vector<1x16xf32> to vector<16xf32>
      %select_n3A_512 = arith.select %eq3A_507, %get3A_511, %broadcast_in_dim3A_262 : vector<16xi1>, vector<16xf32>
      %add3A_513 = arith.addf %add3A_503, %select_n3A_512 : vector<16xf32>
      %slice3A_514 = vector.extract_strided_slice %and3A_281 {offsets = [2], sizes = [1], strides = [1]} : vector<16xi32> to vector<1xi32>
      %squeeze3A_515 = vector.extract %slice3A_514[0] : i32 from vector<1xi32>
      %eq3A_516 = vector.broadcast %squeeze3A_515 : i32 to vector<16xi32>
      %eq3A_517 = arith.cmpi eq, %iota3A, %eq3A_516 : vector<16xi32>
      %get3A_518 = arith.index_cast %add3A_484 : i32 to index
      %get3A_519 = arith.constant 0 : index
      %get3A_520 = tpu.vector_load %arg16[%get3A_518, %get3A_519] {strides = array<i32>} : memref<512x16xf32, #tpu.memory_space<vmem>>, vector<1x16xf32>,
      %get3A_521 = vector.shape_cast %get3A_520 : vector<1x16xf32> to vector<16xf32>
      %select_n3A_522 = arith.select %eq3A_517, %get3A_521, %broadcast_in_dim3A_262 : vector<16xi1>, vector<16xf32>
      %add3A_523 = arith.addf %add3A_513, %select_n3A_522 : vector<16xf32>
      %xor3A_524 = arith.constant 1 : i32
      %xor3A_525 = vector.broadcast %xor3A_524 : i32 to vector<16xi32>
      %xor3A_526 = arith.xori %iota3A, %xor3A_525 : vector<16xi32>
      %lt3A_527 = arith.constant 0 : i32
      %lt3A_528 = vector.broadcast %lt3A_527 : i32 to vector<16xi32>
      %lt3A_529 = arith.cmpi slt, %xor3A_526, %lt3A_528 : vector<16xi32>
      %add3A_530 = arith.constant 16 : i32
      %add3A_531 = vector.broadcast %add3A_530 : i32 to vector<16xi32>
      %add3A_532 = arith.addi %xor3A_526, %add3A_531 : vector<16xi32>
      %select_n3A_533 = arith.select %lt3A_529, %add3A_532, %xor3A_526 : vector<16xi1>, vector<16xi32>
      %broadcast_in_dim3A_534 = vector.shape_cast %select_n3A_533 : vector<16xi32> to vector<16x1xi32>
      %gather3A_535 = vector.shape_cast %broadcast_in_dim3A_534 : vector<16x1xi32> to vector<16xi32>
      %gather3A_536 = tpu.dynamic_gather %add3A_523[%gather3A_535] in [0] : vector<16xf32>, vector<16xi32> -> vector<16xf32>
      %add3A_537 = arith.addf %add3A_523, %gather3A_536 : vector<16xf32>
      %xor3A_538 = arith.constant 2 : i32
      %xor3A_539 = vector.broadcast %xor3A_538 : i32 to vector<16xi32>
      %xor3A_540 = arith.xori %iota3A, %xor3A_539 : vector<16xi32>
      %lt3A_541 = arith.constant 0 : i32
      %lt3A_542 = vector.broadcast %lt3A_541 : i32 to vector<16xi32>
      %lt3A_543 = arith.cmpi slt, %xor3A_540, %lt3A_542 : vector<16xi32>
      %add3A_544 = arith.constant 16 : i32
      %add3A_545 = vector.broadcast %add3A_544 : i32 to vector<16xi32>
      %add3A_546 = arith.addi %xor3A_540, %add3A_545 : vector<16xi32>
      %select_n3A_547 = arith.select %lt3A_543, %add3A_546, %xor3A_540 : vector<16xi1>, vector<16xi32>
      %broadcast_in_dim3A_548 = vector.shape_cast %select_n3A_547 : vector<16xi32> to vector<16x1xi32>
      %gather3A_549 = vector.shape_cast %broadcast_in_dim3A_548 : vector<16x1xi32> to vector<16xi32>
      %gather3A_550 = tpu.dynamic_gather %add3A_537[%gather3A_549] in [0] : vector<16xf32>, vector<16xi32> -> vector<16xf32>
      %add3A_551 = arith.addf %add3A_537, %gather3A_550 : vector<16xf32>
      %xor3A_552 = arith.constant 4 : i32
      %xor3A_553 = vector.broadcast %xor3A_552 : i32 to vector<16xi32>
      %xor3A_554 = arith.xori %iota3A, %xor3A_553 : vector<16xi32>
      %lt3A_555 = arith.constant 0 : i32
      %lt3A_556 = vector.broadcast %lt3A_555 : i32 to vector<16xi32>
      %lt3A_557 = arith.cmpi slt, %xor3A_554, %lt3A_556 : vector<16xi32>
      %add3A_558 = arith.constant 16 : i32
      %add3A_559 = vector.broadcast %add3A_558 : i32 to vector<16xi32>
      %add3A_560 = arith.addi %xor3A_554, %add3A_559 : vector<16xi32>
      %select_n3A_561 = arith.select %lt3A_557, %add3A_560, %xor3A_554 : vector<16xi1>, vector<16xi32>
      %broadcast_in_dim3A_562 = vector.shape_cast %select_n3A_561 : vector<16xi32> to vector<16x1xi32>
      %gather3A_563 = vector.shape_cast %broadcast_in_dim3A_562 : vector<16x1xi32> to vector<16xi32>
      %gather3A_564 = tpu.dynamic_gather %add3A_551[%gather3A_563] in [0] : vector<16xf32>, vector<16xi32> -> vector<16xf32>
      %add3A_565 = arith.addf %add3A_551, %gather3A_564 : vector<16xf32>
      %xor3A_566 = arith.constant 8 : i32
      %xor3A_567 = vector.broadcast %xor3A_566 : i32 to vector<16xi32>
      %xor3A_568 = arith.xori %iota3A, %xor3A_567 : vector<16xi32>
      %lt3A_569 = arith.constant 0 : i32
      %lt3A_570 = vector.broadcast %lt3A_569 : i32 to vector<16xi32>
      %lt3A_571 = arith.cmpi slt, %xor3A_568, %lt3A_570 : vector<16xi32>
      %add3A_572 = arith.constant 16 : i32
      %add3A_573 = vector.broadcast %add3A_572 : i32 to vector<16xi32>
      %add3A_574 = arith.addi %xor3A_568, %add3A_573 : vector<16xi32>
      %select_n3A_575 = arith.select %lt3A_571, %add3A_574, %xor3A_568 : vector<16xi1>, vector<16xi32>
      %broadcast_in_dim3A_576 = vector.shape_cast %select_n3A_575 : vector<16xi32> to vector<16x1xi32>
      %gather3A_577 = vector.shape_cast %broadcast_in_dim3A_576 : vector<16x1xi32> to vector<16xi32>
      %gather3A_578 = tpu.dynamic_gather %add3A_565[%gather3A_577] in [0] : vector<16xf32>, vector<16xi32> -> vector<16xf32>
      %add3A_579 = arith.addf %add3A_565, %gather3A_578 : vector<16xf32>
      %eq3A_580 = arith.constant 2 : i32
      %eq3A_581 = vector.broadcast %eq3A_580 : i32 to vector<16xi32>
      %eq3A_582 = arith.cmpi eq, %iota3A, %eq3A_581 : vector<16xi32>
      %select_n3A_583 = arith.select %eq3A_582, %add3A_579, %select_n3A_480 : vector<16xi1>, vector<16xf32>
      %mul3A_584 = arith.constant 16 : i32
      %mul3A_585 = arith.muli %scan3A_269, %mul3A_584 : i32
      %add3A_586 = arith.constant 3 : i32
      %add3A_587 = arith.addi %mul3A_585, %add3A_586 : i32
      %get3A_588 = arith.index_cast %add3A_587 : i32 to index
      %get3A_589 = arith.constant 0 : index
      %get3A_590 = tpu.vector_load %arg13[%get3A_588, %get3A_589] {strides = array<i32>} : memref<512x32xf32, #tpu.memory_space<vmem>>, vector<1x16xf32>,
      %get3A_591 = vector.shape_cast %get3A_590 : vector<1x16xf32> to vector<16xf32>
      %get3A_592 = arith.index_cast %add3A_587 : i32 to index
      %get3A_593 = arith.constant 0 : index
      %get3A_594 = tpu.vector_load %arg14[%get3A_592, %get3A_593] {strides = array<i32>} : memref<512x32xf32, #tpu.memory_space<vmem>>, vector<1x16xf32>,
      %get3A_595 = vector.shape_cast %get3A_594 : vector<1x16xf32> to vector<16xf32>
      %mul3A_596 = arith.mulf %get3A_591, %get3A_595 : vector<16xf32>
      %get3A_597 = arith.index_cast %add3A_587 : i32 to index
      %get3A_598 = arith.constant 16 : index
      %get3A_599 = tpu.vector_load %arg13[%get3A_597, %get3A_598] {strides = array<i32>} : memref<512x32xf32, #tpu.memory_space<vmem>>, vector<1x16xf32>,
      %get3A_600 = vector.shape_cast %get3A_599 : vector<1x16xf32> to vector<16xf32>
      %get3A_601 = arith.index_cast %add3A_587 : i32 to index
      %get3A_602 = arith.constant 16 : index
      %get3A_603 = tpu.vector_load %arg14[%get3A_601, %get3A_602] {strides = array<i32>} : memref<512x32xf32, #tpu.memory_space<vmem>>, vector<1x16xf32>,
      %get3A_604 = vector.shape_cast %get3A_603 : vector<1x16xf32> to vector<16xf32>
      %mul3A_605 = arith.mulf %get3A_600, %get3A_604 : vector<16xf32>
      %add3A_606 = arith.addf %mul3A_596, %mul3A_605 : vector<16xf32>
      %slice3A_607 = vector.extract_strided_slice %and3A_275 {offsets = [3], sizes = [1], strides = [1]} : vector<16xi32> to vector<1xi32>
      %squeeze3A_608 = vector.extract %slice3A_607[0] : i32 from vector<1xi32>
      %eq3A_609 = vector.broadcast %squeeze3A_608 : i32 to vector<16xi32>
      %eq3A_610 = arith.cmpi eq, %iota3A, %eq3A_609 : vector<16xi32>
      %get3A_611 = arith.index_cast %add3A_587 : i32 to index
      %get3A_612 = arith.constant 0 : index
      %get3A_613 = tpu.vector_load %arg15[%get3A_611, %get3A_612] {strides = array<i32>} : memref<512x16xf32, #tpu.memory_space<vmem>>, vector<1x16xf32>,
      %get3A_614 = vector.shape_cast %get3A_613 : vector<1x16xf32> to vector<16xf32>
      %select_n3A_615 = arith.select %eq3A_610, %get3A_614, %broadcast_in_dim3A_262 : vector<16xi1>, vector<16xf32>
      %add3A_616 = arith.addf %add3A_606, %select_n3A_615 : vector<16xf32>
      %slice3A_617 = vector.extract_strided_slice %and3A_281 {offsets = [3], sizes = [1], strides = [1]} : vector<16xi32> to vector<1xi32>
      %squeeze3A_618 = vector.extract %slice3A_617[0] : i32 from vector<1xi32>
      %eq3A_619 = vector.broadcast %squeeze3A_618 : i32 to vector<16xi32>
      %eq3A_620 = arith.cmpi eq, %iota3A, %eq3A_619 : vector<16xi32>
      %get3A_621 = arith.index_cast %add3A_587 : i32 to index
      %get3A_622 = arith.constant 0 : index
      %get3A_623 = tpu.vector_load %arg16[%get3A_621, %get3A_622] {strides = array<i32>} : memref<512x16xf32, #tpu.memory_space<vmem>>, vector<1x16xf32>,
      %get3A_624 = vector.shape_cast %get3A_623 : vector<1x16xf32> to vector<16xf32>
      %select_n3A_625 = arith.select %eq3A_620, %get3A_624, %broadcast_in_dim3A_262 : vector<16xi1>, vector<16xf32>
      %add3A_626 = arith.addf %add3A_616, %select_n3A_625 : vector<16xf32>
      %xor3A_627 = arith.constant 1 : i32
      %xor3A_628 = vector.broadcast %xor3A_627 : i32 to vector<16xi32>
      %xor3A_629 = arith.xori %iota3A, %xor3A_628 : vector<16xi32>
      %lt3A_630 = arith.constant 0 : i32
      %lt3A_631 = vector.broadcast %lt3A_630 : i32 to vector<16xi32>
      %lt3A_632 = arith.cmpi slt, %xor3A_629, %lt3A_631 : vector<16xi32>
      %add3A_633 = arith.constant 16 : i32
      %add3A_634 = vector.broadcast %add3A_633 : i32 to vector<16xi32>
      %add3A_635 = arith.addi %xor3A_629, %add3A_634 : vector<16xi32>
      %select_n3A_636 = arith.select %lt3A_632, %add3A_635, %xor3A_629 : vector<16xi1>, vector<16xi32>
      %broadcast_in_dim3A_637 = vector.shape_cast %select_n3A_636 : vector<16xi32> to vector<16x1xi32>
      %gather3A_638 = vector.shape_cast %broadcast_in_dim3A_637 : vector<16x1xi32> to vector<16xi32>
      %gather3A_639 = tpu.dynamic_gather %add3A_626[%gather3A_638] in [0] : vector<16xf32>, vector<16xi32> -> vector<16xf32>
      %add3A_640 = arith.addf %add3A_626, %gather3A_639 : vector<16xf32>
      %xor3A_641 = arith.constant 2 : i32
      %xor3A_642 = vector.broadcast %xor3A_641 : i32 to vector<16xi32>
      %xor3A_643 = arith.xori %iota3A, %xor3A_642 : vector<16xi32>
      %lt3A_644 = arith.constant 0 : i32
      %lt3A_645 = vector.broadcast %lt3A_644 : i32 to vector<16xi32>
      %lt3A_646 = arith.cmpi slt, %xor3A_643, %lt3A_645 : vector<16xi32>
      %add3A_647 = arith.constant 16 : i32
      %add3A_648 = vector.broadcast %add3A_647 : i32 to vector<16xi32>
      %add3A_649 = arith.addi %xor3A_643, %add3A_648 : vector<16xi32>
      %select_n3A_650 = arith.select %lt3A_646, %add3A_649, %xor3A_643 : vector<16xi1>, vector<16xi32>
      %broadcast_in_dim3A_651 = vector.shape_cast %select_n3A_650 : vector<16xi32> to vector<16x1xi32>
      %gather3A_652 = vector.shape_cast %broadcast_in_dim3A_651 : vector<16x1xi32> to vector<16xi32>
      %gather3A_653 = tpu.dynamic_gather %add3A_640[%gather3A_652] in [0] : vector<16xf32>, vector<16xi32> -> vector<16xf32>
      %add3A_654 = arith.addf %add3A_640, %gather3A_653 : vector<16xf32>
      %xor3A_655 = arith.constant 4 : i32
      %xor3A_656 = vector.broadcast %xor3A_655 : i32 to vector<16xi32>
      %xor3A_657 = arith.xori %iota3A, %xor3A_656 : vector<16xi32>
      %lt3A_658 = arith.constant 0 : i32
      %lt3A_659 = vector.broadcast %lt3A_658 : i32 to vector<16xi32>
      %lt3A_660 = arith.cmpi slt, %xor3A_657, %lt3A_659 : vector<16xi32>
      %add3A_661 = arith.constant 16 : i32
      %add3A_662 = vector.broadcast %add3A_661 : i32 to vector<16xi32>
      %add3A_663 = arith.addi %xor3A_657, %add3A_662 : vector<16xi32>
      %select_n3A_664 = arith.select %lt3A_660, %add3A_663, %xor3A_657 : vector<16xi1>, vector<16xi32>
      %broadcast_in_dim3A_665 = vector.shape_cast %select_n3A_664 : vector<16xi32> to vector<16x1xi32>
      %gather3A_666 = vector.shape_cast %broadcast_in_dim3A_665 : vector<16x1xi32> to vector<16xi32>
      %gather3A_667 = tpu.dynamic_gather %add3A_654[%gather3A_666] in [0] : vector<16xf32>, vector<16xi32> -> vector<16xf32>
      %add3A_668 = arith.addf %add3A_654, %gather3A_667 : vector<16xf32>
      %xor3A_669 = arith.constant 8 : i32
      %xor3A_670 = vector.broadcast %xor3A_669 : i32 to vector<16xi32>
      %xor3A_671 = arith.xori %iota3A, %xor3A_670 : vector<16xi32>
      %lt3A_672 = arith.constant 0 : i32
      %lt3A_673 = vector.broadcast %lt3A_672 : i32 to vector<16xi32>
      %lt3A_674 = arith.cmpi slt, %xor3A_671, %lt3A_673 : vector<16xi32>
      %add3A_675 = arith.constant 16 : i32
      %add3A_676 = vector.broadcast %add3A_675 : i32 to vector<16xi32>
      %add3A_677 = arith.addi %xor3A_671, %add3A_676 : vector<16xi32>
      %select_n3A_678 = arith.select %lt3A_674, %add3A_677, %xor3A_671 : vector<16xi1>, vector<16xi32>
      %broadcast_in_dim3A_679 = vector.shape_cast %select_n3A_678 : vector<16xi32> to vector<16x1xi32>
      %gather3A_680 = vector.shape_cast %broadcast_in_dim3A_679 : vector<16x1xi32> to vector<16xi32>
      %gather3A_681 = tpu.dynamic_gather %add3A_668[%gather3A_680] in [0] : vector<16xf32>, vector<16xi32> -> vector<16xf32>
      %add3A_682 = arith.addf %add3A_668, %gather3A_681 : vector<16xf32>
      %eq3A_683 = arith.constant 3 : i32
      %eq3A_684 = vector.broadcast %eq3A_683 : i32 to vector<16xi32>
      %eq3A_685 = arith.cmpi eq, %iota3A, %eq3A_684 : vector<16xi32>
      %select_n3A_686 = arith.select %eq3A_685, %add3A_682, %select_n3A_583 : vector<16xi1>, vector<16xf32>
      %mul3A_687 = arith.constant 16 : i32
      %mul3A_688 = arith.muli %scan3A_269, %mul3A_687 : i32
      %add3A_689 = arith.constant 4 : i32
      %add3A_690 = arith.addi %mul3A_688, %add3A_689 : i32
      %get3A_691 = arith.index_cast %add3A_690 : i32 to index
      %get3A_692 = arith.constant 0 : index
      %get3A_693 = tpu.vector_load %arg13[%get3A_691, %get3A_692] {strides = array<i32>} : memref<512x32xf32, #tpu.memory_space<vmem>>, vector<1x16xf32>,
      %get3A_694 = vector.shape_cast %get3A_693 : vector<1x16xf32> to vector<16xf32>
      %get3A_695 = arith.index_cast %add3A_690 : i32 to index
      %get3A_696 = arith.constant 0 : index
      %get3A_697 = tpu.vector_load %arg14[%get3A_695, %get3A_696] {strides = array<i32>} : memref<512x32xf32, #tpu.memory_space<vmem>>, vector<1x16xf32>,
      %get3A_698 = vector.shape_cast %get3A_697 : vector<1x16xf32> to vector<16xf32>
      %mul3A_699 = arith.mulf %get3A_694, %get3A_698 : vector<16xf32>
      %get3A_700 = arith.index_cast %add3A_690 : i32 to index
      %get3A_701 = arith.constant 16 : index
      %get3A_702 = tpu.vector_load %arg13[%get3A_700, %get3A_701] {strides = array<i32>} : memref<512x32xf32, #tpu.memory_space<vmem>>, vector<1x16xf32>,
      %get3A_703 = vector.shape_cast %get3A_702 : vector<1x16xf32> to vector<16xf32>
      %get3A_704 = arith.index_cast %add3A_690 : i32 to index
      %get3A_705 = arith.constant 16 : index
      %get3A_706 = tpu.vector_load %arg14[%get3A_704, %get3A_705] {strides = array<i32>} : memref<512x32xf32, #tpu.memory_space<vmem>>, vector<1x16xf32>,
      %get3A_707 = vector.shape_cast %get3A_706 : vector<1x16xf32> to vector<16xf32>
      %mul3A_708 = arith.mulf %get3A_703, %get3A_707 : vector<16xf32>
      %add3A_709 = arith.addf %mul3A_699, %mul3A_708 : vector<16xf32>
      %slice3A_710 = vector.extract_strided_slice %and3A_275 {offsets = [4], sizes = [1], strides = [1]} : vector<16xi32> to vector<1xi32>
      %squeeze3A_711 = vector.extract %slice3A_710[0] : i32 from vector<1xi32>
      %eq3A_712 = vector.broadcast %squeeze3A_711 : i32 to vector<16xi32>
      %eq3A_713 = arith.cmpi eq, %iota3A, %eq3A_712 : vector<16xi32>
      %get3A_714 = arith.index_cast %add3A_690 : i32 to index
      %get3A_715 = arith.constant 0 : index
      %get3A_716 = tpu.vector_load %arg15[%get3A_714, %get3A_715] {strides = array<i32>} : memref<512x16xf32, #tpu.memory_space<vmem>>, vector<1x16xf32>,
      %get3A_717 = vector.shape_cast %get3A_716 : vector<1x16xf32> to vector<16xf32>
      %select_n3A_718 = arith.select %eq3A_713, %get3A_717, %broadcast_in_dim3A_262 : vector<16xi1>, vector<16xf32>
      %add3A_719 = arith.addf %add3A_709, %select_n3A_718 : vector<16xf32>
      %slice3A_720 = vector.extract_strided_slice %and3A_281 {offsets = [4], sizes = [1], strides = [1]} : vector<16xi32> to vector<1xi32>
      %squeeze3A_721 = vector.extract %slice3A_720[0] : i32 from vector<1xi32>
      %eq3A_722 = vector.broadcast %squeeze3A_721 : i32 to vector<16xi32>
      %eq3A_723 = arith.cmpi eq, %iota3A, %eq3A_722 : vector<16xi32>
      %get3A_724 = arith.index_cast %add3A_690 : i32 to index
      %get3A_725 = arith.constant 0 : index
      %get3A_726 = tpu.vector_load %arg16[%get3A_724, %get3A_725] {strides = array<i32>} : memref<512x16xf32, #tpu.memory_space<vmem>>, vector<1x16xf32>,
      %get3A_727 = vector.shape_cast %get3A_726 : vector<1x16xf32> to vector<16xf32>
      %select_n3A_728 = arith.select %eq3A_723, %get3A_727, %broadcast_in_dim3A_262 : vector<16xi1>, vector<16xf32>
      %add3A_729 = arith.addf %add3A_719, %select_n3A_728 : vector<16xf32>
      %xor3A_730 = arith.constant 1 : i32
      %xor3A_731 = vector.broadcast %xor3A_730 : i32 to vector<16xi32>
      %xor3A_732 = arith.xori %iota3A, %xor3A_731 : vector<16xi32>
      %lt3A_733 = arith.constant 0 : i32
      %lt3A_734 = vector.broadcast %lt3A_733 : i32 to vector<16xi32>
      %lt3A_735 = arith.cmpi slt, %xor3A_732, %lt3A_734 : vector<16xi32>
      %add3A_736 = arith.constant 16 : i32
      %add3A_737 = vector.broadcast %add3A_736 : i32 to vector<16xi32>
      %add3A_738 = arith.addi %xor3A_732, %add3A_737 : vector<16xi32>
      %select_n3A_739 = arith.select %lt3A_735, %add3A_738, %xor3A_732 : vector<16xi1>, vector<16xi32>
      %broadcast_in_dim3A_740 = vector.shape_cast %select_n3A_739 : vector<16xi32> to vector<16x1xi32>
      %gather3A_741 = vector.shape_cast %broadcast_in_dim3A_740 : vector<16x1xi32> to vector<16xi32>
      %gather3A_742 = tpu.dynamic_gather %add3A_729[%gather3A_741] in [0] : vector<16xf32>, vector<16xi32> -> vector<16xf32>
      %add3A_743 = arith.addf %add3A_729, %gather3A_742 : vector<16xf32>
      %xor3A_744 = arith.constant 2 : i32
      %xor3A_745 = vector.broadcast %xor3A_744 : i32 to vector<16xi32>
      %xor3A_746 = arith.xori %iota3A, %xor3A_745 : vector<16xi32>
      %lt3A_747 = arith.constant 0 : i32
      %lt3A_748 = vector.broadcast %lt3A_747 : i32 to vector<16xi32>
      %lt3A_749 = arith.cmpi slt, %xor3A_746, %lt3A_748 : vector<16xi32>
      %add3A_750 = arith.constant 16 : i32
      %add3A_751 = vector.broadcast %add3A_750 : i32 to vector<16xi32>
      %add3A_752 = arith.addi %xor3A_746, %add3A_751 : vector<16xi32>
      %select_n3A_753 = arith.select %lt3A_749, %add3A_752, %xor3A_746 : vector<16xi1>, vector<16xi32>
      %broadcast_in_dim3A_754 = vector.shape_cast %select_n3A_753 : vector<16xi32> to vector<16x1xi32>
      %gather3A_755 = vector.shape_cast %broadcast_in_dim3A_754 : vector<16x1xi32> to vector<16xi32>
      %gather3A_756 = tpu.dynamic_gather %add3A_743[%gather3A_755] in [0] : vector<16xf32>, vector<16xi32> -> vector<16xf32>
      %add3A_757 = arith.addf %add3A_743, %gather3A_756 : vector<16xf32>
      %xor3A_758 = arith.constant 4 : i32
      %xor3A_759 = vector.broadcast %xor3A_758 : i32 to vector<16xi32>
      %xor3A_760 = arith.xori %iota3A, %xor3A_759 : vector<16xi32>
      %lt3A_761 = arith.constant 0 : i32
      %lt3A_762 = vector.broadcast %lt3A_761 : i32 to vector<16xi32>
      %lt3A_763 = arith.cmpi slt, %xor3A_760, %lt3A_762 : vector<16xi32>
      %add3A_764 = arith.constant 16 : i32
      %add3A_765 = vector.broadcast %add3A_764 : i32 to vector<16xi32>
      %add3A_766 = arith.addi %xor3A_760, %add3A_765 : vector<16xi32>
      %select_n3A_767 = arith.select %lt3A_763, %add3A_766, %xor3A_760 : vector<16xi1>, vector<16xi32>
      %broadcast_in_dim3A_768 = vector.shape_cast %select_n3A_767 : vector<16xi32> to vector<16x1xi32>
      %gather3A_769 = vector.shape_cast %broadcast_in_dim3A_768 : vector<16x1xi32> to vector<16xi32>
      %gather3A_770 = tpu.dynamic_gather %add3A_757[%gather3A_769] in [0] : vector<16xf32>, vector<16xi32> -> vector<16xf32>
      %add3A_771 = arith.addf %add3A_757, %gather3A_770 : vector<16xf32>
      %xor3A_772 = arith.constant 8 : i32
      %xor3A_773 = vector.broadcast %xor3A_772 : i32 to vector<16xi32>
      %xor3A_774 = arith.xori %iota3A, %xor3A_773 : vector<16xi32>
      %lt3A_775 = arith.constant 0 : i32
      %lt3A_776 = vector.broadcast %lt3A_775 : i32 to vector<16xi32>
      %lt3A_777 = arith.cmpi slt, %xor3A_774, %lt3A_776 : vector<16xi32>
      %add3A_778 = arith.constant 16 : i32
      %add3A_779 = vector.broadcast %add3A_778 : i32 to vector<16xi32>
      %add3A_780 = arith.addi %xor3A_774, %add3A_779 : vector<16xi32>
      %select_n3A_781 = arith.select %lt3A_777, %add3A_780, %xor3A_774 : vector<16xi1>, vector<16xi32>
      %broadcast_in_dim3A_782 = vector.shape_cast %select_n3A_781 : vector<16xi32> to vector<16x1xi32>
      %gather3A_783 = vector.shape_cast %broadcast_in_dim3A_782 : vector<16x1xi32> to vector<16xi32>
      %gather3A_784 = tpu.dynamic_gather %add3A_771[%gather3A_783] in [0] : vector<16xf32>, vector<16xi32> -> vector<16xf32>
      %add3A_785 = arith.addf %add3A_771, %gather3A_784 : vector<16xf32>
      %eq3A_786 = arith.constant 4 : i32
      %eq3A_787 = vector.broadcast %eq3A_786 : i32 to vector<16xi32>
      %eq3A_788 = arith.cmpi eq, %iota3A, %eq3A_787 : vector<16xi32>
      %select_n3A_789 = arith.select %eq3A_788, %add3A_785, %select_n3A_686 : vector<16xi1>, vector<16xf32>
      %mul3A_790 = arith.constant 16 : i32
      %mul3A_791 = arith.muli %scan3A_269, %mul3A_790 : i32
      %add3A_792 = arith.constant 5 : i32
      %add3A_793 = arith.addi %mul3A_791, %add3A_792 : i32
      %get3A_794 = arith.index_cast %add3A_793 : i32 to index
      %get3A_795 = arith.constant 0 : index
      %get3A_796 = tpu.vector_load %arg13[%get3A_794, %get3A_795] {strides = array<i32>} : memref<512x32xf32, #tpu.memory_space<vmem>>, vector<1x16xf32>,
      %get3A_797 = vector.shape_cast %get3A_796 : vector<1x16xf32> to vector<16xf32>
      %get3A_798 = arith.index_cast %add3A_793 : i32 to index
      %get3A_799 = arith.constant 0 : index
      %get3A_800 = tpu.vector_load %arg14[%get3A_798, %get3A_799] {strides = array<i32>} : memref<512x32xf32, #tpu.memory_space<vmem>>, vector<1x16xf32>,
      %get3A_801 = vector.shape_cast %get3A_800 : vector<1x16xf32> to vector<16xf32>
      %mul3A_802 = arith.mulf %get3A_797, %get3A_801 : vector<16xf32>
      %get3A_803 = arith.index_cast %add3A_793 : i32 to index
      %get3A_804 = arith.constant 16 : index
      %get3A_805 = tpu.vector_load %arg13[%get3A_803, %get3A_804] {strides = array<i32>} : memref<512x32xf32, #tpu.memory_space<vmem>>, vector<1x16xf32>,
      %get3A_806 = vector.shape_cast %get3A_805 : vector<1x16xf32> to vector<16xf32>
      %get3A_807 = arith.index_cast %add3A_793 : i32 to index
      %get3A_808 = arith.constant 16 : index
      %get3A_809 = tpu.vector_load %arg14[%get3A_807, %get3A_808] {strides = array<i32>} : memref<512x32xf32, #tpu.memory_space<vmem>>, vector<1x16xf32>,
      %get3A_810 = vector.shape_cast %get3A_809 : vector<1x16xf32> to vector<16xf32>
      %mul3A_811 = arith.mulf %get3A_806, %get3A_810 : vector<16xf32>
      %add3A_812 = arith.addf %mul3A_802, %mul3A_811 : vector<16xf32>
      %slice3A_813 = vector.extract_strided_slice %and3A_275 {offsets = [5], sizes = [1], strides = [1]} : vector<16xi32> to vector<1xi32>
      %squeeze3A_814 = vector.extract %slice3A_813[0] : i32 from vector<1xi32>
      %eq3A_815 = vector.broadcast %squeeze3A_814 : i32 to vector<16xi32>
      %eq3A_816 = arith.cmpi eq, %iota3A, %eq3A_815 : vector<16xi32>
      %get3A_817 = arith.index_cast %add3A_793 : i32 to index
      %get3A_818 = arith.constant 0 : index
      %get3A_819 = tpu.vector_load %arg15[%get3A_817, %get3A_818] {strides = array<i32>} : memref<512x16xf32, #tpu.memory_space<vmem>>, vector<1x16xf32>,
      %get3A_820 = vector.shape_cast %get3A_819 : vector<1x16xf32> to vector<16xf32>
      %select_n3A_821 = arith.select %eq3A_816, %get3A_820, %broadcast_in_dim3A_262 : vector<16xi1>, vector<16xf32>
      %add3A_822 = arith.addf %add3A_812, %select_n3A_821 : vector<16xf32>
      %slice3A_823 = vector.extract_strided_slice %and3A_281 {offsets = [5], sizes = [1], strides = [1]} : vector<16xi32> to vector<1xi32>
      %squeeze3A_824 = vector.extract %slice3A_823[0] : i32 from vector<1xi32>
      %eq3A_825 = vector.broadcast %squeeze3A_824 : i32 to vector<16xi32>
      %eq3A_826 = arith.cmpi eq, %iota3A, %eq3A_825 : vector<16xi32>
      %get3A_827 = arith.index_cast %add3A_793 : i32 to index
      %get3A_828 = arith.constant 0 : index
      %get3A_829 = tpu.vector_load %arg16[%get3A_827, %get3A_828] {strides = array<i32>} : memref<512x16xf32, #tpu.memory_space<vmem>>, vector<1x16xf32>,
      %get3A_830 = vector.shape_cast %get3A_829 : vector<1x16xf32> to vector<16xf32>
      %select_n3A_831 = arith.select %eq3A_826, %get3A_830, %broadcast_in_dim3A_262 : vector<16xi1>, vector<16xf32>
      %add3A_832 = arith.addf %add3A_822, %select_n3A_831 : vector<16xf32>
      %xor3A_833 = arith.constant 1 : i32
      %xor3A_834 = vector.broadcast %xor3A_833 : i32 to vector<16xi32>
      %xor3A_835 = arith.xori %iota3A, %xor3A_834 : vector<16xi32>
      %lt3A_836 = arith.constant 0 : i32
      %lt3A_837 = vector.broadcast %lt3A_836 : i32 to vector<16xi32>
      %lt3A_838 = arith.cmpi slt, %xor3A_835, %lt3A_837 : vector<16xi32>
      %add3A_839 = arith.constant 16 : i32
      %add3A_840 = vector.broadcast %add3A_839 : i32 to vector<16xi32>
      %add3A_841 = arith.addi %xor3A_835, %add3A_840 : vector<16xi32>
      %select_n3A_842 = arith.select %lt3A_838, %add3A_841, %xor3A_835 : vector<16xi1>, vector<16xi32>
      %broadcast_in_dim3A_843 = vector.shape_cast %select_n3A_842 : vector<16xi32> to vector<16x1xi32>
      %gather3A_844 = vector.shape_cast %broadcast_in_dim3A_843 : vector<16x1xi32> to vector<16xi32>
      %gather3A_845 = tpu.dynamic_gather %add3A_832[%gather3A_844] in [0] : vector<16xf32>, vector<16xi32> -> vector<16xf32>
      %add3A_846 = arith.addf %add3A_832, %gather3A_845 : vector<16xf32>
      %xor3A_847 = arith.constant 2 : i32
      %xor3A_848 = vector.broadcast %xor3A_847 : i32 to vector<16xi32>
      %xor3A_849 = arith.xori %iota3A, %xor3A_848 : vector<16xi32>
      %lt3A_850 = arith.constant 0 : i32
      %lt3A_851 = vector.broadcast %lt3A_850 : i32 to vector<16xi32>
      %lt3A_852 = arith.cmpi slt, %xor3A_849, %lt3A_851 : vector<16xi32>
      %add3A_853 = arith.constant 16 : i32
      %add3A_854 = vector.broadcast %add3A_853 : i32 to vector<16xi32>
      %add3A_855 = arith.addi %xor3A_849, %add3A_854 : vector<16xi32>
      %select_n3A_856 = arith.select %lt3A_852, %add3A_855, %xor3A_849 : vector<16xi1>, vector<16xi32>
      %broadcast_in_dim3A_857 = vector.shape_cast %select_n3A_856 : vector<16xi32> to vector<16x1xi32>
      %gather3A_858 = vector.shape_cast %broadcast_in_dim3A_857 : vector<16x1xi32> to vector<16xi32>
      %gather3A_859 = tpu.dynamic_gather %add3A_846[%gather3A_858] in [0] : vector<16xf32>, vector<16xi32> -> vector<16xf32>
      %add3A_860 = arith.addf %add3A_846, %gather3A_859 : vector<16xf32>
      %xor3A_861 = arith.constant 4 : i32
      %xor3A_862 = vector.broadcast %xor3A_861 : i32 to vector<16xi32>
      %xor3A_863 = arith.xori %iota3A, %xor3A_862 : vector<16xi32>
      %lt3A_864 = arith.constant 0 : i32
      %lt3A_865 = vector.broadcast %lt3A_864 : i32 to vector<16xi32>
      %lt3A_866 = arith.cmpi slt, %xor3A_863, %lt3A_865 : vector<16xi32>
      %add3A_867 = arith.constant 16 : i32
      %add3A_868 = vector.broadcast %add3A_867 : i32 to vector<16xi32>
      %add3A_869 = arith.addi %xor3A_863, %add3A_868 : vector<16xi32>
      %select_n3A_870 = arith.select %lt3A_866, %add3A_869, %xor3A_863 : vector<16xi1>, vector<16xi32>
      %broadcast_in_dim3A_871 = vector.shape_cast %select_n3A_870 : vector<16xi32> to vector<16x1xi32>
      %gather3A_872 = vector.shape_cast %broadcast_in_dim3A_871 : vector<16x1xi32> to vector<16xi32>
      %gather3A_873 = tpu.dynamic_gather %add3A_860[%gather3A_872] in [0] : vector<16xf32>, vector<16xi32> -> vector<16xf32>
      %add3A_874 = arith.addf %add3A_860, %gather3A_873 : vector<16xf32>
      %xor3A_875 = arith.constant 8 : i32
      %xor3A_876 = vector.broadcast %xor3A_875 : i32 to vector<16xi32>
      %xor3A_877 = arith.xori %iota3A, %xor3A_876 : vector<16xi32>
      %lt3A_878 = arith.constant 0 : i32
      %lt3A_879 = vector.broadcast %lt3A_878 : i32 to vector<16xi32>
      %lt3A_880 = arith.cmpi slt, %xor3A_877, %lt3A_879 : vector<16xi32>
      %add3A_881 = arith.constant 16 : i32
      %add3A_882 = vector.broadcast %add3A_881 : i32 to vector<16xi32>
      %add3A_883 = arith.addi %xor3A_877, %add3A_882 : vector<16xi32>
      %select_n3A_884 = arith.select %lt3A_880, %add3A_883, %xor3A_877 : vector<16xi1>, vector<16xi32>
      %broadcast_in_dim3A_885 = vector.shape_cast %select_n3A_884 : vector<16xi32> to vector<16x1xi32>
      %gather3A_886 = vector.shape_cast %broadcast_in_dim3A_885 : vector<16x1xi32> to vector<16xi32>
      %gather3A_887 = tpu.dynamic_gather %add3A_874[%gather3A_886] in [0] : vector<16xf32>, vector<16xi32> -> vector<16xf32>
      %add3A_888 = arith.addf %add3A_874, %gather3A_887 : vector<16xf32>
      %eq3A_889 = arith.constant 5 : i32
      %eq3A_890 = vector.broadcast %eq3A_889 : i32 to vector<16xi32>
      %eq3A_891 = arith.cmpi eq, %iota3A, %eq3A_890 : vector<16xi32>
      %select_n3A_892 = arith.select %eq3A_891, %add3A_888, %select_n3A_789 : vector<16xi1>, vector<16xf32>
      %mul3A_893 = arith.constant 16 : i32
      %mul3A_894 = arith.muli %scan3A_269, %mul3A_893 : i32
      %add3A_895 = arith.constant 6 : i32
      %add3A_896 = arith.addi %mul3A_894, %add3A_895 : i32
      %get3A_897 = arith.index_cast %add3A_896 : i32 to index
      %get3A_898 = arith.constant 0 : index
      %get3A_899 = tpu.vector_load %arg13[%get3A_897, %get3A_898] {strides = array<i32>} : memref<512x32xf32, #tpu.memory_space<vmem>>, vector<1x16xf32>,
      %get3A_900 = vector.shape_cast %get3A_899 : vector<1x16xf32> to vector<16xf32>
      %get3A_901 = arith.index_cast %add3A_896 : i32 to index
      %get3A_902 = arith.constant 0 : index
      %get3A_903 = tpu.vector_load %arg14[%get3A_901, %get3A_902] {strides = array<i32>} : memref<512x32xf32, #tpu.memory_space<vmem>>, vector<1x16xf32>,
      %get3A_904 = vector.shape_cast %get3A_903 : vector<1x16xf32> to vector<16xf32>
      %mul3A_905 = arith.mulf %get3A_900, %get3A_904 : vector<16xf32>
      %get3A_906 = arith.index_cast %add3A_896 : i32 to index
      %get3A_907 = arith.constant 16 : index
      %get3A_908 = tpu.vector_load %arg13[%get3A_906, %get3A_907] {strides = array<i32>} : memref<512x32xf32, #tpu.memory_space<vmem>>, vector<1x16xf32>,
      %get3A_909 = vector.shape_cast %get3A_908 : vector<1x16xf32> to vector<16xf32>
      %get3A_910 = arith.index_cast %add3A_896 : i32 to index
      %get3A_911 = arith.constant 16 : index
      %get3A_912 = tpu.vector_load %arg14[%get3A_910, %get3A_911] {strides = array<i32>} : memref<512x32xf32, #tpu.memory_space<vmem>>, vector<1x16xf32>,
      %get3A_913 = vector.shape_cast %get3A_912 : vector<1x16xf32> to vector<16xf32>
      %mul3A_914 = arith.mulf %get3A_909, %get3A_913 : vector<16xf32>
      %add3A_915 = arith.addf %mul3A_905, %mul3A_914 : vector<16xf32>
      %slice3A_916 = vector.extract_strided_slice %and3A_275 {offsets = [6], sizes = [1], strides = [1]} : vector<16xi32> to vector<1xi32>
      %squeeze3A_917 = vector.extract %slice3A_916[0] : i32 from vector<1xi32>
      %eq3A_918 = vector.broadcast %squeeze3A_917 : i32 to vector<16xi32>
      %eq3A_919 = arith.cmpi eq, %iota3A, %eq3A_918 : vector<16xi32>
      %get3A_920 = arith.index_cast %add3A_896 : i32 to index
      %get3A_921 = arith.constant 0 : index
      %get3A_922 = tpu.vector_load %arg15[%get3A_920, %get3A_921] {strides = array<i32>} : memref<512x16xf32, #tpu.memory_space<vmem>>, vector<1x16xf32>,
      %get3A_923 = vector.shape_cast %get3A_922 : vector<1x16xf32> to vector<16xf32>
      %select_n3A_924 = arith.select %eq3A_919, %get3A_923, %broadcast_in_dim3A_262 : vector<16xi1>, vector<16xf32>
      %add3A_925 = arith.addf %add3A_915, %select_n3A_924 : vector<16xf32>
      %slice3A_926 = vector.extract_strided_slice %and3A_281 {offsets = [6], sizes = [1], strides = [1]} : vector<16xi32> to vector<1xi32>
      %squeeze3A_927 = vector.extract %slice3A_926[0] : i32 from vector<1xi32>
      %eq3A_928 = vector.broadcast %squeeze3A_927 : i32 to vector<16xi32>
      %eq3A_929 = arith.cmpi eq, %iota3A, %eq3A_928 : vector<16xi32>
      %get3A_930 = arith.index_cast %add3A_896 : i32 to index
      %get3A_931 = arith.constant 0 : index
      %get3A_932 = tpu.vector_load %arg16[%get3A_930, %get3A_931] {strides = array<i32>} : memref<512x16xf32, #tpu.memory_space<vmem>>, vector<1x16xf32>,
      %get3A_933 = vector.shape_cast %get3A_932 : vector<1x16xf32> to vector<16xf32>
      %select_n3A_934 = arith.select %eq3A_929, %get3A_933, %broadcast_in_dim3A_262 : vector<16xi1>, vector<16xf32>
      %add3A_935 = arith.addf %add3A_925, %select_n3A_934 : vector<16xf32>
      %xor3A_936 = arith.constant 1 : i32
      %xor3A_937 = vector.broadcast %xor3A_936 : i32 to vector<16xi32>
      %xor3A_938 = arith.xori %iota3A, %xor3A_937 : vector<16xi32>
      %lt3A_939 = arith.constant 0 : i32
      %lt3A_940 = vector.broadcast %lt3A_939 : i32 to vector<16xi32>
      %lt3A_941 = arith.cmpi slt, %xor3A_938, %lt3A_940 : vector<16xi32>
      %add3A_942 = arith.constant 16 : i32
      %add3A_943 = vector.broadcast %add3A_942 : i32 to vector<16xi32>
      %add3A_944 = arith.addi %xor3A_938, %add3A_943 : vector<16xi32>
      %select_n3A_945 = arith.select %lt3A_941, %add3A_944, %xor3A_938 : vector<16xi1>, vector<16xi32>
      %broadcast_in_dim3A_946 = vector.shape_cast %select_n3A_945 : vector<16xi32> to vector<16x1xi32>
      %gather3A_947 = vector.shape_cast %broadcast_in_dim3A_946 : vector<16x1xi32> to vector<16xi32>
      %gather3A_948 = tpu.dynamic_gather %add3A_935[%gather3A_947] in [0] : vector<16xf32>, vector<16xi32> -> vector<16xf32>
      %add3A_949 = arith.addf %add3A_935, %gather3A_948 : vector<16xf32>
      %xor3A_950 = arith.constant 2 : i32
      %xor3A_951 = vector.broadcast %xor3A_950 : i32 to vector<16xi32>
      %xor3A_952 = arith.xori %iota3A, %xor3A_951 : vector<16xi32>
      %lt3A_953 = arith.constant 0 : i32
      %lt3A_954 = vector.broadcast %lt3A_953 : i32 to vector<16xi32>
      %lt3A_955 = arith.cmpi slt, %xor3A_952, %lt3A_954 : vector<16xi32>
      %add3A_956 = arith.constant 16 : i32
      %add3A_957 = vector.broadcast %add3A_956 : i32 to vector<16xi32>
      %add3A_958 = arith.addi %xor3A_952, %add3A_957 : vector<16xi32>
      %select_n3A_959 = arith.select %lt3A_955, %add3A_958, %xor3A_952 : vector<16xi1>, vector<16xi32>
      %broadcast_in_dim3A_960 = vector.shape_cast %select_n3A_959 : vector<16xi32> to vector<16x1xi32>
      %gather3A_961 = vector.shape_cast %broadcast_in_dim3A_960 : vector<16x1xi32> to vector<16xi32>
      %gather3A_962 = tpu.dynamic_gather %add3A_949[%gather3A_961] in [0] : vector<16xf32>, vector<16xi32> -> vector<16xf32>
      %add3A_963 = arith.addf %add3A_949, %gather3A_962 : vector<16xf32>
      %xor3A_964 = arith.constant 4 : i32
      %xor3A_965 = vector.broadcast %xor3A_964 : i32 to vector<16xi32>
      %xor3A_966 = arith.xori %iota3A, %xor3A_965 : vector<16xi32>
      %lt3A_967 = arith.constant 0 : i32
      %lt3A_968 = vector.broadcast %lt3A_967 : i32 to vector<16xi32>
      %lt3A_969 = arith.cmpi slt, %xor3A_966, %lt3A_968 : vector<16xi32>
      %add3A_970 = arith.constant 16 : i32
      %add3A_971 = vector.broadcast %add3A_970 : i32 to vector<16xi32>
      %add3A_972 = arith.addi %xor3A_966, %add3A_971 : vector<16xi32>
      %select_n3A_973 = arith.select %lt3A_969, %add3A_972, %xor3A_966 : vector<16xi1>, vector<16xi32>
      %broadcast_in_dim3A_974 = vector.shape_cast %select_n3A_973 : vector<16xi32> to vector<16x1xi32>
      %gather3A_975 = vector.shape_cast %broadcast_in_dim3A_974 : vector<16x1xi32> to vector<16xi32>
      %gather3A_976 = tpu.dynamic_gather %add3A_963[%gather3A_975] in [0] : vector<16xf32>, vector<16xi32> -> vector<16xf32>
      %add3A_977 = arith.addf %add3A_963, %gather3A_976 : vector<16xf32>
      %xor3A_978 = arith.constant 8 : i32
      %xor3A_979 = vector.broadcast %xor3A_978 : i32 to vector<16xi32>
      %xor3A_980 = arith.xori %iota3A, %xor3A_979 : vector<16xi32>
      %lt3A_981 = arith.constant 0 : i32
      %lt3A_982 = vector.broadcast %lt3A_981 : i32 to vector<16xi32>
      %lt3A_983 = arith.cmpi slt, %xor3A_980, %lt3A_982 : vector<16xi32>
      %add3A_984 = arith.constant 16 : i32
      %add3A_985 = vector.broadcast %add3A_984 : i32 to vector<16xi32>
      %add3A_986 = arith.addi %xor3A_980, %add3A_985 : vector<16xi32>
      %select_n3A_987 = arith.select %lt3A_983, %add3A_986, %xor3A_980 : vector<16xi1>, vector<16xi32>
      %broadcast_in_dim3A_988 = vector.shape_cast %select_n3A_987 : vector<16xi32> to vector<16x1xi32>
      %gather3A_989 = vector.shape_cast %broadcast_in_dim3A_988 : vector<16x1xi32> to vector<16xi32>
      %gather3A_990 = tpu.dynamic_gather %add3A_977[%gather3A_989] in [0] : vector<16xf32>, vector<16xi32> -> vector<16xf32>
      %add3A_991 = arith.addf %add3A_977, %gather3A_990 : vector<16xf32>
      %eq3A_992 = arith.constant 6 : i32
      %eq3A_993 = vector.broadcast %eq3A_992 : i32 to vector<16xi32>
      %eq3A_994 = arith.cmpi eq, %iota3A, %eq3A_993 : vector<16xi32>
      %select_n3A_995 = arith.select %eq3A_994, %add3A_991, %select_n3A_892 : vector<16xi1>, vector<16xf32>
      %mul3A_996 = arith.constant 16 : i32
      %mul3A_997 = arith.muli %scan3A_269, %mul3A_996 : i32
      %add3A_998 = arith.constant 7 : i32
      %add3A_999 = arith.addi %mul3A_997, %add3A_998 : i32
      %get3A_1000 = arith.index_cast %add3A_999 : i32 to index
      %get3A_1001 = arith.constant 0 : index
      %get3A_1002 = tpu.vector_load %arg13[%get3A_1000, %get3A_1001] {strides = array<i32>} : memref<512x32xf32, #tpu.memory_space<vmem>>, vector<1x16xf32>,
      %get3A_1003 = vector.shape_cast %get3A_1002 : vector<1x16xf32> to vector<16xf32>
      %get3A_1004 = arith.index_cast %add3A_999 : i32 to index
      %get3A_1005 = arith.constant 0 : index
      %get3A_1006 = tpu.vector_load %arg14[%get3A_1004, %get3A_1005] {strides = array<i32>} : memref<512x32xf32, #tpu.memory_space<vmem>>, vector<1x16xf32>,
      %get3A_1007 = vector.shape_cast %get3A_1006 : vector<1x16xf32> to vector<16xf32>
      %mul3A_1008 = arith.mulf %get3A_1003, %get3A_1007 : vector<16xf32>
      %get3A_1009 = arith.index_cast %add3A_999 : i32 to index
      %get3A_1010 = arith.constant 16 : index
      %get3A_1011 = tpu.vector_load %arg13[%get3A_1009, %get3A_1010] {strides = array<i32>} : memref<512x32xf32, #tpu.memory_space<vmem>>, vector<1x16xf32>,
      %get3A_1012 = vector.shape_cast %get3A_1011 : vector<1x16xf32> to vector<16xf32>
      %get3A_1013 = arith.index_cast %add3A_999 : i32 to index
      %get3A_1014 = arith.constant 16 : index
      %get3A_1015 = tpu.vector_load %arg14[%get3A_1013, %get3A_1014] {strides = array<i32>} : memref<512x32xf32, #tpu.memory_space<vmem>>, vector<1x16xf32>,
      %get3A_1016 = vector.shape_cast %get3A_1015 : vector<1x16xf32> to vector<16xf32>
      %mul3A_1017 = arith.mulf %get3A_1012, %get3A_1016 : vector<16xf32>
      %add3A_1018 = arith.addf %mul3A_1008, %mul3A_1017 : vector<16xf32>
      %slice3A_1019 = vector.extract_strided_slice %and3A_275 {offsets = [7], sizes = [1], strides = [1]} : vector<16xi32> to vector<1xi32>
      %squeeze3A_1020 = vector.extract %slice3A_1019[0] : i32 from vector<1xi32>
      %eq3A_1021 = vector.broadcast %squeeze3A_1020 : i32 to vector<16xi32>
      %eq3A_1022 = arith.cmpi eq, %iota3A, %eq3A_1021 : vector<16xi32>
      %get3A_1023 = arith.index_cast %add3A_999 : i32 to index
      %get3A_1024 = arith.constant 0 : index
      %get3A_1025 = tpu.vector_load %arg15[%get3A_1023, %get3A_1024] {strides = array<i32>} : memref<512x16xf32, #tpu.memory_space<vmem>>, vector<1x16xf32>,
      %get3A_1026 = vector.shape_cast %get3A_1025 : vector<1x16xf32> to vector<16xf32>
      %select_n3A_1027 = arith.select %eq3A_1022, %get3A_1026, %broadcast_in_dim3A_262 : vector<16xi1>, vector<16xf32>
      %add3A_1028 = arith.addf %add3A_1018, %select_n3A_1027 : vector<16xf32>
      %slice3A_1029 = vector.extract_strided_slice %and3A_281 {offsets = [7], sizes = [1], strides = [1]} : vector<16xi32> to vector<1xi32>
      %squeeze3A_1030 = vector.extract %slice3A_1029[0] : i32 from vector<1xi32>
      %eq3A_1031 = vector.broadcast %squeeze3A_1030 : i32 to vector<16xi32>
      %eq3A_1032 = arith.cmpi eq, %iota3A, %eq3A_1031 : vector<16xi32>
      %get3A_1033 = arith.index_cast %add3A_999 : i32 to index
      %get3A_1034 = arith.constant 0 : index
      %get3A_1035 = tpu.vector_load %arg16[%get3A_1033, %get3A_1034] {strides = array<i32>} : memref<512x16xf32, #tpu.memory_space<vmem>>, vector<1x16xf32>,
      %get3A_1036 = vector.shape_cast %get3A_1035 : vector<1x16xf32> to vector<16xf32>
      %select_n3A_1037 = arith.select %eq3A_1032, %get3A_1036, %broadcast_in_dim3A_262 : vector<16xi1>, vector<16xf32>
      %add3A_1038 = arith.addf %add3A_1028, %select_n3A_1037 : vector<16xf32>
      %xor3A_1039 = arith.constant 1 : i32
      %xor3A_1040 = vector.broadcast %xor3A_1039 : i32 to vector<16xi32>
      %xor3A_1041 = arith.xori %iota3A, %xor3A_1040 : vector<16xi32>
      %lt3A_1042 = arith.constant 0 : i32
      %lt3A_1043 = vector.broadcast %lt3A_1042 : i32 to vector<16xi32>
      %lt3A_1044 = arith.cmpi slt, %xor3A_1041, %lt3A_1043 : vector<16xi32>
      %add3A_1045 = arith.constant 16 : i32
      %add3A_1046 = vector.broadcast %add3A_1045 : i32 to vector<16xi32>
      %add3A_1047 = arith.addi %xor3A_1041, %add3A_1046 : vector<16xi32>
      %select_n3A_1048 = arith.select %lt3A_1044, %add3A_1047, %xor3A_1041 : vector<16xi1>, vector<16xi32>
      %broadcast_in_dim3A_1049 = vector.shape_cast %select_n3A_1048 : vector<16xi32> to vector<16x1xi32>
      %gather3A_1050 = vector.shape_cast %broadcast_in_dim3A_1049 : vector<16x1xi32> to vector<16xi32>
      %gather3A_1051 = tpu.dynamic_gather %add3A_1038[%gather3A_1050] in [0] : vector<16xf32>, vector<16xi32> -> vector<16xf32>
      %add3A_1052 = arith.addf %add3A_1038, %gather3A_1051 : vector<16xf32>
      %xor3A_1053 = arith.constant 2 : i32
      %xor3A_1054 = vector.broadcast %xor3A_1053 : i32 to vector<16xi32>
      %xor3A_1055 = arith.xori %iota3A, %xor3A_1054 : vector<16xi32>
      %lt3A_1056 = arith.constant 0 : i32
      %lt3A_1057 = vector.broadcast %lt3A_1056 : i32 to vector<16xi32>
      %lt3A_1058 = arith.cmpi slt, %xor3A_1055, %lt3A_1057 : vector<16xi32>
      %add3A_1059 = arith.constant 16 : i32
      %add3A_1060 = vector.broadcast %add3A_1059 : i32 to vector<16xi32>
      %add3A_1061 = arith.addi %xor3A_1055, %add3A_1060 : vector<16xi32>
      %select_n3A_1062 = arith.select %lt3A_1058, %add3A_1061, %xor3A_1055 : vector<16xi1>, vector<16xi32>
      %broadcast_in_dim3A_1063 = vector.shape_cast %select_n3A_1062 : vector<16xi32> to vector<16x1xi32>
      %gather3A_1064 = vector.shape_cast %broadcast_in_dim3A_1063 : vector<16x1xi32> to vector<16xi32>
      %gather3A_1065 = tpu.dynamic_gather %add3A_1052[%gather3A_1064] in [0] : vector<16xf32>, vector<16xi32> -> vector<16xf32>
      %add3A_1066 = arith.addf %add3A_1052, %gather3A_1065 : vector<16xf32>
      %xor3A_1067 = arith.constant 4 : i32
      %xor3A_1068 = vector.broadcast %xor3A_1067 : i32 to vector<16xi32>
      %xor3A_1069 = arith.xori %iota3A, %xor3A_1068 : vector<16xi32>
      %lt3A_1070 = arith.constant 0 : i32
      %lt3A_1071 = vector.broadcast %lt3A_1070 : i32 to vector<16xi32>
      %lt3A_1072 = arith.cmpi slt, %xor3A_1069, %lt3A_1071 : vector<16xi32>
      %add3A_1073 = arith.constant 16 : i32
      %add3A_1074 = vector.broadcast %add3A_1073 : i32 to vector<16xi32>
      %add3A_1075 = arith.addi %xor3A_1069, %add3A_1074 : vector<16xi32>
      %select_n3A_1076 = arith.select %lt3A_1072, %add3A_1075, %xor3A_1069 : vector<16xi1>, vector<16xi32>
      %broadcast_in_dim3A_1077 = vector.shape_cast %select_n3A_1076 : vector<16xi32> to vector<16x1xi32>
      %gather3A_1078 = vector.shape_cast %broadcast_in_dim3A_1077 : vector<16x1xi32> to vector<16xi32>
      %gather3A_1079 = tpu.dynamic_gather %add3A_1066[%gather3A_1078] in [0] : vector<16xf32>, vector<16xi32> -> vector<16xf32>
      %add3A_1080 = arith.addf %add3A_1066, %gather3A_1079 : vector<16xf32>
      %xor3A_1081 = arith.constant 8 : i32
      %xor3A_1082 = vector.broadcast %xor3A_1081 : i32 to vector<16xi32>
      %xor3A_1083 = arith.xori %iota3A, %xor3A_1082 : vector<16xi32>
      %lt3A_1084 = arith.constant 0 : i32
      %lt3A_1085 = vector.broadcast %lt3A_1084 : i32 to vector<16xi32>
      %lt3A_1086 = arith.cmpi slt, %xor3A_1083, %lt3A_1085 : vector<16xi32>
      %add3A_1087 = arith.constant 16 : i32
      %add3A_1088 = vector.broadcast %add3A_1087 : i32 to vector<16xi32>
      %add3A_1089 = arith.addi %xor3A_1083, %add3A_1088 : vector<16xi32>
      %select_n3A_1090 = arith.select %lt3A_1086, %add3A_1089, %xor3A_1083 : vector<16xi1>, vector<16xi32>
      %broadcast_in_dim3A_1091 = vector.shape_cast %select_n3A_1090 : vector<16xi32> to vector<16x1xi32>
      %gather3A_1092 = vector.shape_cast %broadcast_in_dim3A_1091 : vector<16x1xi32> to vector<16xi32>
      %gather3A_1093 = tpu.dynamic_gather %add3A_1080[%gather3A_1092] in [0] : vector<16xf32>, vector<16xi32> -> vector<16xf32>
      %add3A_1094 = arith.addf %add3A_1080, %gather3A_1093 : vector<16xf32>
      %eq3A_1095 = arith.constant 7 : i32
      %eq3A_1096 = vector.broadcast %eq3A_1095 : i32 to vector<16xi32>
      %eq3A_1097 = arith.cmpi eq, %iota3A, %eq3A_1096 : vector<16xi32>
      %select_n3A_1098 = arith.select %eq3A_1097, %add3A_1094, %select_n3A_995 : vector<16xi1>, vector<16xf32>
      %mul3A_1099 = arith.constant 16 : i32
      %mul3A_1100 = arith.muli %scan3A_269, %mul3A_1099 : i32
      %add3A_1101 = arith.constant 8 : i32
      %add3A_1102 = arith.addi %mul3A_1100, %add3A_1101 : i32
      %get3A_1103 = arith.index_cast %add3A_1102 : i32 to index
      %get3A_1104 = arith.constant 0 : index
      %get3A_1105 = tpu.vector_load %arg13[%get3A_1103, %get3A_1104] {strides = array<i32>} : memref<512x32xf32, #tpu.memory_space<vmem>>, vector<1x16xf32>,
      %get3A_1106 = vector.shape_cast %get3A_1105 : vector<1x16xf32> to vector<16xf32>
      %get3A_1107 = arith.index_cast %add3A_1102 : i32 to index
      %get3A_1108 = arith.constant 0 : index
      %get3A_1109 = tpu.vector_load %arg14[%get3A_1107, %get3A_1108] {strides = array<i32>} : memref<512x32xf32, #tpu.memory_space<vmem>>, vector<1x16xf32>,
      %get3A_1110 = vector.shape_cast %get3A_1109 : vector<1x16xf32> to vector<16xf32>
      %mul3A_1111 = arith.mulf %get3A_1106, %get3A_1110 : vector<16xf32>
      %get3A_1112 = arith.index_cast %add3A_1102 : i32 to index
      %get3A_1113 = arith.constant 16 : index
      %get3A_1114 = tpu.vector_load %arg13[%get3A_1112, %get3A_1113] {strides = array<i32>} : memref<512x32xf32, #tpu.memory_space<vmem>>, vector<1x16xf32>,
      %get3A_1115 = vector.shape_cast %get3A_1114 : vector<1x16xf32> to vector<16xf32>
      %get3A_1116 = arith.index_cast %add3A_1102 : i32 to index
      %get3A_1117 = arith.constant 16 : index
      %get3A_1118 = tpu.vector_load %arg14[%get3A_1116, %get3A_1117] {strides = array<i32>} : memref<512x32xf32, #tpu.memory_space<vmem>>, vector<1x16xf32>,
      %get3A_1119 = vector.shape_cast %get3A_1118 : vector<1x16xf32> to vector<16xf32>
      %mul3A_1120 = arith.mulf %get3A_1115, %get3A_1119 : vector<16xf32>
      %add3A_1121 = arith.addf %mul3A_1111, %mul3A_1120 : vector<16xf32>
      %slice3A_1122 = vector.extract_strided_slice %and3A_275 {offsets = [8], sizes = [1], strides = [1]} : vector<16xi32> to vector<1xi32>
      %squeeze3A_1123 = vector.extract %slice3A_1122[0] : i32 from vector<1xi32>
      %eq3A_1124 = vector.broadcast %squeeze3A_1123 : i32 to vector<16xi32>
      %eq3A_1125 = arith.cmpi eq, %iota3A, %eq3A_1124 : vector<16xi32>
      %get3A_1126 = arith.index_cast %add3A_1102 : i32 to index
      %get3A_1127 = arith.constant 0 : index
      %get3A_1128 = tpu.vector_load %arg15[%get3A_1126, %get3A_1127] {strides = array<i32>} : memref<512x16xf32, #tpu.memory_space<vmem>>, vector<1x16xf32>,
      %get3A_1129 = vector.shape_cast %get3A_1128 : vector<1x16xf32> to vector<16xf32>
      %select_n3A_1130 = arith.select %eq3A_1125, %get3A_1129, %broadcast_in_dim3A_262 : vector<16xi1>, vector<16xf32>
      %add3A_1131 = arith.addf %add3A_1121, %select_n3A_1130 : vector<16xf32>
      %slice3A_1132 = vector.extract_strided_slice %and3A_281 {offsets = [8], sizes = [1], strides = [1]} : vector<16xi32> to vector<1xi32>
      %squeeze3A_1133 = vector.extract %slice3A_1132[0] : i32 from vector<1xi32>
      %eq3A_1134 = vector.broadcast %squeeze3A_1133 : i32 to vector<16xi32>
      %eq3A_1135 = arith.cmpi eq, %iota3A, %eq3A_1134 : vector<16xi32>
      %get3A_1136 = arith.index_cast %add3A_1102 : i32 to index
      %get3A_1137 = arith.constant 0 : index
      %get3A_1138 = tpu.vector_load %arg16[%get3A_1136, %get3A_1137] {strides = array<i32>} : memref<512x16xf32, #tpu.memory_space<vmem>>, vector<1x16xf32>,
      %get3A_1139 = vector.shape_cast %get3A_1138 : vector<1x16xf32> to vector<16xf32>
      %select_n3A_1140 = arith.select %eq3A_1135, %get3A_1139, %broadcast_in_dim3A_262 : vector<16xi1>, vector<16xf32>
      %add3A_1141 = arith.addf %add3A_1131, %select_n3A_1140 : vector<16xf32>
      %xor3A_1142 = arith.constant 1 : i32
      %xor3A_1143 = vector.broadcast %xor3A_1142 : i32 to vector<16xi32>
      %xor3A_1144 = arith.xori %iota3A, %xor3A_1143 : vector<16xi32>
      %lt3A_1145 = arith.constant 0 : i32
      %lt3A_1146 = vector.broadcast %lt3A_1145 : i32 to vector<16xi32>
      %lt3A_1147 = arith.cmpi slt, %xor3A_1144, %lt3A_1146 : vector<16xi32>
      %add3A_1148 = arith.constant 16 : i32
      %add3A_1149 = vector.broadcast %add3A_1148 : i32 to vector<16xi32>
      %add3A_1150 = arith.addi %xor3A_1144, %add3A_1149 : vector<16xi32>
      %select_n3A_1151 = arith.select %lt3A_1147, %add3A_1150, %xor3A_1144 : vector<16xi1>, vector<16xi32>
      %broadcast_in_dim3A_1152 = vector.shape_cast %select_n3A_1151 : vector<16xi32> to vector<16x1xi32>
      %gather3A_1153 = vector.shape_cast %broadcast_in_dim3A_1152 : vector<16x1xi32> to vector<16xi32>
      %gather3A_1154 = tpu.dynamic_gather %add3A_1141[%gather3A_1153] in [0] : vector<16xf32>, vector<16xi32> -> vector<16xf32>
      %add3A_1155 = arith.addf %add3A_1141, %gather3A_1154 : vector<16xf32>
      %xor3A_1156 = arith.constant 2 : i32
      %xor3A_1157 = vector.broadcast %xor3A_1156 : i32 to vector<16xi32>
      %xor3A_1158 = arith.xori %iota3A, %xor3A_1157 : vector<16xi32>
      %lt3A_1159 = arith.constant 0 : i32
      %lt3A_1160 = vector.broadcast %lt3A_1159 : i32 to vector<16xi32>
      %lt3A_1161 = arith.cmpi slt, %xor3A_1158, %lt3A_1160 : vector<16xi32>
      %add3A_1162 = arith.constant 16 : i32
      %add3A_1163 = vector.broadcast %add3A_1162 : i32 to vector<16xi32>
      %add3A_1164 = arith.addi %xor3A_1158, %add3A_1163 : vector<16xi32>
      %select_n3A_1165 = arith.select %lt3A_1161, %add3A_1164, %xor3A_1158 : vector<16xi1>, vector<16xi32>
      %broadcast_in_dim3A_1166 = vector.shape_cast %select_n3A_1165 : vector<16xi32> to vector<16x1xi32>
      %gather3A_1167 = vector.shape_cast %broadcast_in_dim3A_1166 : vector<16x1xi32> to vector<16xi32>
      %gather3A_1168 = tpu.dynamic_gather %add3A_1155[%gather3A_1167] in [0] : vector<16xf32>, vector<16xi32> -> vector<16xf32>
      %add3A_1169 = arith.addf %add3A_1155, %gather3A_1168 : vector<16xf32>
      %xor3A_1170 = arith.constant 4 : i32
      %xor3A_1171 = vector.broadcast %xor3A_1170 : i32 to vector<16xi32>
      %xor3A_1172 = arith.xori %iota3A, %xor3A_1171 : vector<16xi32>
      %lt3A_1173 = arith.constant 0 : i32
      %lt3A_1174 = vector.broadcast %lt3A_1173 : i32 to vector<16xi32>
      %lt3A_1175 = arith.cmpi slt, %xor3A_1172, %lt3A_1174 : vector<16xi32>
      %add3A_1176 = arith.constant 16 : i32
      %add3A_1177 = vector.broadcast %add3A_1176 : i32 to vector<16xi32>
      %add3A_1178 = arith.addi %xor3A_1172, %add3A_1177 : vector<16xi32>
      %select_n3A_1179 = arith.select %lt3A_1175, %add3A_1178, %xor3A_1172 : vector<16xi1>, vector<16xi32>
      %broadcast_in_dim3A_1180 = vector.shape_cast %select_n3A_1179 : vector<16xi32> to vector<16x1xi32>
      %gather3A_1181 = vector.shape_cast %broadcast_in_dim3A_1180 : vector<16x1xi32> to vector<16xi32>
      %gather3A_1182 = tpu.dynamic_gather %add3A_1169[%gather3A_1181] in [0] : vector<16xf32>, vector<16xi32> -> vector<16xf32>
      %add3A_1183 = arith.addf %add3A_1169, %gather3A_1182 : vector<16xf32>
      %xor3A_1184 = arith.constant 8 : i32
      %xor3A_1185 = vector.broadcast %xor3A_1184 : i32 to vector<16xi32>
      %xor3A_1186 = arith.xori %iota3A, %xor3A_1185 : vector<16xi32>
      %lt3A_1187 = arith.constant 0 : i32
      %lt3A_1188 = vector.broadcast %lt3A_1187 : i32 to vector<16xi32>
      %lt3A_1189 = arith.cmpi slt, %xor3A_1186, %lt3A_1188 : vector<16xi32>
      %add3A_1190 = arith.constant 16 : i32
      %add3A_1191 = vector.broadcast %add3A_1190 : i32 to vector<16xi32>
      %add3A_1192 = arith.addi %xor3A_1186, %add3A_1191 : vector<16xi32>
      %select_n3A_1193 = arith.select %lt3A_1189, %add3A_1192, %xor3A_1186 : vector<16xi1>, vector<16xi32>
      %broadcast_in_dim3A_1194 = vector.shape_cast %select_n3A_1193 : vector<16xi32> to vector<16x1xi32>
      %gather3A_1195 = vector.shape_cast %broadcast_in_dim3A_1194 : vector<16x1xi32> to vector<16xi32>
      %gather3A_1196 = tpu.dynamic_gather %add3A_1183[%gather3A_1195] in [0] : vector<16xf32>, vector<16xi32> -> vector<16xf32>
      %add3A_1197 = arith.addf %add3A_1183, %gather3A_1196 : vector<16xf32>
      %eq3A_1198 = arith.constant 8 : i32
      %eq3A_1199 = vector.broadcast %eq3A_1198 : i32 to vector<16xi32>
      %eq3A_1200 = arith.cmpi eq, %iota3A, %eq3A_1199 : vector<16xi32>
      %select_n3A_1201 = arith.select %eq3A_1200, %add3A_1197, %select_n3A_1098 : vector<16xi1>, vector<16xf32>
      %mul3A_1202 = arith.constant 16 : i32
      %mul3A_1203 = arith.muli %scan3A_269, %mul3A_1202 : i32
      %add3A_1204 = arith.constant 9 : i32
      %add3A_1205 = arith.addi %mul3A_1203, %add3A_1204 : i32
      %get3A_1206 = arith.index_cast %add3A_1205 : i32 to index
      %get3A_1207 = arith.constant 0 : index
      %get3A_1208 = tpu.vector_load %arg13[%get3A_1206, %get3A_1207] {strides = array<i32>} : memref<512x32xf32, #tpu.memory_space<vmem>>, vector<1x16xf32>,
      %get3A_1209 = vector.shape_cast %get3A_1208 : vector<1x16xf32> to vector<16xf32>
      %get3A_1210 = arith.index_cast %add3A_1205 : i32 to index
      %get3A_1211 = arith.constant 0 : index
      %get3A_1212 = tpu.vector_load %arg14[%get3A_1210, %get3A_1211] {strides = array<i32>} : memref<512x32xf32, #tpu.memory_space<vmem>>, vector<1x16xf32>,
      %get3A_1213 = vector.shape_cast %get3A_1212 : vector<1x16xf32> to vector<16xf32>
      %mul3A_1214 = arith.mulf %get3A_1209, %get3A_1213 : vector<16xf32>
      %get3A_1215 = arith.index_cast %add3A_1205 : i32 to index
      %get3A_1216 = arith.constant 16 : index
      %get3A_1217 = tpu.vector_load %arg13[%get3A_1215, %get3A_1216] {strides = array<i32>} : memref<512x32xf32, #tpu.memory_space<vmem>>, vector<1x16xf32>,
      %get3A_1218 = vector.shape_cast %get3A_1217 : vector<1x16xf32> to vector<16xf32>
      %get3A_1219 = arith.index_cast %add3A_1205 : i32 to index
      %get3A_1220 = arith.constant 16 : index
      %get3A_1221 = tpu.vector_load %arg14[%get3A_1219, %get3A_1220] {strides = array<i32>} : memref<512x32xf32, #tpu.memory_space<vmem>>, vector<1x16xf32>,
      %get3A_1222 = vector.shape_cast %get3A_1221 : vector<1x16xf32> to vector<16xf32>
      %mul3A_1223 = arith.mulf %get3A_1218, %get3A_1222 : vector<16xf32>
      %add3A_1224 = arith.addf %mul3A_1214, %mul3A_1223 : vector<16xf32>
      %slice3A_1225 = vector.extract_strided_slice %and3A_275 {offsets = [9], sizes = [1], strides = [1]} : vector<16xi32> to vector<1xi32>
      %squeeze3A_1226 = vector.extract %slice3A_1225[0] : i32 from vector<1xi32>
      %eq3A_1227 = vector.broadcast %squeeze3A_1226 : i32 to vector<16xi32>
      %eq3A_1228 = arith.cmpi eq, %iota3A, %eq3A_1227 : vector<16xi32>
      %get3A_1229 = arith.index_cast %add3A_1205 : i32 to index
      %get3A_1230 = arith.constant 0 : index
      %get3A_1231 = tpu.vector_load %arg15[%get3A_1229, %get3A_1230] {strides = array<i32>} : memref<512x16xf32, #tpu.memory_space<vmem>>, vector<1x16xf32>,
      %get3A_1232 = vector.shape_cast %get3A_1231 : vector<1x16xf32> to vector<16xf32>
      %select_n3A_1233 = arith.select %eq3A_1228, %get3A_1232, %broadcast_in_dim3A_262 : vector<16xi1>, vector<16xf32>
      %add3A_1234 = arith.addf %add3A_1224, %select_n3A_1233 : vector<16xf32>
      %slice3A_1235 = vector.extract_strided_slice %and3A_281 {offsets = [9], sizes = [1], strides = [1]} : vector<16xi32> to vector<1xi32>
      %squeeze3A_1236 = vector.extract %slice3A_1235[0] : i32 from vector<1xi32>
      %eq3A_1237 = vector.broadcast %squeeze3A_1236 : i32 to vector<16xi32>
      %eq3A_1238 = arith.cmpi eq, %iota3A, %eq3A_1237 : vector<16xi32>
      %get3A_1239 = arith.index_cast %add3A_1205 : i32 to index
      %get3A_1240 = arith.constant 0 : index
      %get3A_1241 = tpu.vector_load %arg16[%get3A_1239, %get3A_1240] {strides = array<i32>} : memref<512x16xf32, #tpu.memory_space<vmem>>, vector<1x16xf32>,
      %get3A_1242 = vector.shape_cast %get3A_1241 : vector<1x16xf32> to vector<16xf32>
      %select_n3A_1243 = arith.select %eq3A_1238, %get3A_1242, %broadcast_in_dim3A_262 : vector<16xi1>, vector<16xf32>
      %add3A_1244 = arith.addf %add3A_1234, %select_n3A_1243 : vector<16xf32>
      %xor3A_1245 = arith.constant 1 : i32
      %xor3A_1246 = vector.broadcast %xor3A_1245 : i32 to vector<16xi32>
      %xor3A_1247 = arith.xori %iota3A, %xor3A_1246 : vector<16xi32>
      %lt3A_1248 = arith.constant 0 : i32
      %lt3A_1249 = vector.broadcast %lt3A_1248 : i32 to vector<16xi32>
      %lt3A_1250 = arith.cmpi slt, %xor3A_1247, %lt3A_1249 : vector<16xi32>
      %add3A_1251 = arith.constant 16 : i32
      %add3A_1252 = vector.broadcast %add3A_1251 : i32 to vector<16xi32>
      %add3A_1253 = arith.addi %xor3A_1247, %add3A_1252 : vector<16xi32>
      %select_n3A_1254 = arith.select %lt3A_1250, %add3A_1253, %xor3A_1247 : vector<16xi1>, vector<16xi32>
      %broadcast_in_dim3A_1255 = vector.shape_cast %select_n3A_1254 : vector<16xi32> to vector<16x1xi32>
      %gather3A_1256 = vector.shape_cast %broadcast_in_dim3A_1255 : vector<16x1xi32> to vector<16xi32>
      %gather3A_1257 = tpu.dynamic_gather %add3A_1244[%gather3A_1256] in [0] : vector<16xf32>, vector<16xi32> -> vector<16xf32>
      %add3A_1258 = arith.addf %add3A_1244, %gather3A_1257 : vector<16xf32>
      %xor3A_1259 = arith.constant 2 : i32
      %xor3A_1260 = vector.broadcast %xor3A_1259 : i32 to vector<16xi32>
      %xor3A_1261 = arith.xori %iota3A, %xor3A_1260 : vector<16xi32>
      %lt3A_1262 = arith.constant 0 : i32
      %lt3A_1263 = vector.broadcast %lt3A_1262 : i32 to vector<16xi32>
      %lt3A_1264 = arith.cmpi slt, %xor3A_1261, %lt3A_1263 : vector<16xi32>
      %add3A_1265 = arith.constant 16 : i32
      %add3A_1266 = vector.broadcast %add3A_1265 : i32 to vector<16xi32>
      %add3A_1267 = arith.addi %xor3A_1261, %add3A_1266 : vector<16xi32>
      %select_n3A_1268 = arith.select %lt3A_1264, %add3A_1267, %xor3A_1261 : vector<16xi1>, vector<16xi32>
      %broadcast_in_dim3A_1269 = vector.shape_cast %select_n3A_1268 : vector<16xi32> to vector<16x1xi32>
      %gather3A_1270 = vector.shape_cast %broadcast_in_dim3A_1269 : vector<16x1xi32> to vector<16xi32>
      %gather3A_1271 = tpu.dynamic_gather %add3A_1258[%gather3A_1270] in [0] : vector<16xf32>, vector<16xi32> -> vector<16xf32>
      %add3A_1272 = arith.addf %add3A_1258, %gather3A_1271 : vector<16xf32>
      %xor3A_1273 = arith.constant 4 : i32
      %xor3A_1274 = vector.broadcast %xor3A_1273 : i32 to vector<16xi32>
      %xor3A_1275 = arith.xori %iota3A, %xor3A_1274 : vector<16xi32>
      %lt3A_1276 = arith.constant 0 : i32
      %lt3A_1277 = vector.broadcast %lt3A_1276 : i32 to vector<16xi32>
      %lt3A_1278 = arith.cmpi slt, %xor3A_1275, %lt3A_1277 : vector<16xi32>
      %add3A_1279 = arith.constant 16 : i32
      %add3A_1280 = vector.broadcast %add3A_1279 : i32 to vector<16xi32>
      %add3A_1281 = arith.addi %xor3A_1275, %add3A_1280 : vector<16xi32>
      %select_n3A_1282 = arith.select %lt3A_1278, %add3A_1281, %xor3A_1275 : vector<16xi1>, vector<16xi32>
      %broadcast_in_dim3A_1283 = vector.shape_cast %select_n3A_1282 : vector<16xi32> to vector<16x1xi32>
      %gather3A_1284 = vector.shape_cast %broadcast_in_dim3A_1283 : vector<16x1xi32> to vector<16xi32>
      %gather3A_1285 = tpu.dynamic_gather %add3A_1272[%gather3A_1284] in [0] : vector<16xf32>, vector<16xi32> -> vector<16xf32>
      %add3A_1286 = arith.addf %add3A_1272, %gather3A_1285 : vector<16xf32>
      %xor3A_1287 = arith.constant 8 : i32
      %xor3A_1288 = vector.broadcast %xor3A_1287 : i32 to vector<16xi32>
      %xor3A_1289 = arith.xori %iota3A, %xor3A_1288 : vector<16xi32>
      %lt3A_1290 = arith.constant 0 : i32
      %lt3A_1291 = vector.broadcast %lt3A_1290 : i32 to vector<16xi32>
      %lt3A_1292 = arith.cmpi slt, %xor3A_1289, %lt3A_1291 : vector<16xi32>
      %add3A_1293 = arith.constant 16 : i32
      %add3A_1294 = vector.broadcast %add3A_1293 : i32 to vector<16xi32>
      %add3A_1295 = arith.addi %xor3A_1289, %add3A_1294 : vector<16xi32>
      %select_n3A_1296 = arith.select %lt3A_1292, %add3A_1295, %xor3A_1289 : vector<16xi1>, vector<16xi32>
      %broadcast_in_dim3A_1297 = vector.shape_cast %select_n3A_1296 : vector<16xi32> to vector<16x1xi32>
      %gather3A_1298 = vector.shape_cast %broadcast_in_dim3A_1297 : vector<16x1xi32> to vector<16xi32>
      %gather3A_1299 = tpu.dynamic_gather %add3A_1286[%gather3A_1298] in [0] : vector<16xf32>, vector<16xi32> -> vector<16xf32>
      %add3A_1300 = arith.addf %add3A_1286, %gather3A_1299 : vector<16xf32>
      %eq3A_1301 = arith.constant 9 : i32
      %eq3A_1302 = vector.broadcast %eq3A_1301 : i32 to vector<16xi32>
      %eq3A_1303 = arith.cmpi eq, %iota3A, %eq3A_1302 : vector<16xi32>
      %select_n3A_1304 = arith.select %eq3A_1303, %add3A_1300, %select_n3A_1201 : vector<16xi1>, vector<16xf32>
      %mul3A_1305 = arith.constant 16 : i32
      %mul3A_1306 = arith.muli %scan3A_269, %mul3A_1305 : i32
      %add3A_1307 = arith.constant 10 : i32
      %add3A_1308 = arith.addi %mul3A_1306, %add3A_1307 : i32
      %get3A_1309 = arith.index_cast %add3A_1308 : i32 to index
      %get3A_1310 = arith.constant 0 : index
      %get3A_1311 = tpu.vector_load %arg13[%get3A_1309, %get3A_1310] {strides = array<i32>} : memref<512x32xf32, #tpu.memory_space<vmem>>, vector<1x16xf32>,
      %get3A_1312 = vector.shape_cast %get3A_1311 : vector<1x16xf32> to vector<16xf32>
      %get3A_1313 = arith.index_cast %add3A_1308 : i32 to index
      %get3A_1314 = arith.constant 0 : index
      %get3A_1315 = tpu.vector_load %arg14[%get3A_1313, %get3A_1314] {strides = array<i32>} : memref<512x32xf32, #tpu.memory_space<vmem>>, vector<1x16xf32>,
      %get3A_1316 = vector.shape_cast %get3A_1315 : vector<1x16xf32> to vector<16xf32>
      %mul3A_1317 = arith.mulf %get3A_1312, %get3A_1316 : vector<16xf32>
      %get3A_1318 = arith.index_cast %add3A_1308 : i32 to index
      %get3A_1319 = arith.constant 16 : index
      %get3A_1320 = tpu.vector_load %arg13[%get3A_1318, %get3A_1319] {strides = array<i32>} : memref<512x32xf32, #tpu.memory_space<vmem>>, vector<1x16xf32>,
      %get3A_1321 = vector.shape_cast %get3A_1320 : vector<1x16xf32> to vector<16xf32>
      %get3A_1322 = arith.index_cast %add3A_1308 : i32 to index
      %get3A_1323 = arith.constant 16 : index
      %get3A_1324 = tpu.vector_load %arg14[%get3A_1322, %get3A_1323] {strides = array<i32>} : memref<512x32xf32, #tpu.memory_space<vmem>>, vector<1x16xf32>,
      %get3A_1325 = vector.shape_cast %get3A_1324 : vector<1x16xf32> to vector<16xf32>
      %mul3A_1326 = arith.mulf %get3A_1321, %get3A_1325 : vector<16xf32>
      %add3A_1327 = arith.addf %mul3A_1317, %mul3A_1326 : vector<16xf32>
      %slice3A_1328 = vector.extract_strided_slice %and3A_275 {offsets = [10], sizes = [1], strides = [1]} : vector<16xi32> to vector<1xi32>
      %squeeze3A_1329 = vector.extract %slice3A_1328[0] : i32 from vector<1xi32>
      %eq3A_1330 = vector.broadcast %squeeze3A_1329 : i32 to vector<16xi32>
      %eq3A_1331 = arith.cmpi eq, %iota3A, %eq3A_1330 : vector<16xi32>
      %get3A_1332 = arith.index_cast %add3A_1308 : i32 to index
      %get3A_1333 = arith.constant 0 : index
      %get3A_1334 = tpu.vector_load %arg15[%get3A_1332, %get3A_1333] {strides = array<i32>} : memref<512x16xf32, #tpu.memory_space<vmem>>, vector<1x16xf32>,
      %get3A_1335 = vector.shape_cast %get3A_1334 : vector<1x16xf32> to vector<16xf32>
      %select_n3A_1336 = arith.select %eq3A_1331, %get3A_1335, %broadcast_in_dim3A_262 : vector<16xi1>, vector<16xf32>
      %add3A_1337 = arith.addf %add3A_1327, %select_n3A_1336 : vector<16xf32>
      %slice3A_1338 = vector.extract_strided_slice %and3A_281 {offsets = [10], sizes = [1], strides = [1]} : vector<16xi32> to vector<1xi32>
      %squeeze3A_1339 = vector.extract %slice3A_1338[0] : i32 from vector<1xi32>
      %eq3A_1340 = vector.broadcast %squeeze3A_1339 : i32 to vector<16xi32>
      %eq3A_1341 = arith.cmpi eq, %iota3A, %eq3A_1340 : vector<16xi32>
      %get3A_1342 = arith.index_cast %add3A_1308 : i32 to index
      %get3A_1343 = arith.constant 0 : index
      %get3A_1344 = tpu.vector_load %arg16[%get3A_1342, %get3A_1343] {strides = array<i32>} : memref<512x16xf32, #tpu.memory_space<vmem>>, vector<1x16xf32>,
      %get3A_1345 = vector.shape_cast %get3A_1344 : vector<1x16xf32> to vector<16xf32>
      %select_n3A_1346 = arith.select %eq3A_1341, %get3A_1345, %broadcast_in_dim3A_262 : vector<16xi1>, vector<16xf32>
      %add3A_1347 = arith.addf %add3A_1337, %select_n3A_1346 : vector<16xf32>
      %xor3A_1348 = arith.constant 1 : i32
      %xor3A_1349 = vector.broadcast %xor3A_1348 : i32 to vector<16xi32>
      %xor3A_1350 = arith.xori %iota3A, %xor3A_1349 : vector<16xi32>
      %lt3A_1351 = arith.constant 0 : i32
      %lt3A_1352 = vector.broadcast %lt3A_1351 : i32 to vector<16xi32>
      %lt3A_1353 = arith.cmpi slt, %xor3A_1350, %lt3A_1352 : vector<16xi32>
      %add3A_1354 = arith.constant 16 : i32
      %add3A_1355 = vector.broadcast %add3A_1354 : i32 to vector<16xi32>
      %add3A_1356 = arith.addi %xor3A_1350, %add3A_1355 : vector<16xi32>
      %select_n3A_1357 = arith.select %lt3A_1353, %add3A_1356, %xor3A_1350 : vector<16xi1>, vector<16xi32>
      %broadcast_in_dim3A_1358 = vector.shape_cast %select_n3A_1357 : vector<16xi32> to vector<16x1xi32>
      %gather3A_1359 = vector.shape_cast %broadcast_in_dim3A_1358 : vector<16x1xi32> to vector<16xi32>
      %gather3A_1360 = tpu.dynamic_gather %add3A_1347[%gather3A_1359] in [0] : vector<16xf32>, vector<16xi32> -> vector<16xf32>
      %add3A_1361 = arith.addf %add3A_1347, %gather3A_1360 : vector<16xf32>
      %xor3A_1362 = arith.constant 2 : i32
      %xor3A_1363 = vector.broadcast %xor3A_1362 : i32 to vector<16xi32>
      %xor3A_1364 = arith.xori %iota3A, %xor3A_1363 : vector<16xi32>
      %lt3A_1365 = arith.constant 0 : i32
      %lt3A_1366 = vector.broadcast %lt3A_1365 : i32 to vector<16xi32>
      %lt3A_1367 = arith.cmpi slt, %xor3A_1364, %lt3A_1366 : vector<16xi32>
      %add3A_1368 = arith.constant 16 : i32
      %add3A_1369 = vector.broadcast %add3A_1368 : i32 to vector<16xi32>
      %add3A_1370 = arith.addi %xor3A_1364, %add3A_1369 : vector<16xi32>
      %select_n3A_1371 = arith.select %lt3A_1367, %add3A_1370, %xor3A_1364 : vector<16xi1>, vector<16xi32>
      %broadcast_in_dim3A_1372 = vector.shape_cast %select_n3A_1371 : vector<16xi32> to vector<16x1xi32>
      %gather3A_1373 = vector.shape_cast %broadcast_in_dim3A_1372 : vector<16x1xi32> to vector<16xi32>
      %gather3A_1374 = tpu.dynamic_gather %add3A_1361[%gather3A_1373] in [0] : vector<16xf32>, vector<16xi32> -> vector<16xf32>
      %add3A_1375 = arith.addf %add3A_1361, %gather3A_1374 : vector<16xf32>
      %xor3A_1376 = arith.constant 4 : i32
      %xor3A_1377 = vector.broadcast %xor3A_1376 : i32 to vector<16xi32>
      %xor3A_1378 = arith.xori %iota3A, %xor3A_1377 : vector<16xi32>
      %lt3A_1379 = arith.constant 0 : i32
      %lt3A_1380 = vector.broadcast %lt3A_1379 : i32 to vector<16xi32>
      %lt3A_1381 = arith.cmpi slt, %xor3A_1378, %lt3A_1380 : vector<16xi32>
      %add3A_1382 = arith.constant 16 : i32
      %add3A_1383 = vector.broadcast %add3A_1382 : i32 to vector<16xi32>
      %add3A_1384 = arith.addi %xor3A_1378, %add3A_1383 : vector<16xi32>
      %select_n3A_1385 = arith.select %lt3A_1381, %add3A_1384, %xor3A_1378 : vector<16xi1>, vector<16xi32>
      %broadcast_in_dim3A_1386 = vector.shape_cast %select_n3A_1385 : vector<16xi32> to vector<16x1xi32>
      %gather3A_1387 = vector.shape_cast %broadcast_in_dim3A_1386 : vector<16x1xi32> to vector<16xi32>
      %gather3A_1388 = tpu.dynamic_gather %add3A_1375[%gather3A_1387] in [0] : vector<16xf32>, vector<16xi32> -> vector<16xf32>
      %add3A_1389 = arith.addf %add3A_1375, %gather3A_1388 : vector<16xf32>
      %xor3A_1390 = arith.constant 8 : i32
      %xor3A_1391 = vector.broadcast %xor3A_1390 : i32 to vector<16xi32>
      %xor3A_1392 = arith.xori %iota3A, %xor3A_1391 : vector<16xi32>
      %lt3A_1393 = arith.constant 0 : i32
      %lt3A_1394 = vector.broadcast %lt3A_1393 : i32 to vector<16xi32>
      %lt3A_1395 = arith.cmpi slt, %xor3A_1392, %lt3A_1394 : vector<16xi32>
      %add3A_1396 = arith.constant 16 : i32
      %add3A_1397 = vector.broadcast %add3A_1396 : i32 to vector<16xi32>
      %add3A_1398 = arith.addi %xor3A_1392, %add3A_1397 : vector<16xi32>
      %select_n3A_1399 = arith.select %lt3A_1395, %add3A_1398, %xor3A_1392 : vector<16xi1>, vector<16xi32>
      %broadcast_in_dim3A_1400 = vector.shape_cast %select_n3A_1399 : vector<16xi32> to vector<16x1xi32>
      %gather3A_1401 = vector.shape_cast %broadcast_in_dim3A_1400 : vector<16x1xi32> to vector<16xi32>
      %gather3A_1402 = tpu.dynamic_gather %add3A_1389[%gather3A_1401] in [0] : vector<16xf32>, vector<16xi32> -> vector<16xf32>
      %add3A_1403 = arith.addf %add3A_1389, %gather3A_1402 : vector<16xf32>
      %eq3A_1404 = arith.constant 10 : i32
      %eq3A_1405 = vector.broadcast %eq3A_1404 : i32 to vector<16xi32>
      %eq3A_1406 = arith.cmpi eq, %iota3A, %eq3A_1405 : vector<16xi32>
      %select_n3A_1407 = arith.select %eq3A_1406, %add3A_1403, %select_n3A_1304 : vector<16xi1>, vector<16xf32>
      %mul3A_1408 = arith.constant 16 : i32
      %mul3A_1409 = arith.muli %scan3A_269, %mul3A_1408 : i32
      %add3A_1410 = arith.constant 11 : i32
      %add3A_1411 = arith.addi %mul3A_1409, %add3A_1410 : i32
      %get3A_1412 = arith.index_cast %add3A_1411 : i32 to index
      %get3A_1413 = arith.constant 0 : index
      %get3A_1414 = tpu.vector_load %arg13[%get3A_1412, %get3A_1413] {strides = array<i32>} : memref<512x32xf32, #tpu.memory_space<vmem>>, vector<1x16xf32>,
      %get3A_1415 = vector.shape_cast %get3A_1414 : vector<1x16xf32> to vector<16xf32>
      %get3A_1416 = arith.index_cast %add3A_1411 : i32 to index
      %get3A_1417 = arith.constant 0 : index
      %get3A_1418 = tpu.vector_load %arg14[%get3A_1416, %get3A_1417] {strides = array<i32>} : memref<512x32xf32, #tpu.memory_space<vmem>>, vector<1x16xf32>,
      %get3A_1419 = vector.shape_cast %get3A_1418 : vector<1x16xf32> to vector<16xf32>
      %mul3A_1420 = arith.mulf %get3A_1415, %get3A_1419 : vector<16xf32>
      %get3A_1421 = arith.index_cast %add3A_1411 : i32 to index
      %get3A_1422 = arith.constant 16 : index
      %get3A_1423 = tpu.vector_load %arg13[%get3A_1421, %get3A_1422] {strides = array<i32>} : memref<512x32xf32, #tpu.memory_space<vmem>>, vector<1x16xf32>,
      %get3A_1424 = vector.shape_cast %get3A_1423 : vector<1x16xf32> to vector<16xf32>
      %get3A_1425 = arith.index_cast %add3A_1411 : i32 to index
      %get3A_1426 = arith.constant 16 : index
      %get3A_1427 = tpu.vector_load %arg14[%get3A_1425, %get3A_1426] {strides = array<i32>} : memref<512x32xf32, #tpu.memory_space<vmem>>, vector<1x16xf32>,
      %get3A_1428 = vector.shape_cast %get3A_1427 : vector<1x16xf32> to vector<16xf32>
      %mul3A_1429 = arith.mulf %get3A_1424, %get3A_1428 : vector<16xf32>
      %add3A_1430 = arith.addf %mul3A_1420, %mul3A_1429 : vector<16xf32>
      %slice3A_1431 = vector.extract_strided_slice %and3A_275 {offsets = [11], sizes = [1], strides = [1]} : vector<16xi32> to vector<1xi32>
      %squeeze3A_1432 = vector.extract %slice3A_1431[0] : i32 from vector<1xi32>
      %eq3A_1433 = vector.broadcast %squeeze3A_1432 : i32 to vector<16xi32>
      %eq3A_1434 = arith.cmpi eq, %iota3A, %eq3A_1433 : vector<16xi32>
      %get3A_1435 = arith.index_cast %add3A_1411 : i32 to index
      %get3A_1436 = arith.constant 0 : index
      %get3A_1437 = tpu.vector_load %arg15[%get3A_1435, %get3A_1436] {strides = array<i32>} : memref<512x16xf32, #tpu.memory_space<vmem>>, vector<1x16xf32>,
      %get3A_1438 = vector.shape_cast %get3A_1437 : vector<1x16xf32> to vector<16xf32>
      %select_n3A_1439 = arith.select %eq3A_1434, %get3A_1438, %broadcast_in_dim3A_262 : vector<16xi1>, vector<16xf32>
      %add3A_1440 = arith.addf %add3A_1430, %select_n3A_1439 : vector<16xf32>
      %slice3A_1441 = vector.extract_strided_slice %and3A_281 {offsets = [11], sizes = [1], strides = [1]} : vector<16xi32> to vector<1xi32>
      %squeeze3A_1442 = vector.extract %slice3A_1441[0] : i32 from vector<1xi32>
      %eq3A_1443 = vector.broadcast %squeeze3A_1442 : i32 to vector<16xi32>
      %eq3A_1444 = arith.cmpi eq, %iota3A, %eq3A_1443 : vector<16xi32>
      %get3A_1445 = arith.index_cast %add3A_1411 : i32 to index
      %get3A_1446 = arith.constant 0 : index
      %get3A_1447 = tpu.vector_load %arg16[%get3A_1445, %get3A_1446] {strides = array<i32>} : memref<512x16xf32, #tpu.memory_space<vmem>>, vector<1x16xf32>,
      %get3A_1448 = vector.shape_cast %get3A_1447 : vector<1x16xf32> to vector<16xf32>
      %select_n3A_1449 = arith.select %eq3A_1444, %get3A_1448, %broadcast_in_dim3A_262 : vector<16xi1>, vector<16xf32>
      %add3A_1450 = arith.addf %add3A_1440, %select_n3A_1449 : vector<16xf32>
      %xor3A_1451 = arith.constant 1 : i32
      %xor3A_1452 = vector.broadcast %xor3A_1451 : i32 to vector<16xi32>
      %xor3A_1453 = arith.xori %iota3A, %xor3A_1452 : vector<16xi32>
      %lt3A_1454 = arith.constant 0 : i32
      %lt3A_1455 = vector.broadcast %lt3A_1454 : i32 to vector<16xi32>
      %lt3A_1456 = arith.cmpi slt, %xor3A_1453, %lt3A_1455 : vector<16xi32>
      %add3A_1457 = arith.constant 16 : i32
      %add3A_1458 = vector.broadcast %add3A_1457 : i32 to vector<16xi32>
      %add3A_1459 = arith.addi %xor3A_1453, %add3A_1458 : vector<16xi32>
      %select_n3A_1460 = arith.select %lt3A_1456, %add3A_1459, %xor3A_1453 : vector<16xi1>, vector<16xi32>
      %broadcast_in_dim3A_1461 = vector.shape_cast %select_n3A_1460 : vector<16xi32> to vector<16x1xi32>
      %gather3A_1462 = vector.shape_cast %broadcast_in_dim3A_1461 : vector<16x1xi32> to vector<16xi32>
      %gather3A_1463 = tpu.dynamic_gather %add3A_1450[%gather3A_1462] in [0] : vector<16xf32>, vector<16xi32> -> vector<16xf32>
      %add3A_1464 = arith.addf %add3A_1450, %gather3A_1463 : vector<16xf32>
      %xor3A_1465 = arith.constant 2 : i32
      %xor3A_1466 = vector.broadcast %xor3A_1465 : i32 to vector<16xi32>
      %xor3A_1467 = arith.xori %iota3A, %xor3A_1466 : vector<16xi32>
      %lt3A_1468 = arith.constant 0 : i32
      %lt3A_1469 = vector.broadcast %lt3A_1468 : i32 to vector<16xi32>
      %lt3A_1470 = arith.cmpi slt, %xor3A_1467, %lt3A_1469 : vector<16xi32>
      %add3A_1471 = arith.constant 16 : i32
      %add3A_1472 = vector.broadcast %add3A_1471 : i32 to vector<16xi32>
      %add3A_1473 = arith.addi %xor3A_1467, %add3A_1472 : vector<16xi32>
      %select_n3A_1474 = arith.select %lt3A_1470, %add3A_1473, %xor3A_1467 : vector<16xi1>, vector<16xi32>
      %broadcast_in_dim3A_1475 = vector.shape_cast %select_n3A_1474 : vector<16xi32> to vector<16x1xi32>
      %gather3A_1476 = vector.shape_cast %broadcast_in_dim3A_1475 : vector<16x1xi32> to vector<16xi32>
      %gather3A_1477 = tpu.dynamic_gather %add3A_1464[%gather3A_1476] in [0] : vector<16xf32>, vector<16xi32> -> vector<16xf32>
      %add3A_1478 = arith.addf %add3A_1464, %gather3A_1477 : vector<16xf32>
      %xor3A_1479 = arith.constant 4 : i32
      %xor3A_1480 = vector.broadcast %xor3A_1479 : i32 to vector<16xi32>
      %xor3A_1481 = arith.xori %iota3A, %xor3A_1480 : vector<16xi32>
      %lt3A_1482 = arith.constant 0 : i32
      %lt3A_1483 = vector.broadcast %lt3A_1482 : i32 to vector<16xi32>
      %lt3A_1484 = arith.cmpi slt, %xor3A_1481, %lt3A_1483 : vector<16xi32>
      %add3A_1485 = arith.constant 16 : i32
      %add3A_1486 = vector.broadcast %add3A_1485 : i32 to vector<16xi32>
      %add3A_1487 = arith.addi %xor3A_1481, %add3A_1486 : vector<16xi32>
      %select_n3A_1488 = arith.select %lt3A_1484, %add3A_1487, %xor3A_1481 : vector<16xi1>, vector<16xi32>
      %broadcast_in_dim3A_1489 = vector.shape_cast %select_n3A_1488 : vector<16xi32> to vector<16x1xi32>
      %gather3A_1490 = vector.shape_cast %broadcast_in_dim3A_1489 : vector<16x1xi32> to vector<16xi32>
      %gather3A_1491 = tpu.dynamic_gather %add3A_1478[%gather3A_1490] in [0] : vector<16xf32>, vector<16xi32> -> vector<16xf32>
      %add3A_1492 = arith.addf %add3A_1478, %gather3A_1491 : vector<16xf32>
      %xor3A_1493 = arith.constant 8 : i32
      %xor3A_1494 = vector.broadcast %xor3A_1493 : i32 to vector<16xi32>
      %xor3A_1495 = arith.xori %iota3A, %xor3A_1494 : vector<16xi32>
      %lt3A_1496 = arith.constant 0 : i32
      %lt3A_1497 = vector.broadcast %lt3A_1496 : i32 to vector<16xi32>
      %lt3A_1498 = arith.cmpi slt, %xor3A_1495, %lt3A_1497 : vector<16xi32>
      %add3A_1499 = arith.constant 16 : i32
      %add3A_1500 = vector.broadcast %add3A_1499 : i32 to vector<16xi32>
      %add3A_1501 = arith.addi %xor3A_1495, %add3A_1500 : vector<16xi32>
      %select_n3A_1502 = arith.select %lt3A_1498, %add3A_1501, %xor3A_1495 : vector<16xi1>, vector<16xi32>
      %broadcast_in_dim3A_1503 = vector.shape_cast %select_n3A_1502 : vector<16xi32> to vector<16x1xi32>
      %gather3A_1504 = vector.shape_cast %broadcast_in_dim3A_1503 : vector<16x1xi32> to vector<16xi32>
      %gather3A_1505 = tpu.dynamic_gather %add3A_1492[%gather3A_1504] in [0] : vector<16xf32>, vector<16xi32> -> vector<16xf32>
      %add3A_1506 = arith.addf %add3A_1492, %gather3A_1505 : vector<16xf32>
      %eq3A_1507 = arith.constant 11 : i32
      %eq3A_1508 = vector.broadcast %eq3A_1507 : i32 to vector<16xi32>
      %eq3A_1509 = arith.cmpi eq, %iota3A, %eq3A_1508 : vector<16xi32>
      %select_n3A_1510 = arith.select %eq3A_1509, %add3A_1506, %select_n3A_1407 : vector<16xi1>, vector<16xf32>
      %mul3A_1511 = arith.constant 16 : i32
      %mul3A_1512 = arith.muli %scan3A_269, %mul3A_1511 : i32
      %add3A_1513 = arith.constant 12 : i32
      %add3A_1514 = arith.addi %mul3A_1512, %add3A_1513 : i32
      %get3A_1515 = arith.index_cast %add3A_1514 : i32 to index
      %get3A_1516 = arith.constant 0 : index
      %get3A_1517 = tpu.vector_load %arg13[%get3A_1515, %get3A_1516] {strides = array<i32>} : memref<512x32xf32, #tpu.memory_space<vmem>>, vector<1x16xf32>,
      %get3A_1518 = vector.shape_cast %get3A_1517 : vector<1x16xf32> to vector<16xf32>
      %get3A_1519 = arith.index_cast %add3A_1514 : i32 to index
      %get3A_1520 = arith.constant 0 : index
      %get3A_1521 = tpu.vector_load %arg14[%get3A_1519, %get3A_1520] {strides = array<i32>} : memref<512x32xf32, #tpu.memory_space<vmem>>, vector<1x16xf32>,
      %get3A_1522 = vector.shape_cast %get3A_1521 : vector<1x16xf32> to vector<16xf32>
      %mul3A_1523 = arith.mulf %get3A_1518, %get3A_1522 : vector<16xf32>
      %get3A_1524 = arith.index_cast %add3A_1514 : i32 to index
      %get3A_1525 = arith.constant 16 : index
      %get3A_1526 = tpu.vector_load %arg13[%get3A_1524, %get3A_1525] {strides = array<i32>} : memref<512x32xf32, #tpu.memory_space<vmem>>, vector<1x16xf32>,
      %get3A_1527 = vector.shape_cast %get3A_1526 : vector<1x16xf32> to vector<16xf32>
      %get3A_1528 = arith.index_cast %add3A_1514 : i32 to index
      %get3A_1529 = arith.constant 16 : index
      %get3A_1530 = tpu.vector_load %arg14[%get3A_1528, %get3A_1529] {strides = array<i32>} : memref<512x32xf32, #tpu.memory_space<vmem>>, vector<1x16xf32>,
      %get3A_1531 = vector.shape_cast %get3A_1530 : vector<1x16xf32> to vector<16xf32>
      %mul3A_1532 = arith.mulf %get3A_1527, %get3A_1531 : vector<16xf32>
      %add3A_1533 = arith.addf %mul3A_1523, %mul3A_1532 : vector<16xf32>
      %slice3A_1534 = vector.extract_strided_slice %and3A_275 {offsets = [12], sizes = [1], strides = [1]} : vector<16xi32> to vector<1xi32>
      %squeeze3A_1535 = vector.extract %slice3A_1534[0] : i32 from vector<1xi32>
      %eq3A_1536 = vector.broadcast %squeeze3A_1535 : i32 to vector<16xi32>
      %eq3A_1537 = arith.cmpi eq, %iota3A, %eq3A_1536 : vector<16xi32>
      %get3A_1538 = arith.index_cast %add3A_1514 : i32 to index
      %get3A_1539 = arith.constant 0 : index
      %get3A_1540 = tpu.vector_load %arg15[%get3A_1538, %get3A_1539] {strides = array<i32>} : memref<512x16xf32, #tpu.memory_space<vmem>>, vector<1x16xf32>,
      %get3A_1541 = vector.shape_cast %get3A_1540 : vector<1x16xf32> to vector<16xf32>
      %select_n3A_1542 = arith.select %eq3A_1537, %get3A_1541, %broadcast_in_dim3A_262 : vector<16xi1>, vector<16xf32>
      %add3A_1543 = arith.addf %add3A_1533, %select_n3A_1542 : vector<16xf32>
      %slice3A_1544 = vector.extract_strided_slice %and3A_281 {offsets = [12], sizes = [1], strides = [1]} : vector<16xi32> to vector<1xi32>
      %squeeze3A_1545 = vector.extract %slice3A_1544[0] : i32 from vector<1xi32>
      %eq3A_1546 = vector.broadcast %squeeze3A_1545 : i32 to vector<16xi32>
      %eq3A_1547 = arith.cmpi eq, %iota3A, %eq3A_1546 : vector<16xi32>
      %get3A_1548 = arith.index_cast %add3A_1514 : i32 to index
      %get3A_1549 = arith.constant 0 : index
      %get3A_1550 = tpu.vector_load %arg16[%get3A_1548, %get3A_1549] {strides = array<i32>} : memref<512x16xf32, #tpu.memory_space<vmem>>, vector<1x16xf32>,
      %get3A_1551 = vector.shape_cast %get3A_1550 : vector<1x16xf32> to vector<16xf32>
      %select_n3A_1552 = arith.select %eq3A_1547, %get3A_1551, %broadcast_in_dim3A_262 : vector<16xi1>, vector<16xf32>
      %add3A_1553 = arith.addf %add3A_1543, %select_n3A_1552 : vector<16xf32>
      %xor3A_1554 = arith.constant 1 : i32
      %xor3A_1555 = vector.broadcast %xor3A_1554 : i32 to vector<16xi32>
      %xor3A_1556 = arith.xori %iota3A, %xor3A_1555 : vector<16xi32>
      %lt3A_1557 = arith.constant 0 : i32
      %lt3A_1558 = vector.broadcast %lt3A_1557 : i32 to vector<16xi32>
      %lt3A_1559 = arith.cmpi slt, %xor3A_1556, %lt3A_1558 : vector<16xi32>
      %add3A_1560 = arith.constant 16 : i32
      %add3A_1561 = vector.broadcast %add3A_1560 : i32 to vector<16xi32>
      %add3A_1562 = arith.addi %xor3A_1556, %add3A_1561 : vector<16xi32>
      %select_n3A_1563 = arith.select %lt3A_1559, %add3A_1562, %xor3A_1556 : vector<16xi1>, vector<16xi32>
      %broadcast_in_dim3A_1564 = vector.shape_cast %select_n3A_1563 : vector<16xi32> to vector<16x1xi32>
      %gather3A_1565 = vector.shape_cast %broadcast_in_dim3A_1564 : vector<16x1xi32> to vector<16xi32>
      %gather3A_1566 = tpu.dynamic_gather %add3A_1553[%gather3A_1565] in [0] : vector<16xf32>, vector<16xi32> -> vector<16xf32>
      %add3A_1567 = arith.addf %add3A_1553, %gather3A_1566 : vector<16xf32>
      %xor3A_1568 = arith.constant 2 : i32
      %xor3A_1569 = vector.broadcast %xor3A_1568 : i32 to vector<16xi32>
      %xor3A_1570 = arith.xori %iota3A, %xor3A_1569 : vector<16xi32>
      %lt3A_1571 = arith.constant 0 : i32
      %lt3A_1572 = vector.broadcast %lt3A_1571 : i32 to vector<16xi32>
      %lt3A_1573 = arith.cmpi slt, %xor3A_1570, %lt3A_1572 : vector<16xi32>
      %add3A_1574 = arith.constant 16 : i32
      %add3A_1575 = vector.broadcast %add3A_1574 : i32 to vector<16xi32>
      %add3A_1576 = arith.addi %xor3A_1570, %add3A_1575 : vector<16xi32>
      %select_n3A_1577 = arith.select %lt3A_1573, %add3A_1576, %xor3A_1570 : vector<16xi1>, vector<16xi32>
      %broadcast_in_dim3A_1578 = vector.shape_cast %select_n3A_1577 : vector<16xi32> to vector<16x1xi32>
      %gather3A_1579 = vector.shape_cast %broadcast_in_dim3A_1578 : vector<16x1xi32> to vector<16xi32>
      %gather3A_1580 = tpu.dynamic_gather %add3A_1567[%gather3A_1579] in [0] : vector<16xf32>, vector<16xi32> -> vector<16xf32>
      %add3A_1581 = arith.addf %add3A_1567, %gather3A_1580 : vector<16xf32>
      %xor3A_1582 = arith.constant 4 : i32
      %xor3A_1583 = vector.broadcast %xor3A_1582 : i32 to vector<16xi32>
      %xor3A_1584 = arith.xori %iota3A, %xor3A_1583 : vector<16xi32>
      %lt3A_1585 = arith.constant 0 : i32
      %lt3A_1586 = vector.broadcast %lt3A_1585 : i32 to vector<16xi32>
      %lt3A_1587 = arith.cmpi slt, %xor3A_1584, %lt3A_1586 : vector<16xi32>
      %add3A_1588 = arith.constant 16 : i32
      %add3A_1589 = vector.broadcast %add3A_1588 : i32 to vector<16xi32>
      %add3A_1590 = arith.addi %xor3A_1584, %add3A_1589 : vector<16xi32>
      %select_n3A_1591 = arith.select %lt3A_1587, %add3A_1590, %xor3A_1584 : vector<16xi1>, vector<16xi32>
      %broadcast_in_dim3A_1592 = vector.shape_cast %select_n3A_1591 : vector<16xi32> to vector<16x1xi32>
      %gather3A_1593 = vector.shape_cast %broadcast_in_dim3A_1592 : vector<16x1xi32> to vector<16xi32>
      %gather3A_1594 = tpu.dynamic_gather %add3A_1581[%gather3A_1593] in [0] : vector<16xf32>, vector<16xi32> -> vector<16xf32>
      %add3A_1595 = arith.addf %add3A_1581, %gather3A_1594 : vector<16xf32>
      %xor3A_1596 = arith.constant 8 : i32
      %xor3A_1597 = vector.broadcast %xor3A_1596 : i32 to vector<16xi32>
      %xor3A_1598 = arith.xori %iota3A, %xor3A_1597 : vector<16xi32>
      %lt3A_1599 = arith.constant 0 : i32
      %lt3A_1600 = vector.broadcast %lt3A_1599 : i32 to vector<16xi32>
      %lt3A_1601 = arith.cmpi slt, %xor3A_1598, %lt3A_1600 : vector<16xi32>
      %add3A_1602 = arith.constant 16 : i32
      %add3A_1603 = vector.broadcast %add3A_1602 : i32 to vector<16xi32>
      %add3A_1604 = arith.addi %xor3A_1598, %add3A_1603 : vector<16xi32>
      %select_n3A_1605 = arith.select %lt3A_1601, %add3A_1604, %xor3A_1598 : vector<16xi1>, vector<16xi32>
      %broadcast_in_dim3A_1606 = vector.shape_cast %select_n3A_1605 : vector<16xi32> to vector<16x1xi32>
      %gather3A_1607 = vector.shape_cast %broadcast_in_dim3A_1606 : vector<16x1xi32> to vector<16xi32>
      %gather3A_1608 = tpu.dynamic_gather %add3A_1595[%gather3A_1607] in [0] : vector<16xf32>, vector<16xi32> -> vector<16xf32>
      %add3A_1609 = arith.addf %add3A_1595, %gather3A_1608 : vector<16xf32>
      %eq3A_1610 = arith.constant 12 : i32
      %eq3A_1611 = vector.broadcast %eq3A_1610 : i32 to vector<16xi32>
      %eq3A_1612 = arith.cmpi eq, %iota3A, %eq3A_1611 : vector<16xi32>
      %select_n3A_1613 = arith.select %eq3A_1612, %add3A_1609, %select_n3A_1510 : vector<16xi1>, vector<16xf32>
      %mul3A_1614 = arith.constant 16 : i32
      %mul3A_1615 = arith.muli %scan3A_269, %mul3A_1614 : i32
      %add3A_1616 = arith.constant 13 : i32
      %add3A_1617 = arith.addi %mul3A_1615, %add3A_1616 : i32
      %get3A_1618 = arith.index_cast %add3A_1617 : i32 to index
      %get3A_1619 = arith.constant 0 : index
      %get3A_1620 = tpu.vector_load %arg13[%get3A_1618, %get3A_1619] {strides = array<i32>} : memref<512x32xf32, #tpu.memory_space<vmem>>, vector<1x16xf32>,
      %get3A_1621 = vector.shape_cast %get3A_1620 : vector<1x16xf32> to vector<16xf32>
      %get3A_1622 = arith.index_cast %add3A_1617 : i32 to index
      %get3A_1623 = arith.constant 0 : index
      %get3A_1624 = tpu.vector_load %arg14[%get3A_1622, %get3A_1623] {strides = array<i32>} : memref<512x32xf32, #tpu.memory_space<vmem>>, vector<1x16xf32>,
      %get3A_1625 = vector.shape_cast %get3A_1624 : vector<1x16xf32> to vector<16xf32>
      %mul3A_1626 = arith.mulf %get3A_1621, %get3A_1625 : vector<16xf32>
      %get3A_1627 = arith.index_cast %add3A_1617 : i32 to index
      %get3A_1628 = arith.constant 16 : index
      %get3A_1629 = tpu.vector_load %arg13[%get3A_1627, %get3A_1628] {strides = array<i32>} : memref<512x32xf32, #tpu.memory_space<vmem>>, vector<1x16xf32>,
      %get3A_1630 = vector.shape_cast %get3A_1629 : vector<1x16xf32> to vector<16xf32>
      %get3A_1631 = arith.index_cast %add3A_1617 : i32 to index
      %get3A_1632 = arith.constant 16 : index
      %get3A_1633 = tpu.vector_load %arg14[%get3A_1631, %get3A_1632] {strides = array<i32>} : memref<512x32xf32, #tpu.memory_space<vmem>>, vector<1x16xf32>,
      %get3A_1634 = vector.shape_cast %get3A_1633 : vector<1x16xf32> to vector<16xf32>
      %mul3A_1635 = arith.mulf %get3A_1630, %get3A_1634 : vector<16xf32>
      %add3A_1636 = arith.addf %mul3A_1626, %mul3A_1635 : vector<16xf32>
      %slice3A_1637 = vector.extract_strided_slice %and3A_275 {offsets = [13], sizes = [1], strides = [1]} : vector<16xi32> to vector<1xi32>
      %squeeze3A_1638 = vector.extract %slice3A_1637[0] : i32 from vector<1xi32>
      %eq3A_1639 = vector.broadcast %squeeze3A_1638 : i32 to vector<16xi32>
      %eq3A_1640 = arith.cmpi eq, %iota3A, %eq3A_1639 : vector<16xi32>
      %get3A_1641 = arith.index_cast %add3A_1617 : i32 to index
      %get3A_1642 = arith.constant 0 : index
      %get3A_1643 = tpu.vector_load %arg15[%get3A_1641, %get3A_1642] {strides = array<i32>} : memref<512x16xf32, #tpu.memory_space<vmem>>, vector<1x16xf32>,
      %get3A_1644 = vector.shape_cast %get3A_1643 : vector<1x16xf32> to vector<16xf32>
      %select_n3A_1645 = arith.select %eq3A_1640, %get3A_1644, %broadcast_in_dim3A_262 : vector<16xi1>, vector<16xf32>
      %add3A_1646 = arith.addf %add3A_1636, %select_n3A_1645 : vector<16xf32>
      %slice3A_1647 = vector.extract_strided_slice %and3A_281 {offsets = [13], sizes = [1], strides = [1]} : vector<16xi32> to vector<1xi32>
      %squeeze3A_1648 = vector.extract %slice3A_1647[0] : i32 from vector<1xi32>
      %eq3A_1649 = vector.broadcast %squeeze3A_1648 : i32 to vector<16xi32>
      %eq3A_1650 = arith.cmpi eq, %iota3A, %eq3A_1649 : vector<16xi32>
      %get3A_1651 = arith.index_cast %add3A_1617 : i32 to index
      %get3A_1652 = arith.constant 0 : index
      %get3A_1653 = tpu.vector_load %arg16[%get3A_1651, %get3A_1652] {strides = array<i32>} : memref<512x16xf32, #tpu.memory_space<vmem>>, vector<1x16xf32>,
      %get3A_1654 = vector.shape_cast %get3A_1653 : vector<1x16xf32> to vector<16xf32>
      %select_n3A_1655 = arith.select %eq3A_1650, %get3A_1654, %broadcast_in_dim3A_262 : vector<16xi1>, vector<16xf32>
      %add3A_1656 = arith.addf %add3A_1646, %select_n3A_1655 : vector<16xf32>
      %xor3A_1657 = arith.constant 1 : i32
      %xor3A_1658 = vector.broadcast %xor3A_1657 : i32 to vector<16xi32>
      %xor3A_1659 = arith.xori %iota3A, %xor3A_1658 : vector<16xi32>
      %lt3A_1660 = arith.constant 0 : i32
      %lt3A_1661 = vector.broadcast %lt3A_1660 : i32 to vector<16xi32>
      %lt3A_1662 = arith.cmpi slt, %xor3A_1659, %lt3A_1661 : vector<16xi32>
      %add3A_1663 = arith.constant 16 : i32
      %add3A_1664 = vector.broadcast %add3A_1663 : i32 to vector<16xi32>
      %add3A_1665 = arith.addi %xor3A_1659, %add3A_1664 : vector<16xi32>
      %select_n3A_1666 = arith.select %lt3A_1662, %add3A_1665, %xor3A_1659 : vector<16xi1>, vector<16xi32>
      %broadcast_in_dim3A_1667 = vector.shape_cast %select_n3A_1666 : vector<16xi32> to vector<16x1xi32>
      %gather3A_1668 = vector.shape_cast %broadcast_in_dim3A_1667 : vector<16x1xi32> to vector<16xi32>
      %gather3A_1669 = tpu.dynamic_gather %add3A_1656[%gather3A_1668] in [0] : vector<16xf32>, vector<16xi32> -> vector<16xf32>
      %add3A_1670 = arith.addf %add3A_1656, %gather3A_1669 : vector<16xf32>
      %xor3A_1671 = arith.constant 2 : i32
      %xor3A_1672 = vector.broadcast %xor3A_1671 : i32 to vector<16xi32>
      %xor3A_1673 = arith.xori %iota3A, %xor3A_1672 : vector<16xi32>
      %lt3A_1674 = arith.constant 0 : i32
      %lt3A_1675 = vector.broadcast %lt3A_1674 : i32 to vector<16xi32>
      %lt3A_1676 = arith.cmpi slt, %xor3A_1673, %lt3A_1675 : vector<16xi32>
      %add3A_1677 = arith.constant 16 : i32
      %add3A_1678 = vector.broadcast %add3A_1677 : i32 to vector<16xi32>
      %add3A_1679 = arith.addi %xor3A_1673, %add3A_1678 : vector<16xi32>
      %select_n3A_1680 = arith.select %lt3A_1676, %add3A_1679, %xor3A_1673 : vector<16xi1>, vector<16xi32>
      %broadcast_in_dim3A_1681 = vector.shape_cast %select_n3A_1680 : vector<16xi32> to vector<16x1xi32>
      %gather3A_1682 = vector.shape_cast %broadcast_in_dim3A_1681 : vector<16x1xi32> to vector<16xi32>
      %gather3A_1683 = tpu.dynamic_gather %add3A_1670[%gather3A_1682] in [0] : vector<16xf32>, vector<16xi32> -> vector<16xf32>
      %add3A_1684 = arith.addf %add3A_1670, %gather3A_1683 : vector<16xf32>
      %xor3A_1685 = arith.constant 4 : i32
      %xor3A_1686 = vector.broadcast %xor3A_1685 : i32 to vector<16xi32>
      %xor3A_1687 = arith.xori %iota3A, %xor3A_1686 : vector<16xi32>
      %lt3A_1688 = arith.constant 0 : i32
      %lt3A_1689 = vector.broadcast %lt3A_1688 : i32 to vector<16xi32>
      %lt3A_1690 = arith.cmpi slt, %xor3A_1687, %lt3A_1689 : vector<16xi32>
      %add3A_1691 = arith.constant 16 : i32
      %add3A_1692 = vector.broadcast %add3A_1691 : i32 to vector<16xi32>
      %add3A_1693 = arith.addi %xor3A_1687, %add3A_1692 : vector<16xi32>
      %select_n3A_1694 = arith.select %lt3A_1690, %add3A_1693, %xor3A_1687 : vector<16xi1>, vector<16xi32>
      %broadcast_in_dim3A_1695 = vector.shape_cast %select_n3A_1694 : vector<16xi32> to vector<16x1xi32>
      %gather3A_1696 = vector.shape_cast %broadcast_in_dim3A_1695 : vector<16x1xi32> to vector<16xi32>
      %gather3A_1697 = tpu.dynamic_gather %add3A_1684[%gather3A_1696] in [0] : vector<16xf32>, vector<16xi32> -> vector<16xf32>
      %add3A_1698 = arith.addf %add3A_1684, %gather3A_1697 : vector<16xf32>
      %xor3A_1699 = arith.constant 8 : i32
      %xor3A_1700 = vector.broadcast %xor3A_1699 : i32 to vector<16xi32>
      %xor3A_1701 = arith.xori %iota3A, %xor3A_1700 : vector<16xi32>
      %lt3A_1702 = arith.constant 0 : i32
      %lt3A_1703 = vector.broadcast %lt3A_1702 : i32 to vector<16xi32>
      %lt3A_1704 = arith.cmpi slt, %xor3A_1701, %lt3A_1703 : vector<16xi32>
      %add3A_1705 = arith.constant 16 : i32
      %add3A_1706 = vector.broadcast %add3A_1705 : i32 to vector<16xi32>
      %add3A_1707 = arith.addi %xor3A_1701, %add3A_1706 : vector<16xi32>
      %select_n3A_1708 = arith.select %lt3A_1704, %add3A_1707, %xor3A_1701 : vector<16xi1>, vector<16xi32>
      %broadcast_in_dim3A_1709 = vector.shape_cast %select_n3A_1708 : vector<16xi32> to vector<16x1xi32>
      %gather3A_1710 = vector.shape_cast %broadcast_in_dim3A_1709 : vector<16x1xi32> to vector<16xi32>
      %gather3A_1711 = tpu.dynamic_gather %add3A_1698[%gather3A_1710] in [0] : vector<16xf32>, vector<16xi32> -> vector<16xf32>
      %add3A_1712 = arith.addf %add3A_1698, %gather3A_1711 : vector<16xf32>
      %eq3A_1713 = arith.constant 13 : i32
      %eq3A_1714 = vector.broadcast %eq3A_1713 : i32 to vector<16xi32>
      %eq3A_1715 = arith.cmpi eq, %iota3A, %eq3A_1714 : vector<16xi32>
      %select_n3A_1716 = arith.select %eq3A_1715, %add3A_1712, %select_n3A_1613 : vector<16xi1>, vector<16xf32>
      %mul3A_1717 = arith.constant 16 : i32
      %mul3A_1718 = arith.muli %scan3A_269, %mul3A_1717 : i32
      %add3A_1719 = arith.constant 14 : i32
      %add3A_1720 = arith.addi %mul3A_1718, %add3A_1719 : i32
      %get3A_1721 = arith.index_cast %add3A_1720 : i32 to index
      %get3A_1722 = arith.constant 0 : index
      %get3A_1723 = tpu.vector_load %arg13[%get3A_1721, %get3A_1722] {strides = array<i32>} : memref<512x32xf32, #tpu.memory_space<vmem>>, vector<1x16xf32>,
      %get3A_1724 = vector.shape_cast %get3A_1723 : vector<1x16xf32> to vector<16xf32>
      %get3A_1725 = arith.index_cast %add3A_1720 : i32 to index
      %get3A_1726 = arith.constant 0 : index
      %get3A_1727 = tpu.vector_load %arg14[%get3A_1725, %get3A_1726] {strides = array<i32>} : memref<512x32xf32, #tpu.memory_space<vmem>>, vector<1x16xf32>,
      %get3A_1728 = vector.shape_cast %get3A_1727 : vector<1x16xf32> to vector<16xf32>
      %mul3A_1729 = arith.mulf %get3A_1724, %get3A_1728 : vector<16xf32>
      %get3A_1730 = arith.index_cast %add3A_1720 : i32 to index
      %get3A_1731 = arith.constant 16 : index
      %get3A_1732 = tpu.vector_load %arg13[%get3A_1730, %get3A_1731] {strides = array<i32>} : memref<512x32xf32, #tpu.memory_space<vmem>>, vector<1x16xf32>,
      %get3A_1733 = vector.shape_cast %get3A_1732 : vector<1x16xf32> to vector<16xf32>
      %get3A_1734 = arith.index_cast %add3A_1720 : i32 to index
      %get3A_1735 = arith.constant 16 : index
      %get3A_1736 = tpu.vector_load %arg14[%get3A_1734, %get3A_1735] {strides = array<i32>} : memref<512x32xf32, #tpu.memory_space<vmem>>, vector<1x16xf32>,
      %get3A_1737 = vector.shape_cast %get3A_1736 : vector<1x16xf32> to vector<16xf32>
      %mul3A_1738 = arith.mulf %get3A_1733, %get3A_1737 : vector<16xf32>
      %add3A_1739 = arith.addf %mul3A_1729, %mul3A_1738 : vector<16xf32>
      %slice3A_1740 = vector.extract_strided_slice %and3A_275 {offsets = [14], sizes = [1], strides = [1]} : vector<16xi32> to vector<1xi32>
      %squeeze3A_1741 = vector.extract %slice3A_1740[0] : i32 from vector<1xi32>
      %eq3A_1742 = vector.broadcast %squeeze3A_1741 : i32 to vector<16xi32>
      %eq3A_1743 = arith.cmpi eq, %iota3A, %eq3A_1742 : vector<16xi32>
      %get3A_1744 = arith.index_cast %add3A_1720 : i32 to index
      %get3A_1745 = arith.constant 0 : index
      %get3A_1746 = tpu.vector_load %arg15[%get3A_1744, %get3A_1745] {strides = array<i32>} : memref<512x16xf32, #tpu.memory_space<vmem>>, vector<1x16xf32>,
      %get3A_1747 = vector.shape_cast %get3A_1746 : vector<1x16xf32> to vector<16xf32>
      %select_n3A_1748 = arith.select %eq3A_1743, %get3A_1747, %broadcast_in_dim3A_262 : vector<16xi1>, vector<16xf32>
      %add3A_1749 = arith.addf %add3A_1739, %select_n3A_1748 : vector<16xf32>
      %slice3A_1750 = vector.extract_strided_slice %and3A_281 {offsets = [14], sizes = [1], strides = [1]} : vector<16xi32> to vector<1xi32>
      %squeeze3A_1751 = vector.extract %slice3A_1750[0] : i32 from vector<1xi32>
      %eq3A_1752 = vector.broadcast %squeeze3A_1751 : i32 to vector<16xi32>
      %eq3A_1753 = arith.cmpi eq, %iota3A, %eq3A_1752 : vector<16xi32>
      %get3A_1754 = arith.index_cast %add3A_1720 : i32 to index
      %get3A_1755 = arith.constant 0 : index
      %get3A_1756 = tpu.vector_load %arg16[%get3A_1754, %get3A_1755] {strides = array<i32>} : memref<512x16xf32, #tpu.memory_space<vmem>>, vector<1x16xf32>,
      %get3A_1757 = vector.shape_cast %get3A_1756 : vector<1x16xf32> to vector<16xf32>
      %select_n3A_1758 = arith.select %eq3A_1753, %get3A_1757, %broadcast_in_dim3A_262 : vector<16xi1>, vector<16xf32>
      %add3A_1759 = arith.addf %add3A_1749, %select_n3A_1758 : vector<16xf32>
      %xor3A_1760 = arith.constant 1 : i32
      %xor3A_1761 = vector.broadcast %xor3A_1760 : i32 to vector<16xi32>
      %xor3A_1762 = arith.xori %iota3A, %xor3A_1761 : vector<16xi32>
      %lt3A_1763 = arith.constant 0 : i32
      %lt3A_1764 = vector.broadcast %lt3A_1763 : i32 to vector<16xi32>
      %lt3A_1765 = arith.cmpi slt, %xor3A_1762, %lt3A_1764 : vector<16xi32>
      %add3A_1766 = arith.constant 16 : i32
      %add3A_1767 = vector.broadcast %add3A_1766 : i32 to vector<16xi32>
      %add3A_1768 = arith.addi %xor3A_1762, %add3A_1767 : vector<16xi32>
      %select_n3A_1769 = arith.select %lt3A_1765, %add3A_1768, %xor3A_1762 : vector<16xi1>, vector<16xi32>
      %broadcast_in_dim3A_1770 = vector.shape_cast %select_n3A_1769 : vector<16xi32> to vector<16x1xi32>
      %gather3A_1771 = vector.shape_cast %broadcast_in_dim3A_1770 : vector<16x1xi32> to vector<16xi32>
      %gather3A_1772 = tpu.dynamic_gather %add3A_1759[%gather3A_1771] in [0] : vector<16xf32>, vector<16xi32> -> vector<16xf32>
      %add3A_1773 = arith.addf %add3A_1759, %gather3A_1772 : vector<16xf32>
      %xor3A_1774 = arith.constant 2 : i32
      %xor3A_1775 = vector.broadcast %xor3A_1774 : i32 to vector<16xi32>
      %xor3A_1776 = arith.xori %iota3A, %xor3A_1775 : vector<16xi32>
      %lt3A_1777 = arith.constant 0 : i32
      %lt3A_1778 = vector.broadcast %lt3A_1777 : i32 to vector<16xi32>
      %lt3A_1779 = arith.cmpi slt, %xor3A_1776, %lt3A_1778 : vector<16xi32>
      %add3A_1780 = arith.constant 16 : i32
      %add3A_1781 = vector.broadcast %add3A_1780 : i32 to vector<16xi32>
      %add3A_1782 = arith.addi %xor3A_1776, %add3A_1781 : vector<16xi32>
      %select_n3A_1783 = arith.select %lt3A_1779, %add3A_1782, %xor3A_1776 : vector<16xi1>, vector<16xi32>
      %broadcast_in_dim3A_1784 = vector.shape_cast %select_n3A_1783 : vector<16xi32> to vector<16x1xi32>
      %gather3A_1785 = vector.shape_cast %broadcast_in_dim3A_1784 : vector<16x1xi32> to vector<16xi32>
      %gather3A_1786 = tpu.dynamic_gather %add3A_1773[%gather3A_1785] in [0] : vector<16xf32>, vector<16xi32> -> vector<16xf32>
      %add3A_1787 = arith.addf %add3A_1773, %gather3A_1786 : vector<16xf32>
      %xor3A_1788 = arith.constant 4 : i32
      %xor3A_1789 = vector.broadcast %xor3A_1788 : i32 to vector<16xi32>
      %xor3A_1790 = arith.xori %iota3A, %xor3A_1789 : vector<16xi32>
      %lt3A_1791 = arith.constant 0 : i32
      %lt3A_1792 = vector.broadcast %lt3A_1791 : i32 to vector<16xi32>
      %lt3A_1793 = arith.cmpi slt, %xor3A_1790, %lt3A_1792 : vector<16xi32>
      %add3A_1794 = arith.constant 16 : i32
      %add3A_1795 = vector.broadcast %add3A_1794 : i32 to vector<16xi32>
      %add3A_1796 = arith.addi %xor3A_1790, %add3A_1795 : vector<16xi32>
      %select_n3A_1797 = arith.select %lt3A_1793, %add3A_1796, %xor3A_1790 : vector<16xi1>, vector<16xi32>
      %broadcast_in_dim3A_1798 = vector.shape_cast %select_n3A_1797 : vector<16xi32> to vector<16x1xi32>
      %gather3A_1799 = vector.shape_cast %broadcast_in_dim3A_1798 : vector<16x1xi32> to vector<16xi32>
      %gather3A_1800 = tpu.dynamic_gather %add3A_1787[%gather3A_1799] in [0] : vector<16xf32>, vector<16xi32> -> vector<16xf32>
      %add3A_1801 = arith.addf %add3A_1787, %gather3A_1800 : vector<16xf32>
      %xor3A_1802 = arith.constant 8 : i32
      %xor3A_1803 = vector.broadcast %xor3A_1802 : i32 to vector<16xi32>
      %xor3A_1804 = arith.xori %iota3A, %xor3A_1803 : vector<16xi32>
      %lt3A_1805 = arith.constant 0 : i32
      %lt3A_1806 = vector.broadcast %lt3A_1805 : i32 to vector<16xi32>
      %lt3A_1807 = arith.cmpi slt, %xor3A_1804, %lt3A_1806 : vector<16xi32>
      %add3A_1808 = arith.constant 16 : i32
      %add3A_1809 = vector.broadcast %add3A_1808 : i32 to vector<16xi32>
      %add3A_1810 = arith.addi %xor3A_1804, %add3A_1809 : vector<16xi32>
      %select_n3A_1811 = arith.select %lt3A_1807, %add3A_1810, %xor3A_1804 : vector<16xi1>, vector<16xi32>
      %broadcast_in_dim3A_1812 = vector.shape_cast %select_n3A_1811 : vector<16xi32> to vector<16x1xi32>
      %gather3A_1813 = vector.shape_cast %broadcast_in_dim3A_1812 : vector<16x1xi32> to vector<16xi32>
      %gather3A_1814 = tpu.dynamic_gather %add3A_1801[%gather3A_1813] in [0] : vector<16xf32>, vector<16xi32> -> vector<16xf32>
      %add3A_1815 = arith.addf %add3A_1801, %gather3A_1814 : vector<16xf32>
      %eq3A_1816 = arith.constant 14 : i32
      %eq3A_1817 = vector.broadcast %eq3A_1816 : i32 to vector<16xi32>
      %eq3A_1818 = arith.cmpi eq, %iota3A, %eq3A_1817 : vector<16xi32>
      %select_n3A_1819 = arith.select %eq3A_1818, %add3A_1815, %select_n3A_1716 : vector<16xi1>, vector<16xf32>
      %mul3A_1820 = arith.constant 16 : i32
      %mul3A_1821 = arith.muli %scan3A_269, %mul3A_1820 : i32
      %add3A_1822 = arith.constant 15 : i32
      %add3A_1823 = arith.addi %mul3A_1821, %add3A_1822 : i32
      %get3A_1824 = arith.index_cast %add3A_1823 : i32 to index
      %get3A_1825 = arith.constant 0 : index
      %get3A_1826 = tpu.vector_load %arg13[%get3A_1824, %get3A_1825] {strides = array<i32>} : memref<512x32xf32, #tpu.memory_space<vmem>>, vector<1x16xf32>,
      %get3A_1827 = vector.shape_cast %get3A_1826 : vector<1x16xf32> to vector<16xf32>
      %get3A_1828 = arith.index_cast %add3A_1823 : i32 to index
      %get3A_1829 = arith.constant 0 : index
      %get3A_1830 = tpu.vector_load %arg14[%get3A_1828, %get3A_1829] {strides = array<i32>} : memref<512x32xf32, #tpu.memory_space<vmem>>, vector<1x16xf32>,
      %get3A_1831 = vector.shape_cast %get3A_1830 : vector<1x16xf32> to vector<16xf32>
      %mul3A_1832 = arith.mulf %get3A_1827, %get3A_1831 : vector<16xf32>
      %get3A_1833 = arith.index_cast %add3A_1823 : i32 to index
      %get3A_1834 = arith.constant 16 : index
      %get3A_1835 = tpu.vector_load %arg13[%get3A_1833, %get3A_1834] {strides = array<i32>} : memref<512x32xf32, #tpu.memory_space<vmem>>, vector<1x16xf32>,
      %get3A_1836 = vector.shape_cast %get3A_1835 : vector<1x16xf32> to vector<16xf32>
      %get3A_1837 = arith.index_cast %add3A_1823 : i32 to index
      %get3A_1838 = arith.constant 16 : index
      %get3A_1839 = tpu.vector_load %arg14[%get3A_1837, %get3A_1838] {strides = array<i32>} : memref<512x32xf32, #tpu.memory_space<vmem>>, vector<1x16xf32>,
      %get3A_1840 = vector.shape_cast %get3A_1839 : vector<1x16xf32> to vector<16xf32>
      %mul3A_1841 = arith.mulf %get3A_1836, %get3A_1840 : vector<16xf32>
      %add3A_1842 = arith.addf %mul3A_1832, %mul3A_1841 : vector<16xf32>
      %slice3A_1843 = vector.extract_strided_slice %and3A_275 {offsets = [15], sizes = [1], strides = [1]} : vector<16xi32> to vector<1xi32>
      %squeeze3A_1844 = vector.extract %slice3A_1843[0] : i32 from vector<1xi32>
      %eq3A_1845 = vector.broadcast %squeeze3A_1844 : i32 to vector<16xi32>
      %eq3A_1846 = arith.cmpi eq, %iota3A, %eq3A_1845 : vector<16xi32>
      %get3A_1847 = arith.index_cast %add3A_1823 : i32 to index
      %get3A_1848 = arith.constant 0 : index
      %get3A_1849 = tpu.vector_load %arg15[%get3A_1847, %get3A_1848] {strides = array<i32>} : memref<512x16xf32, #tpu.memory_space<vmem>>, vector<1x16xf32>,
      %get3A_1850 = vector.shape_cast %get3A_1849 : vector<1x16xf32> to vector<16xf32>
      %select_n3A_1851 = arith.select %eq3A_1846, %get3A_1850, %broadcast_in_dim3A_262 : vector<16xi1>, vector<16xf32>
      %add3A_1852 = arith.addf %add3A_1842, %select_n3A_1851 : vector<16xf32>
      %slice3A_1853 = vector.extract_strided_slice %and3A_281 {offsets = [15], sizes = [1], strides = [1]} : vector<16xi32> to vector<1xi32>
      %squeeze3A_1854 = vector.extract %slice3A_1853[0] : i32 from vector<1xi32>
      %eq3A_1855 = vector.broadcast %squeeze3A_1854 : i32 to vector<16xi32>
      %eq3A_1856 = arith.cmpi eq, %iota3A, %eq3A_1855 : vector<16xi32>
      %get3A_1857 = arith.index_cast %add3A_1823 : i32 to index
      %get3A_1858 = arith.constant 0 : index
      %get3A_1859 = tpu.vector_load %arg16[%get3A_1857, %get3A_1858] {strides = array<i32>} : memref<512x16xf32, #tpu.memory_space<vmem>>, vector<1x16xf32>,
      %get3A_1860 = vector.shape_cast %get3A_1859 : vector<1x16xf32> to vector<16xf32>
      %select_n3A_1861 = arith.select %eq3A_1856, %get3A_1860, %broadcast_in_dim3A_262 : vector<16xi1>, vector<16xf32>
      %add3A_1862 = arith.addf %add3A_1852, %select_n3A_1861 : vector<16xf32>
      %xor3A_1863 = arith.constant 1 : i32
      %xor3A_1864 = vector.broadcast %xor3A_1863 : i32 to vector<16xi32>
      %xor3A_1865 = arith.xori %iota3A, %xor3A_1864 : vector<16xi32>
      %lt3A_1866 = arith.constant 0 : i32
      %lt3A_1867 = vector.broadcast %lt3A_1866 : i32 to vector<16xi32>
      %lt3A_1868 = arith.cmpi slt, %xor3A_1865, %lt3A_1867 : vector<16xi32>
      %add3A_1869 = arith.constant 16 : i32
      %add3A_1870 = vector.broadcast %add3A_1869 : i32 to vector<16xi32>
      %add3A_1871 = arith.addi %xor3A_1865, %add3A_1870 : vector<16xi32>
      %select_n3A_1872 = arith.select %lt3A_1868, %add3A_1871, %xor3A_1865 : vector<16xi1>, vector<16xi32>
      %broadcast_in_dim3A_1873 = vector.shape_cast %select_n3A_1872 : vector<16xi32> to vector<16x1xi32>
      %gather3A_1874 = vector.shape_cast %broadcast_in_dim3A_1873 : vector<16x1xi32> to vector<16xi32>
      %gather3A_1875 = tpu.dynamic_gather %add3A_1862[%gather3A_1874] in [0] : vector<16xf32>, vector<16xi32> -> vector<16xf32>
      %add3A_1876 = arith.addf %add3A_1862, %gather3A_1875 : vector<16xf32>
      %xor3A_1877 = arith.constant 2 : i32
      %xor3A_1878 = vector.broadcast %xor3A_1877 : i32 to vector<16xi32>
      %xor3A_1879 = arith.xori %iota3A, %xor3A_1878 : vector<16xi32>
      %lt3A_1880 = arith.constant 0 : i32
      %lt3A_1881 = vector.broadcast %lt3A_1880 : i32 to vector<16xi32>
      %lt3A_1882 = arith.cmpi slt, %xor3A_1879, %lt3A_1881 : vector<16xi32>
      %add3A_1883 = arith.constant 16 : i32
      %add3A_1884 = vector.broadcast %add3A_1883 : i32 to vector<16xi32>
      %add3A_1885 = arith.addi %xor3A_1879, %add3A_1884 : vector<16xi32>
      %select_n3A_1886 = arith.select %lt3A_1882, %add3A_1885, %xor3A_1879 : vector<16xi1>, vector<16xi32>
      %broadcast_in_dim3A_1887 = vector.shape_cast %select_n3A_1886 : vector<16xi32> to vector<16x1xi32>
      %gather3A_1888 = vector.shape_cast %broadcast_in_dim3A_1887 : vector<16x1xi32> to vector<16xi32>
      %gather3A_1889 = tpu.dynamic_gather %add3A_1876[%gather3A_1888] in [0] : vector<16xf32>, vector<16xi32> -> vector<16xf32>
      %add3A_1890 = arith.addf %add3A_1876, %gather3A_1889 : vector<16xf32>
      %xor3A_1891 = arith.constant 4 : i32
      %xor3A_1892 = vector.broadcast %xor3A_1891 : i32 to vector<16xi32>
      %xor3A_1893 = arith.xori %iota3A, %xor3A_1892 : vector<16xi32>
      %lt3A_1894 = arith.constant 0 : i32
      %lt3A_1895 = vector.broadcast %lt3A_1894 : i32 to vector<16xi32>
      %lt3A_1896 = arith.cmpi slt, %xor3A_1893, %lt3A_1895 : vector<16xi32>
      %add3A_1897 = arith.constant 16 : i32
      %add3A_1898 = vector.broadcast %add3A_1897 : i32 to vector<16xi32>
      %add3A_1899 = arith.addi %xor3A_1893, %add3A_1898 : vector<16xi32>
      %select_n3A_1900 = arith.select %lt3A_1896, %add3A_1899, %xor3A_1893 : vector<16xi1>, vector<16xi32>
      %broadcast_in_dim3A_1901 = vector.shape_cast %select_n3A_1900 : vector<16xi32> to vector<16x1xi32>
      %gather3A_1902 = vector.shape_cast %broadcast_in_dim3A_1901 : vector<16x1xi32> to vector<16xi32>
      %gather3A_1903 = tpu.dynamic_gather %add3A_1890[%gather3A_1902] in [0] : vector<16xf32>, vector<16xi32> -> vector<16xf32>
      %add3A_1904 = arith.addf %add3A_1890, %gather3A_1903 : vector<16xf32>
      %xor3A_1905 = arith.constant 8 : i32
      %xor3A_1906 = vector.broadcast %xor3A_1905 : i32 to vector<16xi32>
      %xor3A_1907 = arith.xori %iota3A, %xor3A_1906 : vector<16xi32>
      %lt3A_1908 = arith.constant 0 : i32
      %lt3A_1909 = vector.broadcast %lt3A_1908 : i32 to vector<16xi32>
      %lt3A_1910 = arith.cmpi slt, %xor3A_1907, %lt3A_1909 : vector<16xi32>
      %add3A_1911 = arith.constant 16 : i32
      %add3A_1912 = vector.broadcast %add3A_1911 : i32 to vector<16xi32>
      %add3A_1913 = arith.addi %xor3A_1907, %add3A_1912 : vector<16xi32>
      %select_n3A_1914 = arith.select %lt3A_1910, %add3A_1913, %xor3A_1907 : vector<16xi1>, vector<16xi32>
      %broadcast_in_dim3A_1915 = vector.shape_cast %select_n3A_1914 : vector<16xi32> to vector<16x1xi32>
      %gather3A_1916 = vector.shape_cast %broadcast_in_dim3A_1915 : vector<16x1xi32> to vector<16xi32>
      %gather3A_1917 = tpu.dynamic_gather %add3A_1904[%gather3A_1916] in [0] : vector<16xf32>, vector<16xi32> -> vector<16xf32>
      %add3A_1918 = arith.addf %add3A_1904, %gather3A_1917 : vector<16xf32>
      %eq3A_1919 = arith.constant 15 : i32
      %eq3A_1920 = vector.broadcast %eq3A_1919 : i32 to vector<16xi32>
      %eq3A_1921 = arith.cmpi eq, %iota3A, %eq3A_1920 : vector<16xi32>
      %select_n3A_1922 = arith.select %eq3A_1921, %add3A_1918, %select_n3A_1819 : vector<16xi1>, vector<16xf32>
      %swap3A = arith.index_cast %mul3A_271 : i32 to index
      %swap3A_1923 = tpu.vector_load %arg17[%swap3A] {strides = array<i32>} : memref<512xf32, #tpu.memory_space<vmem>>, vector<16xf32>,
      %swap3A_1924 = vector.shape_cast %swap3A_1923 : vector<16xf32> to vector<16xf32>
      %swap3A_1925 = vector.shape_cast %select_n3A_1922 : vector<16xf32> to vector<16xf32>
      tpu.vector_store %arg17[%swap3A], %swap3A_1925 {strides = array<i32>} : memref<512xf32, #tpu.memory_space<vmem>>, vector<16xf32>,
    }
    %scan3A_268 = arith.constant 32 : i32
    "tpu.region"() ({
      %run_scoped3A = tpu.sem_alloc : memref<!tpu.dma_semaphore, #tpu.memory_space<semaphore_mem>>
      %dma_start3A_269 = tpu.memref_slice %arg8[%mul3A_2] : memref<16384xf32, #tpu.memory_space<hbm>> -> memref<512xf32, #tpu.memory_space<hbm>>
      %dma_start3A_270 = tpu.memref_slice %arg8[%mul3A_2] : memref<16384xf32, #tpu.memory_space<hbm>> -> memref<512xf32, #tpu.memory_space<hbm>>
      tpu.enqueue_dma source(%arg17 : memref<512xf32, #tpu.memory_space<vmem>>) target(%dma_start3A_270 : memref<512xf32, #tpu.memory_space<hbm>>) target_semaphore(%run_scoped3A : memref<!tpu.dma_semaphore, #tpu.memory_space<semaphore_mem>>)
      %dma_wait3A_271 = tpu.memref_slice %arg8[%mul3A_2] : memref<16384xf32, #tpu.memory_space<hbm>> -> memref<512xf32, #tpu.memory_space<hbm>>
      %dma_wait3A_272 = tpu.memref_slice %arg8[%mul3A_2] : memref<16384xf32, #tpu.memory_space<hbm>> -> memref<512xf32, #tpu.memory_space<hbm>>
      tpu.wait_dma2 semaphore(%run_scoped3A : memref<!tpu.dma_semaphore, #tpu.memory_space<semaphore_mem>>) src(%arg17 : memref<512xf32, #tpu.memory_space<vmem>>) dst(%dma_wait3A_272 : memref<512xf32, #tpu.memory_space<hbm>>)
      tpu.yield
    }) : () -> ()
    return
  }
}

</mosaic_0001>

<sc_bundles>
// kernel: kernel.3.cloned.1.call-start
scs
__scs_entry_jumppad:
0x0: {  	(pc) =	sbr.rel $0x88, $3  }
0x1: {  	(tag) =	ssettag $0x0;
	lr =	simm.s32 $0x1  }
0x2: {  	[smem:$0x3F9B] =	sst lr;
	_ =	strace $0xD0000000  }
0x3: {  	_ = 	snop  }
0x4: {  	_ = 	snop  }
0x5: {  	_ = 	snop  }
0x6: {  	_ = 	snop  }
0x7: {  	_ = 	snop  }
__scs_overlays_trampoline_lowered:
0x8: {  	[smem:$0x3FAA] =	sst s0  }
0x9: {  	[smem:$0x3FAB] =	sst s1  }
0xa: {  	[smem:$0x3FAC] =	sst s2  }
0xb: {  	[smem:$0x3FAD] =	sst s3  }
0xc: {  	[smem:$0x3FAE] =	sst s4  }
0xd: {  	[smem:$0x3FAF] =	sst s5  }
0xe: {  	[smem:$0x3FB0] =	sst s6  }
0xf: {  	[smem:$0x3FB1] =	sst s7  }
0x10: {  	[smem:$0x3FB2] =	sst s8  }
0x11: {  	[smem:$0x3FB3] =	sst s9;
	s0 =	simm.s32 @!p0 $0x0  }
0x12: {  	s1 =	sld [smem:$0x3F99];
	s0 =	simm.s32 @p0 $0x1  }
0x13: {  	[smem:$0x3FB4] =	sst s0;
	s0 =	simm.s32 @!p1 $0x0  }
0x14: {  	s2 =	sld [smem:$0x3F98];
	s0 =	simm.s32 @p1 $0x1  }
0x15: {  	[smem:$0x3FB5] =	sst s0;
	s0 =	simm.s32 @!p2 $0x0  }
0x16: {  	s3 =	sld [smem:$0x3FDB];
	s0 =	simm.s32 @p2 $0x1  }
0x17: {  	s4 =	simm.s32 $0x1BF5;
	[smem:$0x3FB7] =	sst s0  }
0x18: {  	s0 =	sld [smem:$0x3F9A];
	_ =	swait.ge [sflag:s4], $0x0  }
0x19: {  	s7 =	sld [smem:$0x3F9B]  }
0x1a: {  	s8 =	sadd.s32 $0xFFFFE003, lr  }
0x1b: {  	s9 =	sadd.s32 $0xFFFFFEF7, lr;
	s5 =	simm.s32 $0xFFFFFFFF;
	p2 =	slt.u32 s8, $0xFFFFF086  }
0x1c: {  	p1 =	slt.u32 s9, $0xF7A;
	s5 =	simm.s32 @!p2 $0x0  }
0x1d: {  	s5 =	simm.s32 @p1 $0x1;
	p0 =	seq.s32 s7, s2  }
0x1e: {  	s7 =	smul.u32 @!p0 $0xF7A, s2;
	p2 =	seq.s32 @!p0 s5, $0x0  }
0x1f: {  	s9 =	smul.u32 $0xF7A, s1;
	s8 =	simm.s32 @!p0 $0x1BF5;
	p2 =	por !p2, p0  }
0x20: {  	[sflag:s8] =	ssyncset.s32 @!p0 $0xFFFFF086;
	s6 =	sadd.s32 @!p0 s3, s7;
	s7 =	simm.s32 @!p0 $0x108  }
0x21: {  	s3 =	sadd.s32 s3, s9;
	s6 =	sadd.s32 @!p0 $0x88, s6;
	s7 =	simm.s32 @p2 $0x1082  }
0x22: {  	[simem:s7], [sflag:s8] =	dma.local @!p0 [hbm:s6], $0xF7A  }
0x23: {  	s9 =	sor.u32 $0xD0000000, s2;
	s6 =	simm.s32 $0x108;
	_ =	swait.ge @!p0 [sflag:s8], $0x0  }
0x24: {  	s3 =	sadd.s32 $0x88, s3;
	s6 =	simm.s32 @!p1 $0x1082;
	[sflag:s4] =	ssyncset.s32 $0xFFFFF086  }
0x25: {  	[simem:s6], [sflag:s4] =	dma.local [hbm:s3], $0xF7A  }
0x26: {  	[smem:$0x3F9B] =	sst s1;
	(tag) =	ssettag s2;
	_ =	strace s9  }
0x27: {  	s1 =	sld [smem:$0x3FAB]  }
0x28: {  	s2 =	sld [smem:$0x3FAC]  }
0x29: {  	s4 =	sld [smem:$0x3FAE]  }
0x2a: {  	p0 =	seq.s32 s5, $0x0;
	s5 =	sld [smem:$0x3FAF]  }
0x2b: {  	s6 =	sld [smem:$0x3FB0]  }
0x2c: {  	s7 =	sld [smem:$0x3FB1]  }
0x2d: {  	s3 =	simm.s32 $0x108;
	s8 =	sld [smem:$0x3FB2]  }
0x2e: {  	s3 =	simm.s32 @!p0 $0x1082;
	s9 =	sld [smem:$0x3FB3]  }
0x2f: {  	lr =	sadd.s32 s0, s3;
	s0 =	sld [smem:$0x3FAA]  }
0x30: {  	s3 =	sld [smem:$0x3FAD]  }
0x31: {  	[smem:$0x3FB6] =	sst s10  }
0x32: {  	s10 =	sld [smem:$0x3FB4];
	_ =	sdelay $0x3  }
0x33: {  	p0 =	seq.s32 s10, $0x1;
	s10 =	sld [smem:$0x3FB6];
	_ =	sdelay $0x3  }
0x34: {  	[smem:$0x3FB6] =	sst s10  }
0x35: {  	s10 =	sld [smem:$0x3FB5];
	_ =	sdelay $0x3  }
0x36: {  	p1 =	seq.s32 s10, $0x1;
	s10 =	sld [smem:$0x3FB6];
	_ =	sdelay $0x3  }
0x37: {  	[smem:$0x3FB6] =	sst s10  }
0x38: {  	s10 =	sld [smem:$0x3FB7]  }
0x39: {  	_ = 	snop;
	(pc) =	sbr.ind lr, $3  }
0x3a: {  	_ = 	snop  }
0x3b: {  	_ = 	snop  }
0x3c: {  	p2 =	seq.s32 s10, $0x1;
	s10 =	sld [smem:$0x3FB6]  }
0x3d: {  	_ =	shalt  }
0x3e: {  	_ =	shalt  }
0x3f: {  	_ =	shalt  }
0x40: {  	_ =	shalt  }
0x41: {  	_ =	shalt  }
0x42: {  	_ =	shalt  }
0x43: {  	_ =	shalt  }
0x44: {  	_ =	shalt  }
0x45: {  	_ =	shalt  }
0x46: {  	_ =	shalt  }
0x47: {  	_ =	shalt  }
0x48: {  	_ =	shalt  }
0x49: {  	_ =	shalt  }
0x4a: {  	_ =	shalt  }
0x4b: {  	_ =	shalt  }
0x4c: {  	_ =	shalt  }
0x4d: {  	_ =	shalt  }
0x4e: {  	_ =	shalt  }
0x4f: {  	_ =	shalt  }
0x50: {  	_ =	shalt  }
0x51: {  	_ =	shalt  }
0x52: {  	_ =	shalt  }
0x53: {  	_ =	shalt  }
0x54: {  	_ =	shalt  }
0x55: {  	_ =	shalt  }
0x56: {  	_ =	shalt  }
0x57: {  	_ =	shalt  }
0x58: {  	_ =	shalt  }
0x59: {  	_ =	shalt  }
0x5a: {  	_ =	shalt  }
0x5b: {  	_ =	shalt  }
0x5c: {  	_ =	shalt  }
0x5d: {  	_ =	shalt  }
0x5e: {  	_ =	shalt  }
0x5f: {  	_ =	shalt  }
0x60: {  	_ =	shalt  }
0x61: {  	_ =	shalt  }
0x62: {  	_ =	shalt  }
0x63: {  	_ =	shalt  }
0x64: {  	_ =	shalt  }
0x65: {  	_ =	shalt  }
0x66: {  	_ =	shalt  }
0x67: {  	_ =	shalt  }
0x68: {  	_ =	shalt  }
0x69: {  	_ =	shalt  }
0x6a: {  	_ =	shalt  }
0x6b: {  	_ =	shalt  }
0x6c: {  	_ =	shalt  }
0x6d: {  	_ =	shalt  }
0x6e: {  	_ =	shalt  }
0x6f: {  	_ =	shalt  }
0x70: {  	_ =	shalt  }
0x71: {  	_ =	shalt  }
0x72: {  	_ =	shalt  }
0x73: {  	_ =	shalt  }
0x74: {  	_ =	shalt  }
0x75: {  	_ =	shalt  }
0x76: {  	_ =	shalt  }
0x77: {  	_ =	shalt  }
0x78: {  	_ =	shalt  }
0x79: {  	_ =	shalt  }
0x7a: {  	_ =	shalt  }
0x7b: {  	_ =	shalt  }
0x7c: {  	_ =	shalt  }
0x7d: {  	_ =	shalt  }
0x7e: {  	_ =	shalt  }
0x7f: {  	_ =	shalt  }
0x80: {  	_ =	shalt  }
0x81: {  	_ =	shalt  }
0x82: {  	_ =	shalt  }
0x83: {  	_ =	shalt  }
0x84: {  	_ =	shalt  }
0x85: {  	_ =	shalt  }
0x86: {  	_ =	shalt  }
0x87: {  	_ =	shalt  }
.Lfunc_end0:
.L_simem_size_0:
called_computation_lowered:
.L_overlay_start_0:
0x88: {  	s2 =	sld [smem:$0x3FD9]  }
0x89: {  	s3 =	sld [smem:$0x3FFE];
	_ =	sdelay $0x1  }
0x8a: {  	s1 =	srdreg.scid  }
0x8b: {  	s0 =	sand.u32 $0x1, s1  }
0x8c: {  	s17 =	sshll.u32 s0, $0xA;
	s2 =	sadd.s32 s3, s2  }
0x8d: {  	s2 =	sadd.s32 s2, s17  }
0x8e: {  	[smem:$0x3FC2] =	sst s2  }
0x8f: {  	_ = 	snop  }
0x90: {  	s2 =	sld [smem:$0x3FC9]  }
0x91: {  	s18 =	sld [smem:$0x3FC8]  }
0x92: {  	s4 =	sld [smem:$0x3FD0];
	(tm) =	ssettm $0x1  }
0x93: {  	s5 =	sld [smem:$0x3FFB];
	_ =	sdelay $0x3  }
0x94: {  	_ =	strace s5  }
0x95: {  	s5 =	sld [smem:$0x3FFC];
	_ =	sdelay $0x3  }
0x96: {  	_ =	strace s5  }
0x97: {  	s5 =	sld [smem:$0x3FFD];
	_ =	sdelay $0x3  }
0x98: {  	_ =	strace s5  }
0x99: {  	_ =	strace $0x8FFFFFFF  }
0x9a: {  	s19 =	sld [smem:$0x3FDB];
	_ =	sdelay $0x1  }
0x9b: {  	s6 =	simm.s32 $_scs_section_size  }
0x9c: {  	s7 =	simm.s32 $_size__tile_overlayer_lowered;
	s8 =	simm.s32 $_tile_overlayer_lowered  }
0x9d: {  	s22 =	simm.s32 $0x1BFF;
	s21 =	sshll.u32 s8, $0x1;
	s5 =	sadd.s32 s6, s19  }
0x9e: {  	s9 =	simm.s32 $0x0;
	s20 =	sshll.u32 s7, $0x1;
	s7 =	sadd.s32 s21, s5  }
0x9f: {  	[timem:s9], [sflag:s22] =	dma.local [hbm:s7], s20  }
0xa0: {  	_ =	swait.ge [sflag:s22], s20  }
0xa1: {  	s6 =	ssub.s32 $0x0, s20;
	[sflag:s22] =	ssyncset.done $0x0  }
0xa2: {  	[sflag:s22] =	ssyncadd.s32 s6;
	_ =	sdelay $0x1  }
0xa3: {  	s23 =	simm.s32 $0x1B8B  }
0xa4: {  	_ =	swait.ge [sflag:s23], $0x1  }
0xa5: {  	[sflag:s23] =	ssyncset.done $0x0  }
0xa6: {  	s25 =	simm.s32 $0x1B8E;
	s24 =	sld [smem:$0x3FFE];
	[sflag:s23] =	ssyncadd.s32 $0xFFFFFFFF  }
0xa7: {  	s26 =	simm.s32 $execute0_lowered;
	[smem:$0x3FD2] =	sst s25  }
0xa8: {  	s7 =	sshll.u32 s26, $0x1;
	_ =	strace $0x80000046;
	[dreg:$0x1] =	wrdreg $0xFFFFFFFF  }
0xa9: {  	s28 =	simm.s32 $_size_execute0_lowered;
	s5 =	sadd.s32 s5, s7;
	[dreg:$0x0] =	wrdreg $0x0  }
0xaa: {  	s7 =	sshll.u32 s28, $0x1;
	[dreg:$0x2] =	wrdreg s5  }
0xab: {  	[dreg:$0x3] =	wrdreg s7  }
0xac: {  	[dreg:$0x4] =	wrdreg $0xC0  }
0xad: {  	_ =	task [dreg:s9], $0x5FFFF  }
0xae: {  	[dreg:$0x1] =	wrdreg $0xFFFFFFFF  }
0xaf: {  	[dreg:$0x0] =	wrdreg $0x60  }
0xb0: {  	[dreg:$0x2] =	wrdreg s2  }
0xb1: {  	[dreg:$0x3] =	wrdreg s18  }
0xb2: {  	[dreg:$0x4] =	wrdreg s24  }
0xb3: {  	[dreg:$0x5] =	wrdreg s4  }
0xb4: {  	[dreg:$0x6] =	wrdreg $0x9  }
0xb5: {  	_ =	task.clear_ibuf [dreg:s9], $0x7FFFF;
	_ =	strace $0x90000046  }
0xb6: {  	s29 =	simm.s32 $0x9;
	_ =	strace $0x80000048  }
0xb7: {  	_ =	swait.ge [sflag:s29], $0x1  }
0xb8: {  	[sflag:s29] =	ssyncadd.s32 $0xFFFFFFFF  }
0xb9: {  	_ =	strace $0x90000048  }
0xba: {  	_ =	sfence  }
0xbb: {  	s30 =	sld [smem:$0x0];
	_ =	sdelay $0x2  }
0xbc: {  	s31 =	sshll.u32 s1, $0xD;
	s1 =	sshrl.u32 s1, $0x2  }
0xbd: {  	s3 =	sand.u32 $0x4000, s31;
	s1 =	sadd.s32 s1, s30  }
0xbe: {  	s0 =	sor.u32 s3, s0;
	s1 =	sshll.u32 s1, $0x11  }
0xbf: {  	s0 =	sor.u32 s1, s0  }
0xc0: {  	s0 =	sadd.s32 $0x8F2B, s0  }
0xc1: {  	[sflag:s0] =	ssyncadd.remote.s32 $0x1  }
0xc2: {  	_ =	sfence.sel $0xFFFF  }
0xc3: {  	[dreg:$0x0] =	wrdreg $0xFFFFFFFF;
	(pc) =	sbr.abs _section_cstart, $3  }
0xc4: {  	[dreg:$0x1] =	wrdreg $0xFFFFFFFF  }
0xc5: {  	_ =	task.clear_ibuf [dreg:s9], $0x2FFFF;
	_ =	strace $0x9FFFFFFF  }
0xc6: {  	(tm) =	ssettm $0x7FFFFFFF  }
0xc7: {  	_ =	shalt  }
tec
execute0_lowered:
.L_overlay_start_1:
0x0: {  	(tag) =	ssettag $0x1  }
0x1: {  	v0 =	vimm.s32 $0xEFCDAB89;
	v1 =	vimm.s32 $0x67452301  }
0x2: {  	v0 =	vunpack.c.l.s4.s8 v0;
	v1 =	vunpack.c.l.s4.s8 v1;
	_ =	sdelay $0x1  }
0x3: {  	v0 =	vunpack.c.0.s8.s32 v0;
	v1 =	vunpack.c.0.s8.s32 v1;
	_ =	sdelay $0x1  }
0x4: {  	s0 =	rddreg [dreg:$0x0];
	v1 =	vcombine.low v1, v0  }
0x5: {  	s4 =	rddreg [dreg:$0x1]  }
0x6: {  	s1 =	rddreg [dreg:$0x2];
	s2 =	simm.s32 $0x0;
	vm15 =	vmmov $0x7;
	v50 =	vand.u32 $0xF, v1;
	v1 =	vimm.s32 $0x0  }
0x7: {  	[smem:$0x7FF] =	sst s2;
	v1 =	vsel vm15, $0xFFFFFFFF, v1  }
0x8: {  	s9 =	rddreg [dreg:$0x3];
	vm0 =	vmmov $0xf;
	_ =	strace $0x80000047;
	[tilespmem:$0x1FF30] =	vst v1;
	v1 =	vimm.s32 $0x0  }
0x9: {  	v1 =	vsel vm0, $0xFFFFFFFF, v1  }
0xa: {  	vm1 =	vmmov $0x1f;
	[tilespmem:$0x1FF40] =	vst v1;
	v1 =	vimm.s32 $0x0  }
0xb: {  	v1 =	vsel vm1, $0xFFFFFFFF, v1  }
0xc: {  	vm2 =	vmmov $0x3f;
	[tilespmem:$0x1FF50] =	vst v1;
	v1 =	vimm.s32 $0x0  }
0xd: {  	v1 =	vsel vm2, $0xFFFFFFFF, v1  }
0xe: {  	vm3 =	vmmov $0x7f;
	[tilespmem:$0x1FF60] =	vst v1;
	v1 =	vimm.s32 $0x0  }
0xf: {  	v1 =	vsel vm3, $0xFFFFFFFF, v1  }
0x10: {  	v2 =	vimm.s32 $0xDCFE98BA;
	vm4 =	vmmov $0xff;
	[tilespmem:$0x1FF70] =	vst v1;
	v1 =	vimm.s32 $0x0  }
0x11: {  	v3 =	vimm.s32 $0x54761032;
	v4 =	vimm.s32 $0xBA98FEDC;
	v1 =	vsel vm4, $0xFFFFFFFF, v1  }
0x12: {  	v5 =	vimm.s32 $0x32107654;
	vm5 =	vmmov $0x1ff;
	[tilespmem:$0x1FF80] =	vst v1;
	v1 =	vimm.s32 $0x0  }
0x13: {  	v6 =	vimm.s32 $0xFEDCBA98;
	v7 =	vimm.s32 $0x76543210;
	v1 =	vsel vm5, $0xFFFFFFFF, v1  }
0x14: {  	vm13 =	vmmov $0x1;
	vm6 =	vmmov $0x3ff;
	[tilespmem:$0x1FF90] =	vst v1;
	v1 =	vimm.s32 $0x0  }
0x15: {  	vm14 =	vmmov $0x3;
	vm7 =	vmmov $0x7ff;
	v1 =	vsel vm6, $0xFFFFFFFF, v1  }
0x16: {  	s5 =	srdreg.scid;
	vm8 =	vmmov $0xfff;
	vm9 =	vmmov $0x1fff;
	[tilespmem:$0x1FFA0] =	vst v1;
	v1 =	vimm.s32 $0x0  }
0x17: {  	s10 =	stileid.u32;
	s13 =	simm.s32 $0x80;
	s15 =	simm.s32 $0xB800;
	vm10 =	vmmov $0x3fff;
	vm11 =	vmmov $0x7fff;
	v1 =	vsel vm7, $0xFFFFFFFF, v1  }
0x18: {  	s16 =	simm.s32 $0x180;
	s17 =	simm.s32 $0x3800;
	s18 =	simm.s32 $0x380;
	v2 =	vunpack.c.l.s4.s8 v2;
	v3 =	vunpack.c.l.s4.s8 v3;
	[tilespmem:$0x1FFB0] =	vst v1;
	v1 =	vimm.s32 $0x0  }
0x19: {  	s19 =	simm.s32 $0x7800;
	s20 =	simm.s32 $0x580;
	s21 =	simm.s32 $0xA000;
	v4 =	vunpack.c.l.s4.s8 v4;
	v5 =	vunpack.c.l.s4.s8 v5;
	v1 =	vsel vm8, $0xFFFFFFFF, v1  }
0x1a: {  	s22 =	simm.s32 $0x780;
	s23 =	simm.s32 $0xC000;
	s24 =	simm.s32 $0x1;
	v6 =	vunpack.c.l.s4.s8 v6;
	v7 =	vunpack.c.l.s4.s8 v7;
	[tilespmem:$0x1FFC0] =	vst v1;
	v1 =	vimm.s32 $0x0  }
0x1b: {  	s25 =	simm.s32 $0xC800;
	s26 =	simm.s32 $0x0;
	s3 =	sadd.s32 $0xF42400, s1;
	v2 =	vunpack.c.0.s8.s32 v2;
	v3 =	vunpack.c.0.s8.s32 v3;
	v1 =	vsel vm9, $0xFFFFFFFF, v1  }
0x1c: {  	s6 =	sand.u32 $0x1, s5;
	s5 =	sadd.s32 $0x186A00, s1;
	s10 =	sshll.u32 s10, $0x7;
	v4 =	vunpack.c.0.s8.s32 v4;
	v5 =	vunpack.c.0.s8.s32 v5;
	[tilespmem:$0x1FFD0] =	vst v1;
	v1 =	vimm.s32 $0x0  }
0x1d: {  	s7 =	ssub.s32 $0x2, s6;
	s11 =	sshll.u32 s6, $0x6;
	s6 =	sadd.s32 $0x1EA00, s1;
	v6 =	vunpack.c.0.s8.s32 v6;
	v62 =	vunpack.c.0.s8.s32 v7;
	v1 =	vsel vm10, $0xFFFFFFFF, v1  }
0x1e: {  	s8 =	sshrl.u32 s7, $0x1;
	s10 =	sor.u32 s11, s10;
	s11 =	simm.s32 $0x2;
	v2 =	vcombine.low v3, v2;
	v3 =	vcombine.low v5, v4;
	[tilespmem:$0x1FFE0] =	vst v1;
	v1 =	vimm.s32 $0x0  }
0x1f: {  	s12 =	ssub.s32 s7, s8;
	s7 =	sadd.s32 s0, s10;
	s8 =	sadd.s32 s4, s10;
	v0 =	vlaneseq.u32;
	v63 =	vand.u32 $0xF, v6;
	v1 =	vsel vm11, $0xFFFFFFFF, v1  }
0x20: {  	s9 =	sadd.s32 s9, s10;
	s10 =	smax.u32 s12, $0x1;
	s12 =	simm.s32 $0x200;
	v53 =	vcombine.low v63, v62;
	v51 =	vand.u32 $0xF, v2;
	v52 =	vand.u32 $0xF, v3;
	[tilespmem:$0x1FFF0] =	vst v1  }
.LBB2_1:
0x21: {  	[tilespmem:s2], [sflag:$0x2] =	stream.linear.gather [hbm4b:s7+s2], $0x200, $0x38;
	[tilespmem:$0xCA00] =	vst v63  }
0x22: {  	_ =	swait.ge [sflag:s11], $0x200  }
0x23: {  	[sflag:s11] =	ssyncset.done $0x0  }
0x24: {  	[sflag:s11] =	ssyncadd.s32 $0xFFFFFE00  }
0x25: {  	[tilespmem:s12], [sflag:$0x2] =	stream.linear.gather [hbm4b:s8+s2], $0x200, $0x38;
	[tilespmem:$0xCA00] =	vst v63  }
0x26: {  	_ =	swait.ge [sflag:s11], $0x200  }
0x27: {  	[sflag:s11] =	ssyncset.done $0x0  }
0x28: {  	s0 =	simm.s32 $0x0;
	[sflag:s11] =	ssyncadd.s32 $0xFFFFFE00  }
0x29: {  	v5 =	vld [tilespmem:s0+$0x200]  }
0x2a: {  	s4 =	simm.s32 $0x40;
	v6 =	vld [tilespmem:s0+$0x0]  }
.LBB2_2:
0x2b: {  	p0 =	sne.s32 s4, $0x7C0  }
.Ltmp0:
0x2c: {  	_ = 	snop;
	(pc) =	sbr.rel @p0 .LBB2_2-.Ltmp0, $4  }
0x2d: {  	_ = 	snop  }
0x2e: {  	s28 =	sshra.s32 s4, $0x2;
	s4 =	sadd.s32 $0x40, s4;
	v7 =	vshrl.u32 v5, $0x4  }
0x2f: {  	v5 =	vld [tilespmem:s28+$0x200];
	v8 =	vshrl.u32 v6, $0x4;
	[tilespmem:s0+$0x600] =	vst v7  }
0x30: {  	v6 =	vld [tilespmem:s28+$0x0];
	[tilespmem:s0+$0x400] =	vst v8;
	s0 =	smov.u32 s28  }
0x31: {  	_ =	sdelay $0x2  }
0x32: {  	v5 =	vshrl.u32 v5, $0x4  }
0x33: {  	v6 =	vshrl.u32 v6, $0x4;
	[tilespmem:s0+$0x600] =	vst v5  }
0x34: {  	s14 =	simm.s32 $0x0;
	s4 =	simm.s32 $0x800;
	[tilespmem:s0+$0x400] =	vst v6  }
0x35: {  	[tilespmem:s4], [sflag:$0x1] =	stream.indirect.gather [hbm4b:s3+s13], $0x20, s14, s13, $0xb8;
	[tilespmem:$0xCA00] =	vst v63  }
0x36: {  	s14 =	simm.s32 $0x4800  }
0x37: {  	[tilespmem:s14], [sflag:$0x1] =	stream.indirect.gather [hbm4b:s5+s13], $0x20, s12, s13, $0xb8;
	[tilespmem:$0xCA00] =	vst v63  }
0x38: {  	s4 =	simm.s32 $0x400;
	s14 =	simm.s32 $0x8800  }
0x39: {  	[tilespmem:s14], [sflag:$0x1] =	stream.indirect.gather [hbm4b:s1+s13], $0x10, s4, s13, $0xb8;
	[tilespmem:$0xCA00] =	vst v63  }
0x3a: {  	s4 =	simm.s32 $0x600;
	s14 =	simm.s32 $0xA800  }
0x3b: {  	[tilespmem:s14], [sflag:$0x1] =	stream.indirect.gather [hbm4b:s6+s13], $0x10, s4, s13, $0xb8;
	[tilespmem:$0xCA00] =	vst v63  }
0x3c: {  	s14 =	simm.s32 $0x1800  }
0x3d: {  	[tilespmem:s14], [sflag:$0x1] =	stream.indirect.gather [hbm4b:s3+s13], $0x20, s13, s13, $0xb8;
	[tilespmem:$0xCA00] =	vst v63  }
0x3e: {  	s4 =	simm.s32 $0x280;
	s14 =	simm.s32 $0x5800  }
0x3f: {  	[tilespmem:s14], [sflag:$0x1] =	stream.indirect.gather [hbm4b:s5+s13], $0x20, s4, s13, $0xb8;
	[tilespmem:$0xCA00] =	vst v63  }
0x40: {  	s4 =	simm.s32 $0x480;
	s14 =	simm.s32 $0x9000  }
0x41: {  	[tilespmem:s14], [sflag:$0x1] =	stream.indirect.gather [hbm4b:s1+s13], $0x10, s4, s13, $0xb8;
	[tilespmem:$0xCA00] =	vst v63  }
0x42: {  	s4 =	simm.s32 $0x680;
	s14 =	simm.s32 $0xB000  }
0x43: {  	[tilespmem:s14], [sflag:$0x1] =	stream.indirect.gather [hbm4b:s6+s13], $0x10, s4, s13, $0xb8;
	[tilespmem:$0xCA00] =	vst v63  }
0x44: {  	s4 =	simm.s32 $0x100;
	s14 =	simm.s32 $0x2800  }
0x45: {  	[tilespmem:s14], [sflag:$0x1] =	stream.indirect.gather [hbm4b:s3+s13], $0x20, s4, s13, $0xb8;
	[tilespmem:$0xCA00] =	vst v63  }
0x46: {  	s4 =	simm.s32 $0x300;
	s14 =	simm.s32 $0x6800  }
0x47: {  	[tilespmem:s14], [sflag:$0x1] =	stream.indirect.gather [hbm4b:s5+s13], $0x20, s4, s13, $0xb8;
	[tilespmem:$0xCA00] =	vst v63  }
0x48: {  	s4 =	simm.s32 $0x500;
	s14 =	simm.s32 $0x9800  }
0x49: {  	[tilespmem:s14], [sflag:$0x1] =	stream.indirect.gather [hbm4b:s1+s13], $0x10, s4, s13, $0xb8;
	[tilespmem:$0xCA00] =	vst v63  }
0x4a: {  	s14 =	simm.s32 $0x700  }
0x4b: {  	[tilespmem:s15], [sflag:$0x1] =	stream.indirect.gather [hbm4b:s6+s13], $0x10, s14, s13, $0xb8;
	[tilespmem:$0xCA00] =	vst v63  }
0x4c: {  	_ = 	snop  }
0x4d: {  	[tilespmem:s17], [sflag:$0x1] =	stream.indirect.gather [hbm4b:s3+s13], $0x20, s16, s13, $0xb8;
	[tilespmem:$0xCA00] =	vst v63  }
0x4e: {  	_ = 	snop  }
0x4f: {  	[tilespmem:s19], [sflag:$0x1] =	stream.indirect.gather [hbm4b:s5+s13], $0x20, s18, s13, $0xb8;
	[tilespmem:$0xCA00] =	vst v63  }
0x50: {  	_ = 	snop  }
0x51: {  	[tilespmem:s21], [sflag:$0x1] =	stream.indirect.gather [hbm4b:s1+s13], $0x10, s20, s13, $0xb8;
	[tilespmem:$0xCA00] =	vst v63  }
0x52: {  	_ = 	snop  }
0x53: {  	[tilespmem:s23], [sflag:$0x1] =	stream.indirect.gather [hbm4b:s6+s13], $0x10, s22, s13, $0xb8;
	[tilespmem:$0xCA00] =	vst v63  }
0x54: {  	_ =	swait.ge [sflag:s24], $0x1000  }
0x55: {  	[sflag:s24] =	ssyncset.done $0x0  }
0x56: {  	[sflag:s24] =	ssyncadd.s32 $0xFFFFF000  }
0x57: {  	_ =	swait.ge [sflag:s24], $0x1000  }
0x58: {  	[sflag:s24] =	ssyncset.done $0x0  }
0x59: {  	[sflag:s24] =	ssyncadd.s32 $0xFFFFF000  }
0x5a: {  	_ =	swait.ge [sflag:s24], $0x800  }
0x5b: {  	[sflag:s24] =	ssyncset.done $0x0  }
0x5c: {  	[sflag:s24] =	ssyncadd.s32 $0xFFFFF800  }
0x5d: {  	_ =	swait.ge [sflag:s24], $0x800  }
0x5e: {  	[sflag:s24] =	ssyncset.done $0x0  }
0x5f: {  	[sflag:s24] =	ssyncadd.s32 $0xFFFFF800  }
0x60: {  	_ =	swait.ge [sflag:s24], $0x1000  }
0x61: {  	[sflag:s24] =	ssyncset.done $0x0  }
0x62: {  	[sflag:s24] =	ssyncadd.s32 $0xFFFFF000  }
0x63: {  	_ =	swait.ge [sflag:s24], $0x1000  }
0x64: {  	[sflag:s24] =	ssyncset.done $0x0  }
0x65: {  	[sflag:s24] =	ssyncadd.s32 $0xFFFFF000  }
0x66: {  	_ =	swait.ge [sflag:s24], $0x800  }
0x67: {  	[sflag:s24] =	ssyncset.done $0x0  }
0x68: {  	[sflag:s24] =	ssyncadd.s32 $0xFFFFF800  }
0x69: {  	_ =	swait.ge [sflag:s24], $0x800  }
0x6a: {  	[sflag:s24] =	ssyncset.done $0x0  }
0x6b: {  	[sflag:s24] =	ssyncadd.s32 $0xFFFFF800  }
0x6c: {  	_ =	swait.ge [sflag:s24], $0x1000  }
0x6d: {  	[sflag:s24] =	ssyncset.done $0x0  }
0x6e: {  	[sflag:s24] =	ssyncadd.s32 $0xFFFFF000  }
0x6f: {  	_ =	swait.ge [sflag:s24], $0x1000  }
0x70: {  	[sflag:s24] =	ssyncset.done $0x0  }
0x71: {  	[sflag:s24] =	ssyncadd.s32 $0xFFFFF000  }
0x72: {  	_ =	swait.ge [sflag:s24], $0x800  }
0x73: {  	[sflag:s24] =	ssyncset.done $0x0  }
0x74: {  	[sflag:s24] =	ssyncadd.s32 $0xFFFFF800  }
0x75: {  	_ =	swait.ge [sflag:s24], $0x800  }
0x76: {  	[sflag:s24] =	ssyncset.done $0x0  }
0x77: {  	[sflag:s24] =	ssyncadd.s32 $0xFFFFF800  }
0x78: {  	_ =	swait.ge [sflag:s24], $0x1000  }
0x79: {  	[sflag:s24] =	ssyncset.done $0x0  }
0x7a: {  	[sflag:s24] =	ssyncadd.s32 $0xFFFFF000  }
0x7b: {  	_ =	swait.ge [sflag:s24], $0x1000  }
0x7c: {  	[sflag:s24] =	ssyncset.done $0x0  }
0x7d: {  	[sflag:s24] =	ssyncadd.s32 $0xFFFFF000  }
0x7e: {  	_ =	swait.ge [sflag:s24], $0x800  }
0x7f: {  	[sflag:s24] =	ssyncset.done $0x0  }
0x80: {  	[sflag:s24] =	ssyncadd.s32 $0xFFFFF800  }
0x81: {  	_ =	swait.ge [sflag:s24], $0x800  }
0x82: {  	[sflag:s24] =	ssyncset.done $0x0  }
0x83: {  	s28 =	simm.s32 $0x0;
	[sflag:s24] =	ssyncadd.s32 $0xFFFFF800  }
0x84: {  	v5 =	vld [tilespmem:s28+$0x200]  }
0x85: {  	s29 =	simm.s32 $0xA880;
	v6 =	vld [tilespmem:s28+$0x0]  }
0x86: {  	v7 =	vld [tilespmem:s29+$0x70]  }
0x87: {  	s30 =	simm.s32 $0x8880;
	v8 =	vld [tilespmem:s29+$0x60]  }
0x88: {  	v9 =	vld [tilespmem:s30+$0x70]  }
0x89: {  	v12 =	vld [tilespmem:s29+$0x50]  }
0x8a: {  	s0 =	simm.s32 $0x900;
	v11 =	vld [tilespmem:s30+$0x60]  }
0x8b: {  	s31 =	simm.s32 $0x4900;
	v13 =	vld [tilespmem:s0+$0xE0]  }
0x8c: {  	v14 =	vld [tilespmem:s31+$0xE0]  }
0x8d: {  	v15 =	vld [tilespmem:s0+$0xF0]  }
0x8e: {  	v16 =	vld [tilespmem:s31+$0xF0]  }
0x8f: {  	v17 =	vld [tilespmem:s29+$0x40]  }
0x90: {  	v18 =	vld [tilespmem:s30+$0x50]  }
0x91: {  	v19 =	vld [tilespmem:s0+$0xC0]  }
0x92: {  	v20 =	vld [tilespmem:s31+$0xC0]  }
0x93: {  	v41 =	vld [tilespmem:s0+$0x90]  }
0x94: {  	v44 =	vld [tilespmem:s31+$0x90]  }
0x95: {  	v21 =	vld [tilespmem:s0+$0xD0]  }
0x96: {  	v22 =	vld [tilespmem:s31+$0xD0]  }
0x97: {  	v23 =	vld [tilespmem:s29+$0x30]  }
0x98: {  	v24 =	vld [tilespmem:s30+$0x40];
	v5 =	vand.u32 $0xF, v5;
	v13 =	vmul.f32 v14, v13;
	v15 =	vmul.f32 v16, v15  }
0x99: {  	v25 =	vld [tilespmem:s0+$0xA0];
	v62 =	vmul.f32 v44, v41;
	v29 =	vbroadcast v5, $0xF  }
0x9a: {  	v26 =	vld [tilespmem:s31+$0xA0];
	v10 =	vand.u32 $0xF, v6;
	v6 =	vbroadcast v5, $0xD;
	v31 =	vbroadcast v5, $0xE  }
0x9b: {  	v27 =	vld [tilespmem:s0+$0xB0];
	v33 =	vbroadcast v5, $0xC;
	v34 =	vbroadcast v10, $0xF  }
0x9c: {  	v28 =	vld [tilespmem:s31+$0xB0];
	v36 =	vbroadcast v5, $0xB;
	v37 =	vbroadcast v10, $0xE  }
0x9d: {  	v30 =	vld [tilespmem:s29+$0x20];
	v39 =	vbroadcast v5, $0xA;
	v40 =	vbroadcast v10, $0xD  }
0x9e: {  	v32 =	vld [tilespmem:s30+$0x30];
	v42 =	vbroadcast v5, $0x9;
	v43 =	vbroadcast v10, $0xC  }
0x9f: {  	v35 =	vld [tilespmem:s0+$0x80];
	v45 =	vbroadcast v5, $0x8;
	v46 =	vbroadcast v10, $0xB  }
0xa0: {  	v38 =	vld [tilespmem:s31+$0x80];
	v48 =	vbroadcast v5, $0x7;
	v49 =	vbroadcast v10, $0xA  }
0xa1: {  	v47 =	vld [tilespmem:s29+$0x10];
	v2 =	vbroadcast v5, $0x5;
	v54 =	vbroadcast v10, $0x8  }
0xa2: {  	v1 =	vimm.s32 $0x0;
	v56 =	vld [tilespmem:s29+$0x0];
	v55 =	vbroadcast v5, $0x4;
	v16 =	vbroadcast v10, $0x7  }
0xa3: {  	v57 =	vld [tilespmem:s31+$0x40];
	v60 =	vbroadcast v10, $0x4;
	v13 =	vadd.f32 v15, v13;
	v15 =	vmul.f32 v20, v19  }
0xa4: {  	v59 =	vimm.s32 $0x0;
	v14 =	vld [tilespmem:s30+$0x10];
	v19 =	vmul.f32 v22, v21;
	v20 =	vbroadcast v10, $0x6  }
0xa5: {  	v41 =	vld [tilespmem:s0+$0x10];
	vm6 =	veq.s32 v31, v0;
	vm0 =	veq.s32 v29, v0;
	v29 =	vbroadcast v5, $0x6  }
0xa6: {  	v44 =	vld [tilespmem:s30+$0xFFFFFFE0];
	vm1 =	veq.s32 v33, v0;
	vm8 =	veq.s32 v6, v0;
	v6 =	vbroadcast v10, $0x9  }
0xa7: {  	v21 =	vld [tilespmem:s30+$0x0];
	vm3 =	veq.s32 v34, v0;
	vm2 =	veq.s32 v36, v0;
	vm12 =	veq.s32 v40, v0  }
0xa8: {  	v22 =	vld [tilespmem:s0+$0x20];
	vm9 =	veq.s32 v37, v0;
	vm4 =	veq.s32 v42, v0;
	vm5 =	veq.s32 v39, v0  }
0xa9: {  	v31 =	vld [tilespmem:s30+$0x20];
	vm11 =	veq.s32 v43, v0;
	vm10 =	veq.s32 v46, v0;
	vm7 =	veq.s32 v48, v0  }
0xaa: {  	v33 =	vld [tilespmem:s0+$0x60];
	v9 =	vnsel vm3, $0x0, v9;
	v7 =	vnsel vm0, $0x0, v7;
	vm0 =	veq.s32 v45, v0  }
0xab: {  	v34 =	vld [tilespmem:s31+$0x60];
	v58 =	vnsel vm9, $0x0, v11;
	vm9 =	veq.s32 v49, v0;
	v18 =	vnsel vm12, $0x0, v18  }
0xac: {  	v40 =	vld [tilespmem:s0+$0x70];
	v8 =	vnsel vm6, $0x0, v8;
	v12 =	vnsel vm8, $0x0, v12;
	vm8 =	veq.s32 v54, v0  }
0xad: {  	v42 =	vld [tilespmem:s31+$0x70];
	v15 =	vadd.f32 v19, v15;
	v24 =	vnsel vm11, $0x0, v24;
	vm3 =	veq.s32 v2, v0  }
0xae: {  	v46 =	vld [tilespmem:s0+$0x40];
	v17 =	vnsel vm1, $0x0, v17;
	vm1 =	veq.s32 v16, v0;
	v16 =	vnsel vm10, $0x0, v32  }
0xaf: {  	v36 =	vld [tilespmem:s31+$0x30];
	v23 =	vnsel vm2, $0x0, v23;
	vm2 =	veq.s32 v20, v0;
	v30 =	vnsel vm5, $0x0, v30  }
0xb0: {  	v37 =	vld [tilespmem:s30+$0xFFFFFFF0];
	vm12 =	veq.s32 v29, v0;
	v29 =	vbroadcast v5, $0x3;
	vm6 =	veq.s32 v6, v0  }
0xb1: {  	v39 =	vld [tilespmem:s31+$0x0];
	v9 =	vadd.f32 v9, v13;
	v13 =	vmul.f32 v26, v25;
	v25 =	vmul.f32 v28, v27  }
0xb2: {  	v49 =	vld [tilespmem:s0+$0x50];
	v26 =	vbroadcast v5, $0x2;
	v1 =	vsel vm3, $0xFFFFFFFF, v1;
	v27 =	vbroadcast v10, $0x5  }
0xb3: {  	v11 =	vld [tilespmem:s29+$0xFFFFFFF0];
	vm3 =	veq.s32 v55, v0;
	v43 =	vnsel vm0, $0x0, v56;
	v15 =	vadd.f32 v58, v15  }
0xb4: {  	v19 =	vld [tilespmem:s31+$0x20];
	[tilespmem:$0x1FF00] =	vst v1;
	v1 =	vsel vm3, $0xFFFFFFFF, v59;
	v48 =	vnsel vm6, $0x0, v14;
	v59 =	vbroadcast v10, $0x3  }
0xb5: {  	v54 =	vld [tilespmem:s0+$0xFFFFFFF0];
	v7 =	vadd.f32 v7, v9;
	v9 =	vadd.f32 v25, v13;
	v13 =	vbroadcast v5, $0x0  }
0xb6: {  	v6 =	vld [tilespmem:s31+$0x50];
	v5 =	vbroadcast v5, $0x1;
	vm3 =	veq.s32 v27, v0;
	vm5 =	veq.s32 v26, v0  }
0xb7: {  	v28 =	vld [tilespmem:s0+$0x30];
	v55 =	vnsel vm8, $0x0, v21;
	v8 =	vadd.f32 v8, v15;
	v9 =	vadd.f32 v18, v9  }
0xb8: {  	v56 =	vld [tilespmem:s0+$0xFFFFFFC0];
	v31 =	vnsel vm9, $0x0, v31;
	vm9 =	veq.s32 v29, v0;
	v18 =	vmul.f32 v38, v35  }
0xb9: {  	v14 =	vld [tilespmem:s30+$0xFFFFFFD0];
	v21 =	vmul.f32 v42, v40;
	v20 =	vperm.xlane v8, v50;
	v12 =	vadd.f32 v12, v9  }
0xba: {  	v58 =	vld [tilespmem:s31+$0xFFFFFFC0];
	v57 =	vmul.f32 v57, v46;
	v61 =	vperm.xlane v7, v50;
	v18 =	vadd.f32 v62, v18  }
0xbb: {  	v25 =	vld [tilespmem:s29+$0xFFFFFFE0];
	vm8 =	veq.s32 v59, v0;
	v8 =	vadd.f32 v8, v20;
	v63 =	vperm.xlane v12, v50  }
0xbc: {  	v26 =	vld [tilespmem:s31+$0xFFFFFFE0];
	v46 =	vnsel vm2, $0x0, v44;
	v7 =	vadd.f32 v7, v61;
	v18 =	vadd.f32 v24, v18  }
0xbd: {  	v15 =	vld [tilespmem:s0+$0x0];
	v38 =	vnsel vm4, $0x0, v47;
	v27 =	vperm.xlane v8, v51;
	v12 =	vadd.f32 v12, v63  }
0xbe: {  	v29 =	vld [tilespmem:s31+$0x10];
	vm4 =	veq.s32 v60, v0;
	v20 =	vperm.xlane v7, v51;
	v17 =	vadd.f32 v17, v18  }
0xbf: {  	vm6 =	veq.s32 v5, v0;
	v60 =	vld [tilespmem:s0+$0xFFFFFFD0];
	v8 =	vadd.f32 v8, v27;
	v18 =	vperm.xlane v12, v51  }
0xc0: {  	v5 =	vmul.f32 v34, v33;
	v33 =	vld [tilespmem:s31+$0xFFFFFF70];
	v7 =	vadd.f32 v7, v20;
	v20 =	vperm.xlane v17, v50  }
0xc1: {  	v47 =	vimm.s32 $0x0;
	v34 =	vld [tilespmem:s31+$0xFFFFFF00];
	v12 =	vadd.f32 v12, v18;
	v18 =	vperm.xlane v8, v52  }
0xc2: {  	v35 =	vld [tilespmem:s0+$0xFFFFFF00];
	v17 =	vadd.f32 v17, v20;
	v20 =	vadd.f32 v21, v5;
	v21 =	vperm.xlane v7, v52  }
0xc3: {  	[tilespmem:$0x1FF10] =	vst v1;
	v1 =	vsel vm3, $0xFFFFFFFF, v47;
	v24 =	vld [tilespmem:s0+$0xFFFFFFE0];
	v5 =	vadd.f32 v8, v18;
	v8 =	vmul.f32 v6, v49  }
0xc4: {  	vm3 =	veq.s32 v13, v0;
	v13 =	vld [tilespmem:s29+$0xFFFFFFC0];
	v6 =	vadd.f32 v7, v21;
	v7 =	vperm.xlane v17, v51  }
0xc5: {  	v19 =	vmul.f32 v19, v22;
	v11 =	vnsel vm7, $0x0, v11;
	v9 =	vld [tilespmem:s29+$0xFFFFFFD0];
	v8 =	vadd.f32 v8, v57  }
0xc6: {  	v62 =	vbroadcast v10, $0x0;
	v27 =	vld [tilespmem:s31+$0xFFFFFFF0];
	v22 =	vadd.f32 v17, v7;
	v7 =	vperm.xlane v12, v52  }
0xc7: {  	v61 =	vld [tilespmem:s31+$0xFFFFFFD0];
	v18 =	vadd.f32 v16, v20;
	v20 =	vmul.f32 v36, v28;
	v8 =	vadd.f32 v31, v8  }
0xc8: {  	v26 =	vmul.f32 v26, v24;
	v24 =	vld [tilespmem:s0+$0xFFFFFF90];
	v7 =	vadd.f32 v12, v7;
	v12 =	vperm.xlane v22, v52  }
0xc9: {  	v42 =	vmul.f32 v58, v56;
	v16 =	vld [tilespmem:s30+$0xFFFFFFC0];
	v31 =	vadd.f32 v20, v19;
	v30 =	vadd.f32 v30, v8  }
0xca: {  	v15 =	vmul.f32 v39, v15;
	v21 =	vld [tilespmem:s31+$0xFFFFFFB0];
	v8 =	vadd.f32 v22, v12;
	v12 =	vmul.f32 v29, v41  }
0xcb: {  	v32 =	vmul.f32 v27, v54;
	v27 =	vld [tilespmem:s31+$0xFFFFFF90];
	v29 =	vadd.f32 v48, v31;
	v31 =	vperm.xlane v30, v50  }
0xcc: {  	vm11 =	veq.s32 v62, v0;
	v45 =	vmul.f32 v61, v60;
	v36 =	vld [tilespmem:s0+$0xFFFFFF10];
	v12 =	vadd.f32 v12, v15  }
0xcd: {  	v28 =	vbroadcast v10, $0x2;
	v17 =	vld [tilespmem:s0+$0xFFFFFFA0];
	v23 =	vadd.f32 v23, v18;
	v2 =	vadd.f32 v30, v31  }
0xce: {  	v10 =	vbroadcast v10, $0x1;
	v18 =	vld [tilespmem:s31+$0xFFFFFFA0];
	v31 =	vadd.f32 v32, v26;
	v12 =	vadd.f32 v55, v12  }
0xcf: {  	vm7 =	veq.s32 v28, v0;
	v20 =	vld [tilespmem:s0+$0xFFFFFFB0];
	v15 =	vadd.f32 v38, v29;
	v30 =	vnsel vm1, $0x0, v37  }
0xd0: {  	v63 =	vperm.xlane v23, v50;
	v19 =	vld [tilespmem:s30+$0xFFFFFFB0];
	v28 =	vadd.f32 v30, v31;
	v12 =	vadd.f32 v43, v12  }
0xd1: {  	vm10 =	veq.s32 v10, v0;
	v22 =	vld [tilespmem:s0+$0xFFFFFF80];
	v32 =	vadd.f32 v45, v42;
	v47 =	vperm.xlane v15, v50  }
0xd2: {  	[tilespmem:$0x1FF20] =	vst v1;
	v1 =	vadd.f32 v23, v63;
	v23 =	vld [tilespmem:s31+$0xFFFFFF80];
	v11 =	vadd.f32 v11, v28;
	v28 =	vperm.xlane v12, v50  }
0xd3: {  	v48 =	vnsel vm12, $0x0, v25;
	v25 =	vld [tilespmem:s0+$0xFFFFFF40];
	v10 =	vadd.f32 v46, v32;
	v15 =	vadd.f32 v15, v47  }
0xd4: {  	v29 =	vld [tilespmem:s0+$0xFFFFFF60];
	v55 =	vperm.xlane v1, v51;
	v49 =	vperm.xlane v11, v50;
	v12 =	vadd.f32 v12, v28  }
0xd5: {  	v38 =	vld [tilespmem:s0+$0xFFFFFF20];
	v54 =	vperm.xlane v2, v51;
	v10 =	vadd.f32 v48, v10;
	v57 =	vperm.xlane v15, v51  }
0xd6: {  	v26 =	vld [tilespmem:s29+$0xFFFFFF80];
	v60 =	vadd.f32 v1, v55;
	v11 =	vadd.f32 v11, v49;
	v56 =	vperm.xlane v12, v51  }
0xd7: {  	v37 =	vld [tilespmem:s31+$0xFFFFFF10];
	v59 =	vadd.f32 v2, v54;
	v58 =	vperm.xlane v10, v50;
	v62 =	vadd.f32 v15, v57  }
0xd8: {  	v30 =	vld [tilespmem:s31+$0xFFFFFF60];
	v15 =	vperm.xlane v60, v52;
	v61 =	vperm.xlane v11, v51;
	v12 =	vadd.f32 v12, v56  }
0xd9: {  	v31 =	vld [tilespmem:s0+$0xFFFFFF70];
	v41 =	vadd.f32 v10, v58;
	v10 =	vperm.xlane v59, v52;
	v63 =	vperm.xlane v62, v52  }
0xda: {  	v32 =	vld [tilespmem:s0+$0xFFFFFF50];
	v49 =	vlaneseq.u32;
	v40 =	vadd.f32 v11, v61;
	v39 =	vperm.xlane v12, v52  }
0xdb: {  	v28 =	vld [tilespmem:s31+$0xFFFFFF40];
	v43 =	vperm.xlane v41, v51;
	v11 =	vadd.f32 v59, v10;
	v10 =	vadd.f32 v60, v15  }
0xdc: {  	s4 =	simm.s32 $0x40;
	v15 =	vadd.f32 v12, v39;
	v39 =	vld [tilespmem:s31+$0xFFFFFF20];
	v12 =	vadd.f32 v62, v63;
	v42 =	vperm.xlane v40, v52  }
.LBB2_4:
0xdd: {  	v0 =	vld [tilespmem:$0x1FF10]  }
0xde: {  	v60 =	vld [tilespmem:$0x1FF00];
	v17 =	vmul.f32 v18, v17  }
0xdf: {  	v63 =	vld [tilespmem:$0x1FF20];
	v18 =	vmul.f32 v21, v20;
	v22 =	vmul.f32 v23, v22  }
0xe0: {  	v44 =	vld [tilespmem:s0+$0xFFFFFF30];
	v20 =	vadd.f32 v41, v43;
	v23 =	vmul.f32 v27, v24;
	v27 =	vmul.f32 v30, v29  }
0xe1: {  	v21 =	vld [tilespmem:s31+$0xFFFFFF30];
	v16 =	vnsel vm4, $0x0, v16;
	v29 =	vmul.f32 v33, v31;
	v30 =	vmul.f32 v37, v36  }
0xe2: {  	v62 =	vld [tilespmem:s31+$0xFFFFFF50];
	v19 =	vnsel vm8, $0x0, v19;
	v38 =	vmul.f32 v39, v38;
	vm0 =	vnez.u8 v0  }
0xe3: {  	v2 =	vld [tilespmem:s30+$0xFFFFFF80];
	v26 =	vnsel vm3, $0x0, v26;
	v13 =	vnsel vm0, $0x0, v13;
	vm0 =	vnez.u8 v60  }
0xe4: {  	v24 =	vld [tilespmem:s30+$0xFFFFFF90];
	v17 =	vadd.f32 v18, v17;
	v61 =	vnsel vm0, $0x0, v9;
	vm0 =	vnez.u8 v63  }
0xe5: {  	v31 =	vld [tilespmem:s30+$0xFFFFFFA0];
	v22 =	vadd.f32 v23, v22;
	v23 =	vmul.f32 v28, v25;
	v14 =	vnsel vm0, $0x0, v14  }
0xe6: {  	v39 =	vld [tilespmem:s29+$0xFFFFFF90];
	v14 =	vadd.f32 v14, v17;
	v17 =	vmul.f32 v34, v35;
	v21 =	vmul.f32 v21, v44  }
0xe7: {  	v25 =	vmul.f32 v62, v32;
	v28 =	vld [tilespmem:s29+$0xFFFFFFA0];
	v27 =	vadd.f32 v29, v27;
	v9 =	vadd.f32 v40, v42  }
0xe8: {  	v18 =	vperm.xlane v20, v52;
	v29 =	vld [tilespmem:s29+$0xFFFFFFB0];
	v17 =	vadd.f32 v30, v17;
	v21 =	vadd.f32 v21, v38  }
0xe9: {  	v23 =	vadd.f32 v25, v23;
	v24 =	vnsel vm10, $0x0, v24;
	v30 =	vnsel vm11, $0x0, v2  }
0xea: {  	v17 =	vadd.f32 v30, v17;
	v21 =	vadd.f32 v24, v21;
	v24 =	vnsel vm7, $0x0, v31  }
0xeb: {  	v19 =	vadd.f32 v19, v27;
	v25 =	vnsel vm6, $0x0, v39;
	v23 =	vadd.f32 v24, v23  }
0xec: {  	v24 =	vnsel vm5, $0x0, v28;
	v17 =	vadd.f32 v26, v17;
	v21 =	vadd.f32 v25, v21  }
0xed: {  	v16 =	vadd.f32 v16, v22;
	v23 =	vadd.f32 v24, v23;
	v24 =	vnsel vm9, $0x0, v29  }
0xee: {  	v22 =	vperm.xlane v17, v50;
	v25 =	vperm.xlane v21, v50;
	v19 =	vadd.f32 v24, v19  }
0xef: {  	v13 =	vadd.f32 v13, v16;
	v14 =	vadd.f32 v61, v14;
	v24 =	vperm.xlane v23, v50  }
0xf0: {  	v16 =	vadd.f32 v17, v22;
	v17 =	vadd.f32 v21, v25;
	v21 =	vperm.xlane v19, v50  }
0xf1: {  	v22 =	vadd.f32 v23, v24;
	v23 =	vperm.xlane v13, v50;
	v24 =	vperm.xlane v14, v50  }
0xf2: {  	v25 =	vperm.xlane v16, v51;
	v26 =	vperm.xlane v17, v51;
	v19 =	vadd.f32 v19, v21  }
0xf3: {  	v21 =	vperm.xlane v22, v51;
	v13 =	vadd.f32 v13, v23;
	v14 =	vadd.f32 v14, v24  }
0xf4: {  	v16 =	vadd.f32 v16, v25;
	v17 =	vadd.f32 v17, v26;
	v23 =	vperm.xlane v19, v51  }
0xf5: {  	v21 =	vadd.f32 v22, v21;
	v22 =	vperm.xlane v13, v51;
	v24 =	vperm.xlane v14, v51  }
0xf6: {  	v25 =	vperm.xlane v16, v52;
	v26 =	vperm.xlane v17, v52;
	v19 =	vadd.f32 v19, v23  }
0xf7: {  	v23 =	vperm.xlane v21, v52;
	v13 =	vadd.f32 v13, v22;
	v14 =	vadd.f32 v14, v24  }
0xf8: {  	v16 =	vadd.f32 v16, v25;
	v17 =	vadd.f32 v17, v26;
	v22 =	vperm.xlane v19, v52  }
0xf9: {  	v21 =	vadd.f32 v21, v23;
	v23 =	vperm.xlane v13, v52;
	v24 =	vperm.xlane v14, v52  }
0xfa: {  	v43 =	vld [tilespmem:$0x1FF40];
	v25 =	vperm.xlane v16, v53;
	v26 =	vperm.xlane v17, v53;
	v19 =	vadd.f32 v19, v22  }
0xfb: {  	v22 =	vperm.xlane v21, v53;
	v13 =	vadd.f32 v13, v23;
	v14 =	vadd.f32 v14, v24  }
0xfc: {  	v44 =	vld [tilespmem:$0x1FF50];
	v16 =	vadd.f32 v16, v25;
	v17 =	vadd.f32 v17, v26;
	v23 =	vperm.xlane v19, v53  }
0xfd: {  	v18 =	vadd.f32 v20, v18;
	v21 =	vadd.f32 v21, v22;
	v22 =	vperm.xlane v13, v53  }
0xfe: {  	v45 =	vld [tilespmem:$0x1FF60];
	v16 =	vsel vm13, v16, v17;
	v17 =	vadd.f32 v19, v23;
	v19 =	vperm.xlane v14, v53  }
0xff: {  	v46 =	vld [tilespmem:$0x1FF70];
	vm0 =	vnez.u8 v43;
	v16 =	vsel vm14, v16, v21;
	v13 =	vadd.f32 v13, v22  }
0x100: {  	v20 =	vperm.xlane v18, v53;
	v16 =	vsel vm15, v16, v17;
	v14 =	vadd.f32 v14, v19  }
0x101: {  	v47 =	vld [tilespmem:$0x1FF80];
	v17 =	vperm.xlane v9, v53;
	v13 =	vsel vm0, v16, v13;
	vm0 =	vnez.u8 v44  }
0x102: {  	v48 =	vld [tilespmem:$0x1FF90];
	v16 =	vadd.f32 v18, v20;
	v18 =	vperm.xlane v15, v53;
	v13 =	vsel vm0, v13, v14  }
0x103: {  	v54 =	vld [tilespmem:$0x1FFA0];
	v9 =	vadd.f32 v9, v17;
	v14 =	vperm.xlane v12, v53;
	vm0 =	vnez.u8 v45  }
0x104: {  	v55 =	vld [tilespmem:$0x1FFB0];
	v13 =	vsel vm0, v13, v16;
	v15 =	vadd.f32 v15, v18;
	vm0 =	vnez.u8 v46  }
0x105: {  	v16 =	vperm.xlane v11, v53;
	v9 =	vsel vm0, v13, v9;
	v12 =	vadd.f32 v12, v14  }
0x106: {  	v56 =	vld [tilespmem:$0x1FFC0];
	v13 =	vperm.xlane v10, v53;
	vm0 =	vnez.u8 v47;
	v14 =	vperm.xlane v8, v53  }
0x107: {  	v57 =	vld [tilespmem:$0x1FFD0];
	v9 =	vsel vm0, v9, v15;
	v11 =	vadd.f32 v11, v16;
	vm0 =	vnez.u8 v48  }
0x108: {  	v58 =	vld [tilespmem:$0x1FFE0];
	v9 =	vsel vm0, v9, v12;
	v10 =	vadd.f32 v10, v13;
	vm0 =	vnez.u8 v54  }
0x109: {  	v59 =	vld [tilespmem:$0x1FFF0];
	v12 =	vperm.xlane v7, v53;
	v9 =	vsel vm0, v9, v11;
	vm0 =	vnez.u8 v55  }
0x10a: {  	v8 =	vadd.f32 v8, v14;
	v11 =	vperm.xlane v5, v53;
	v9 =	vsel vm0, v9, v10  }
0x10b: {  	v7 =	vadd.f32 v7, v12;
	v10 =	vperm.xlane v6, v53;
	vm0 =	vnez.u8 v56  }
0x10c: {  	v8 =	vsel vm0, v9, v8;
	v5 =	vadd.f32 v5, v11;
	vm0 =	vnez.u8 v57  }
0x10d: {  	v7 =	vsel vm0, v8, v7;
	v6 =	vadd.f32 v6, v10;
	vm0 =	vnez.u8 v58  }
0x10e: {  	s14 =	sshra.s32 s4, $0x2;
	v5 =	vsel vm0, v7, v5;
	vm0 =	vnez.u8 v59  }
0x10f: {  	v8 =	vld [tilespmem:s14+$0x200];
	v5 =	vsel vm0, v5, v6  }
0x110: {  	s29 =	sadd.s32 $0x100, s29;
	v10 =	vld [tilespmem:s14+$0x0];
	[tilespmem:s28+$0xC800] =	vst v5  }
0x111: {  	v17 =	vld [tilespmem:s29+$0x70]  }
0x112: {  	s30 =	sadd.s32 $0x100, s30;
	v9 =	vld [tilespmem:s29+$0x60]  }
0x113: {  	v23 =	vld [tilespmem:s30+$0x70]  }
0x114: {  	v12 =	vld [tilespmem:s29+$0x50]  }
0x115: {  	s0 =	sadd.s32 $0x200, s0;
	v14 =	vld [tilespmem:s30+$0x60]  }
0x116: {  	s31 =	sadd.s32 $0x200, s31;
	v25 =	vld [tilespmem:s0+$0xE0]  }
0x117: {  	v26 =	vld [tilespmem:s31+$0xE0]  }
0x118: {  	v28 =	vld [tilespmem:s0+$0xF0];
	v11 =	vand.u32 $0xF, v8  }
0x119: {  	v29 =	vld [tilespmem:s31+$0xF0];
	v31 =	vbroadcast v11, $0xF  }
0x11a: {  	v60 =	vld [tilespmem:s29+$0x40];
	v10 =	vand.u32 $0xF, v10;
	v39 =	vbroadcast v11, $0xD;
	v40 =	vbroadcast v11, $0xE  }
0x11b: {  	v20 =	vld [tilespmem:s30+$0x50];
	v41 =	vbroadcast v11, $0xC;
	v43 =	vbroadcast v10, $0xF  }
0x11c: {  	v32 =	vld [tilespmem:s0+$0xC0];
	v44 =	vbroadcast v11, $0xB;
	v45 =	vbroadcast v10, $0xE  }
0x11d: {  	v33 =	vld [tilespmem:s31+$0xC0];
	v46 =	vbroadcast v11, $0xA;
	v47 =	vbroadcast v10, $0xD  }
0x11e: {  	v0 =	vmov v50;
	v34 =	vld [tilespmem:s0+$0xD0];
	v48 =	vbroadcast v11, $0x9;
	v50 =	vbroadcast v10, $0xC  }
0x11f: {  	v1 =	vmovc v52;
	v2 =	vmov v51;
	v35 =	vld [tilespmem:s31+$0xD0];
	v51 =	vbroadcast v11, $0x8;
	v52 =	vbroadcast v10, $0xB  }
0x120: {  	v61 =	vld [tilespmem:s29+$0x30];
	v54 =	vbroadcast v11, $0x7;
	v55 =	vbroadcast v10, $0xA  }
0x121: {  	v13 =	vld [tilespmem:s30+$0x40];
	v57 =	vbroadcast v11, $0x6;
	v58 =	vbroadcast v10, $0x9  }
0x122: {  	v36 =	vld [tilespmem:s0+$0xA0];
	v4 =	vbroadcast v11, $0x3;
	v16 =	vbroadcast v11, $0x2  }
0x123: {  	v37 =	vld [tilespmem:s31+$0xA0];
	v5 =	vbroadcast v10, $0x5;
	v22 =	vbroadcast v10, $0x0  }
0x124: {  	v38 =	vld [tilespmem:s0+$0xB0];
	v18 =	vbroadcast v11, $0x0;
	v7 =	vbroadcast v10, $0x4  }
0x125: {  	v42 =	vld [tilespmem:s31+$0xB0];
	v27 =	vbroadcast v10, $0x3;
	[tilespmem:$0x1FEC0] =	vst v22;
	v22 =	vbroadcast v10, $0x2;
	vm6 =	veq.s32 v40, v49  }
0x126: {  	v62 =	vld [tilespmem:s29+$0x20];
	vm9 =	veq.s32 v31, v49;
	vm3 =	veq.s32 v41, v49;
	vm5 =	veq.s32 v39, v49  }
0x127: {  	v63 =	vld [tilespmem:s30+$0x30];
	vm12 =	veq.s32 v43, v49;
	vm1 =	veq.s32 v44, v49;
	vm8 =	veq.s32 v47, v49  }
0x128: {  	v15 =	vld [tilespmem:s29+$0x0];
	vm15 =	veq.s32 v45, v49;
	vm0 =	veq.s32 v48, v49;
	vm11 =	veq.s32 v46, v49  }
0x129: {  	v6 =	vld [tilespmem:s31+$0x80];
	vm4 =	veq.s32 v50, v49;
	vm7 =	veq.s32 v52, v49;
	v44 =	vimm.s32 $0x0;
	[tilespmem:$0x1FE30] =	vst v60  }
0x12a: {  	v56 =	vld [tilespmem:s0+$0x90];
	v45 =	vimm.s32 $0x0;
	vm2 =	veq.s32 v55, v49;
	v46 =	vimm.s32 $0x0;
	[tilespmem:$0x1FE50] =	vst v61  }
0x12b: {  	v59 =	vld [tilespmem:s31+$0x90];
	vm10 =	veq.s32 v58, v49;
	[tilespmem:$0x1FE90] =	vst v62;
	v60 =	vbroadcast v11, $0x5;
	v61 =	vbroadcast v10, $0x8  }
0x12c: {  	v21 =	vld [tilespmem:s0+$0x60];
	v55 =	vimm.s32 $0x0;
	[tilespmem:$0x1FE40] =	vst v63;
	v62 =	vbroadcast v11, $0x4;
	v63 =	vbroadcast v10, $0x7  }
0x12d: {  	v24 =	vld [tilespmem:s31+$0x60];
	v11 =	vbroadcast v11, $0x1;
	[tilespmem:$0x1FEA0] =	vst v15;
	v15 =	vimm.s32 $0x0;
	v47 =	vmul.f32 v26, v25  }
0x12e: {  	v3 =	vld [tilespmem:s29+$0x10];
	v28 =	vmul.f32 v29, v28;
	v29 =	vmul.f32 v33, v32;
	v23 =	vnsel vm12, $0x0, v23  }
0x12f: {  	v8 =	vld [tilespmem:s0+$0x80];
	v17 =	vnsel vm9, $0x0, v17;
	v48 =	vmul.f32 v37, v36;
	v14 =	vnsel vm15, $0x0, v14  }
0x130: {  	v30 =	vld [tilespmem:s0+$0x70];
	v20 =	vnsel vm8, $0x0, v20;
	v9 =	vnsel vm6, $0x0, v9;
	v59 =	vmul.f32 v59, v56  }
0x131: {  	v19 =	vld [tilespmem:s31+$0x70];
	v12 =	vnsel vm5, $0x0, v12;
	v13 =	vnsel vm4, $0x0, v13;
	vm4 =	veq.s32 v5, v49  }
0x132: {  	v31 =	vld [tilespmem:s0+$0x40];
	vm5 =	veq.s32 v16, v49;
	v21 =	vmul.f32 v24, v21;
	v15 =	vsel vm0, $0xFFFFFFFF, v15  }
0x133: {  	[tilespmem:$0x1FE70] =	vst v3;
	v3 =	vld [tilespmem:s30+$0x20];
	vm0 =	veq.s32 v54, v49;
	v54 =	vmul.f32 v42, v38;
	v28 =	vadd.f32 v28, v47  }
0x134: {  	v39 =	vld [tilespmem:s31+$0x40];
	v52 =	vmovc v1;
	v58 =	vmul.f32 v6, v8;
	v1 =	vsel vm0, $0xFFFFFFFF, v44;
	v47 =	vmul.f32 v35, v34  }
0x135: {  	v40 =	vld [tilespmem:s0+$0x50];
	vm0 =	veq.s32 v51, v49;
	vm12 =	veq.s32 v61, v49;
	v23 =	vadd.f32 v23, v28  }
0x136: {  	v41 =	vld [tilespmem:s31+$0x50];
	vm9 =	veq.s32 v60, v49;
	[tilespmem:$0x1FED0] =	vst v1;
	v1 =	vsel vm0, $0xFFFFFFFF, v45;
	v29 =	vadd.f32 v47, v29  }
0x137: {  	v43 =	vld [tilespmem:s0+$0x20];
	vm0 =	veq.s32 v57, v49;
	v57 =	vimm.s32 $0x0;
	[tilespmem:$0x1FEB0] =	vst v1;
	v17 =	vadd.f32 v17, v23  }
0x138: {  	v25 =	vld [tilespmem:s29+$0xFFFFFFF0];
	v1 =	vsel vm0, $0xFFFFFFFF, v46;
	[tilespmem:$0x1FE60] =	vst v3;
	v23 =	vadd.f32 v54, v48;
	v14 =	vadd.f32 v14, v29  }
0x139: {  	v26 =	vld [tilespmem:s30+$0x0];
	v36 =	vadd.f32 v59, v58;
	v3 =	vbroadcast v10, $0x6;
	[tilespmem:$0x1FEF0] =	vst v1;
	v1 =	vsel vm9, $0xFFFFFFFF, v55  }
0x13a: {  	v45 =	vld [tilespmem:$0x1FE30];
	vm9 =	veq.s32 v62, v49;
	v20 =	vadd.f32 v20, v23;
	v14 =	vadd.f32 v9, v14  }
0x13b: {  	v33 =	vld [tilespmem:s31+$0x20];
	v13 =	vadd.f32 v13, v36;
	vm0 =	veq.s32 v3, v49;
	v3 =	vimm.s32 $0x0  }
0x13c: {  	v8 =	vld [tilespmem:$0x1FE40];
	v9 =	vperm.xlane v17, v0;
	v12 =	vadd.f32 v12, v20;
	v20 =	vperm.xlane v14, v0  }
0x13d: {  	v32 =	vld [tilespmem:s31+$0x30];
	v50 =	vmovc v0;
	[tilespmem:$0x1FF00] =	vst v1;
	v1 =	vsel vm9, $0xFFFFFFFF, v57;
	vm9 =	veq.s32 v4, v49;
	v3 =	vsel vm4, $0xFFFFFFFF, v3  }
0x13e: {  	v56 =	vld [tilespmem:s0+$0xFFFFFFD0];
	v17 =	vadd.f32 v17, v9;
	v62 =	vperm.xlane v12, v50;
	v14 =	vadd.f32 v14, v20  }
0x13f: {  	v38 =	vld [tilespmem:s0+$0xFFFFFF20];
	[tilespmem:$0x1FE80] =	vst v15;
	v51 =	vmovc v2;
	v15 =	vnsel vm3, $0x0, v45;
	vm4 =	veq.s32 v7, v49;
	v7 =	vmul.f32 v19, v30  }
0x140: {  	v34 =	vld [tilespmem:s0+$0x30];
	v20 =	vperm.xlane v17, v2;
	v12 =	vadd.f32 v12, v62;
	v46 =	vperm.xlane v14, v51  }
0x141: {  	v35 =	vld [tilespmem:s0+$0x0];
	v16 =	vnsel vm7, $0x0, v8;
	v4 =	vadd.f32 v15, v13;
	v7 =	vadd.f32 v7, v21  }
0x142: {  	v8 =	vld [tilespmem:$0x1FE60];
	v17 =	vadd.f32 v17, v20;
	v48 =	vperm.xlane v12, v51;
	v37 =	vadd.f32 v14, v46  }
0x143: {  	vm15 =	veq.s32 v63, v49;
	v5 =	vperm.xlane v4, v50;
	v19 =	vadd.f32 v16, v7;
	v7 =	vld [tilespmem:$0x1FE50]  }
0x144: {  	v60 =	vld [tilespmem:s0+$0x10];
	v20 =	vperm.xlane v17, v52;
	v12 =	vadd.f32 v12, v48;
	v6 =	vperm.xlane v37, v52  }
0x145: {  	v61 =	vld [tilespmem:s31+$0x10];
	v24 =	vmul.f32 v41, v40;
	v21 =	vmul.f32 v39, v31;
	v4 =	vadd.f32 v4, v5  }
0x146: {  	v63 =	vld [tilespmem:s0+$0xFFFFFFE0];
	v5 =	vadd.f32 v37, v6;
	v6 =	vadd.f32 v17, v20;
	v20 =	vperm.xlane v12, v52  }
0x147: {  	vm6 =	veq.s32 v11, v49;
	v11 =	vld [tilespmem:$0x1FE80];
	v10 =	vbroadcast v10, $0x1;
	v21 =	vadd.f32 v24, v21  }
0x148: {  	v24 =	vnsel vm1, $0x0, v7;
	v7 =	vadd.f32 v12, v20;
	v12 =	vnsel vm2, $0x0, v8;
	v8 =	vld [tilespmem:$0x1FE70]  }
0x149: {  	[tilespmem:$0x1FEE0] =	vst v10;
	v10 =	vld [tilespmem:s30+$0x10]  }
0x14a: {  	v28 =	vld [tilespmem:s29+$0xFFFFFFE0]  }
0x14b: {  	v47 =	vld [tilespmem:s31+$0xFFFFFFE0]  }
0x14c: {  	vm1 =	vnez.u8 v11;
	v11 =	vld [tilespmem:$0x1FEB0];
	v17 =	vperm.xlane v4, v51  }
0x14d: {  	v57 =	vnsel vm1, $0x0, v8;
	v8 =	vld [tilespmem:$0x1FE90]  }
0x14e: {  	v0 =	vmul.f32 v61, v60;
	v60 =	vnsel vm10, $0x0, v10;
	v10 =	vld [tilespmem:$0x1FEA0];
	v4 =	vadd.f32 v4, v17  }
0x14f: {  	vm8 =	veq.s32 v27, v49;
	v55 =	vld [tilespmem:s31+$0xFFFFFFC0]  }
0x150: {  	v27 =	vmul.f32 v33, v43;
	v33 =	vld [tilespmem:s31+$0xFFFFFF70];
	v24 =	vadd.f32 v24, v19;
	v19 =	vperm.xlane v4, v52  }
0x151: {  	v29 =	vld [tilespmem:s30+$0xFFFFFFF0];
	v32 =	vmul.f32 v32, v34;
	v12 =	vadd.f32 v12, v21  }
0x152: {  	v30 =	vld [tilespmem:s0+$0xFFFFFFC0];
	vm1 =	vnez.u8 v11;
	v58 =	vnsel vm11, $0x0, v8;
	v8 =	vadd.f32 v4, v19  }
0x153: {  	v11 =	vnsel vm1, $0x0, v10;
	v10 =	vld [tilespmem:$0x1FF30];
	v4 =	vadd.f32 v32, v27;
	v12 =	vadd.f32 v58, v12  }
0x154: {  	v36 =	vld [tilespmem:s0+$0xFFFFFF10]  }
0x155: {  	v54 =	vld [tilespmem:s31+$0xFFFFFFF0];
	[tilespmem:$0x1FF10] =	vst v1;
	v1 =	vadd.f32 v60, v4;
	v4 =	vperm.xlane v12, v50  }
0x156: {  	vm7 =	veq.s32 v22, v49;
	v22 =	vld [tilespmem:s0+$0xFFFFFF80]  }
0x157: {  	v34 =	vld [tilespmem:s31+$0xFFFFFF00];
	v4 =	vadd.f32 v12, v4  }
0x158: {  	v12 =	vmul.f32 v55, v30;
	v30 =	vnsel vm15, $0x0, v29;
	vm15 =	vnez.u8 v10;
	v10 =	vld [tilespmem:$0x1FEC0]  }
0x159: {  	v23 =	vld [tilespmem:s31+$0x0]  }
0x15a: {  	vm3 =	veq.s32 v18, v49;
	v18 =	vld [tilespmem:s31+$0xFFFFFFA0]  }
0x15b: {  	[tilespmem:$0x1FF20] =	vst v3;
	v3 =	vld [tilespmem:s30+$0xFFFFFFE0]  }
0x15c: {  	v15 =	vld [tilespmem:s0+$0xFFFFFFF0]  }
0x15d: {  	vm11 =	veq.s32 v10, v49;
	v10 =	vld [tilespmem:$0x1FED0]  }
0x15e: {  	v13 =	vld [tilespmem:s29+$0xFFFFFFC0]  }
0x15f: {  	v9 =	vld [tilespmem:s29+$0xFFFFFFD0]  }
0x160: {  	v31 =	vld [tilespmem:s31+$0xFFFFFFD0]  }
0x161: {  	v39 =	vld [tilespmem:s31+$0xFFFFFF20]  }
0x162: {  	vm1 =	vnez.u8 v10;
	v10 =	vld [tilespmem:$0x1FEE0]  }
0x163: {  	v16 =	vld [tilespmem:s30+$0xFFFFFFC0];
	v59 =	vmul.f32 v23, v35  }
0x164: {  	v23 =	vld [tilespmem:s31+$0xFFFFFF80]  }
0x165: {  	v2 =	vmul.f32 v47, v63;
	v35 =	vld [tilespmem:s0+$0xFFFFFF00];
	v15 =	vmul.f32 v54, v15;
	v0 =	vadd.f32 v0, v59  }
0x166: {  	v26 =	vnsel vm12, $0x0, v26;
	v14 =	vld [tilespmem:s30+$0xFFFFFFD0]  }
0x167: {  	v2 =	vadd.f32 v15, v2;
	v0 =	vadd.f32 v26, v0;
	vm10 =	veq.s32 v10, v49;
	v10 =	vld [tilespmem:$0x1FEF0]  }
0x168: {  	v3 =	vnsel vm0, $0x0, v3;
	v15 =	vmul.f32 v31, v56;
	v31 =	vld [tilespmem:s0+$0xFFFFFF70];
	v1 =	vadd.f32 v57, v1  }
0x169: {  	v26 =	vld [tilespmem:s29+$0xFFFFFF80];
	v0 =	vadd.f32 v11, v0;
	v27 =	vperm.xlane v24, v50;
	v2 =	vadd.f32 v30, v2  }
0x16a: {  	v37 =	vld [tilespmem:s31+$0xFFFFFF10];
	v11 =	vadd.f32 v15, v12;
	v15 =	vperm.xlane v1, v50;
	v12 =	vnsel vm1, $0x0, v25  }
0x16b: {  	v17 =	vld [tilespmem:s0+$0xFFFFFFA0];
	v61 =	vadd.f32 v24, v27;
	v2 =	vadd.f32 v12, v2;
	v12 =	vperm.xlane v0, v50  }
0x16c: {  	v20 =	vld [tilespmem:s0+$0xFFFFFFB0];
	v3 =	vadd.f32 v3, v11;
	v1 =	vadd.f32 v1, v15;
	vm0 =	vnez.u8 v10  }
0x16d: {  	v21 =	vld [tilespmem:s31+$0xFFFFFFB0];
	v11 =	vperm.xlane v2, v50;
	v0 =	vadd.f32 v0, v12;
	v10 =	vnsel vm0, $0x0, v28  }
0x16e: {  	v19 =	vld [tilespmem:s30+$0xFFFFFFB0];
	v12 =	vperm.xlane v61, v51;
	v3 =	vadd.f32 v10, v3;
	v10 =	vperm.xlane v4, v51  }
0x16f: {  	v32 =	vld [tilespmem:s0+$0xFFFFFF50];
	v15 =	vperm.xlane v1, v51;
	v2 =	vadd.f32 v2, v11;
	v11 =	vperm.xlane v0, v51  }
0x170: {  	p0 =	sne.s32 s4, $0x7C0;
	v24 =	vld [tilespmem:s0+$0xFFFFFF90];
	v62 =	vperm.xlane v3, v50;
	v4 =	vadd.f32 v4, v10;
	v10 =	vadd.f32 v61, v12  }
.Ltmp1:
0x171: {  	v27 =	vld [tilespmem:s31+$0xFFFFFF90];
	v1 =	vadd.f32 v1, v15;
	v0 =	vadd.f32 v0, v11;
	v12 =	vperm.xlane v2, v51;
	(pc) =	sbr.rel @p0 .LBB2_4-.Ltmp1, $4  }
0x172: {  	v29 =	vld [tilespmem:s0+$0xFFFFFF60];
	v41 =	vadd.f32 v3, v62;
	v3 =	vperm.xlane v4, v52;
	v15 =	vperm.xlane v10, v52  }
0x173: {  	v30 =	vld [tilespmem:s31+$0xFFFFFF60];
	v63 =	vperm.xlane v0, v52;
	v40 =	vadd.f32 v2, v12;
	v12 =	vperm.xlane v1, v52  }
0x174: {  	v25 =	vld [tilespmem:s0+$0xFFFFFF40];
	v43 =	vperm.xlane v41, v51;
	v11 =	vadd.f32 v4, v3;
	v10 =	vadd.f32 v10, v15  }
0x175: {  	s4 =	sadd.s32 $0x40, s4;
	s28 =	smov.u32 s14;
	v28 =	vld [tilespmem:s31+$0xFFFFFF40];
	v42 =	vperm.xlane v40, v52;
	v15 =	vadd.f32 v0, v63;
	v12 =	vadd.f32 v1, v12  }
0x176: {  	v0 =	vld [tilespmem:s30+$0xFFFFFF80]  }
0x177: {  	v1 =	vld [tilespmem:$0x1FF10]  }
0x178: {  	v2 =	vld [tilespmem:$0x1FF00]  }
0x179: {  	v4 =	vld [tilespmem:s0+$0xFFFFFF30]  }
0x17a: {  	v61 =	vld [tilespmem:s31+$0xFFFFFF30];
	v17 =	vmul.f32 v18, v17  }
0x17b: {  	v62 =	vmul.f32 v21, v20;
	v63 =	vld [tilespmem:s31+$0xFFFFFF50];
	v20 =	vadd.f32 v41, v43;
	v43 =	vmul.f32 v23, v22  }
0x17c: {  	v44 =	vmul.f32 v27, v24;
	v45 =	vld [tilespmem:s30+$0xFFFFFF90];
	v47 =	vmul.f32 v33, v31  }
0x17d: {  	v48 =	vld [tilespmem:s30+$0xFFFFFFA0];
	v54 =	vmul.f32 v34, v35;
	v55 =	vmul.f32 v37, v36  }
0x17e: {  	v56 =	vld [tilespmem:s29+$0xFFFFFF90];
	v57 =	vmul.f32 v39, v38;
	v49 =	vadd.f32 v40, v42;
	v46 =	vmul.f32 v30, v29  }
0x17f: {  	v3 =	vld [tilespmem:$0x1FF20];
	v17 =	vadd.f32 v62, v17;
	v21 =	vadd.f32 v44, v43;
	v59 =	vmul.f32 v28, v25  }
0x180: {  	v18 =	vadd.f32 v47, v46;
	vm0 =	vnez.u8 v1;
	v0 =	vnsel vm11, $0x0, v0  }
0x181: {  	v4 =	vmul.f32 v61, v4;
	v23 =	vnsel vm10, $0x0, v45;
	v61 =	vadd.f32 v55, v54  }
0x182: {  	v62 =	vnsel vm7, $0x0, v48;
	v1 =	vnsel vm0, $0x0, v13;
	vm0 =	vnez.u8 v2  }
0x183: {  	v58 =	vld [tilespmem:s29+$0xFFFFFFA0];
	v13 =	vnsel vm8, $0x0, v19;
	v19 =	vmul.f32 v63, v32;
	v63 =	vnsel vm6, $0x0, v56  }
0x184: {  	v60 =	vld [tilespmem:s29+$0xFFFFFFB0];
	v2 =	vnsel vm0, $0x0, v9;
	vm0 =	vnez.u8 v3;
	v4 =	vadd.f32 v4, v57  }
0x185: {  	v9 =	vnsel vm4, $0x0, v16;
	v0 =	vadd.f32 v0, v61;
	v19 =	vadd.f32 v19, v59  }
0x186: {  	v13 =	vadd.f32 v13, v18;
	v3 =	vnsel vm0, $0x0, v14;
	v4 =	vadd.f32 v23, v4  }
0x187: {  	v14 =	vnsel vm3, $0x0, v26;
	v3 =	vadd.f32 v3, v17;
	v17 =	vadd.f32 v62, v19  }
0x188: {  	v16 =	vnsel vm5, $0x0, v58;
	v0 =	vadd.f32 v14, v0;
	v4 =	vadd.f32 v63, v4  }
0x189: {  	v24 =	vnsel vm9, $0x0, v60;
	v9 =	vadd.f32 v9, v21;
	v16 =	vadd.f32 v16, v17  }
0x18a: {  	v13 =	vadd.f32 v24, v13;
	v26 =	vperm.xlane v0, v50;
	v28 =	vperm.xlane v4, v50  }
0x18b: {  	v1 =	vadd.f32 v1, v9;
	v2 =	vadd.f32 v2, v3;
	v29 =	vperm.xlane v16, v50  }
0x18c: {  	v30 =	vperm.xlane v13, v50;
	v0 =	vadd.f32 v0, v26;
	v3 =	vadd.f32 v4, v28  }
0x18d: {  	v32 =	vperm.xlane v1, v50;
	v33 =	vperm.xlane v2, v50;
	v31 =	vadd.f32 v16, v29  }
0x18e: {  	v34 =	vperm.xlane v0, v51;
	v4 =	vadd.f32 v13, v30;
	v19 =	vperm.xlane v3, v51  }
0x18f: {  	v1 =	vadd.f32 v1, v32;
	v2 =	vadd.f32 v2, v33;
	v35 =	vperm.xlane v31, v51  }
0x190: {  	v0 =	vadd.f32 v0, v34;
	v36 =	vperm.xlane v4, v51;
	v3 =	vadd.f32 v3, v19  }
0x191: {  	v37 =	vperm.xlane v1, v51;
	v17 =	vperm.xlane v2, v51;
	v9 =	vadd.f32 v31, v35  }
0x192: {  	v18 =	vperm.xlane v0, v52;
	v4 =	vadd.f32 v4, v36;
	v19 =	vperm.xlane v3, v52  }
0x193: {  	v1 =	vadd.f32 v1, v37;
	v2 =	vadd.f32 v2, v17;
	v38 =	vperm.xlane v9, v52  }
0x194: {  	v0 =	vadd.f32 v0, v18;
	v39 =	vperm.xlane v4, v52;
	v3 =	vadd.f32 v3, v19  }
0x195: {  	v40 =	vperm.xlane v1, v52;
	v17 =	vperm.xlane v2, v52;
	v9 =	vadd.f32 v9, v38  }
0x196: {  	v46 =	vld [tilespmem:$0x1FF40];
	v18 =	vperm.xlane v0, v53;
	v4 =	vadd.f32 v4, v39;
	v19 =	vperm.xlane v3, v53  }
0x197: {  	v1 =	vadd.f32 v1, v40;
	v2 =	vadd.f32 v2, v17;
	v41 =	vperm.xlane v9, v53  }
0x198: {  	v48 =	vld [tilespmem:$0x1FF50];
	v0 =	vadd.f32 v0, v18;
	v42 =	vperm.xlane v4, v53;
	v3 =	vadd.f32 v3, v19  }
0x199: {  	v25 =	vperm.xlane v20, v52;
	v43 =	vperm.xlane v1, v53;
	v9 =	vadd.f32 v9, v41  }
0x19a: {  	v44 =	vperm.xlane v2, v53;
	v0 =	vsel vm13, v0, v3;
	v3 =	vadd.f32 v4, v42  }
0x19b: {  	v55 =	vld [tilespmem:$0x1FF70];
	vm10 =	vnez.u8 v46;
	v1 =	vadd.f32 v1, v43;
	v0 =	vsel vm14, v0, v9  }
0x19c: {  	v56 =	vld [tilespmem:$0x1FF80];
	v2 =	vadd.f32 v2, v44;
	v0 =	vsel vm15, v0, v3;
	v3 =	vperm.xlane v49, v53  }
0x19d: {  	v61 =	vld [tilespmem:$0x1FFB0];
	vm1 =	vnez.u8 v48;
	v0 =	vsel vm10, v0, v1  }
0x19e: {  	v14 =	vadd.f32 v20, v25;
	v0 =	vsel vm1, v0, v2;
	v2 =	vadd.f32 v49, v3;
	v49 =	vld [tilespmem:$0x1FF60]  }
0x19f: {  	v58 =	vld [tilespmem:$0x1FF90]  }
0x1a0: {  	v47 =	vperm.xlane v15, v53;
	v45 =	vperm.xlane v14, v53  }
0x1a1: {  	v54 =	vperm.xlane v11, v53;
	v57 =	vperm.xlane v8, v53;
	v59 =	vld [tilespmem:$0x1FFA0]  }
0x1a2: {  	vm11 =	vnez.u8 v55;
	vm0 =	vnez.u8 v56;
	v1 =	vadd.f32 v14, v45  }
0x1a3: {  	v62 =	vld [tilespmem:$0x1FFC0];
	vm3 =	vnez.u8 v61;
	v3 =	vperm.xlane v12, v53;
	vm2 =	vnez.u8 v49  }
0x1a4: {  	vm1 =	vnez.u8 v58;
	v0 =	vsel vm2, v0, v1;
	v1 =	vadd.f32 v15, v47  }
0x1a5: {  	v63 =	vld [tilespmem:$0x1FFD0];
	v0 =	vsel vm11, v0, v2;
	v2 =	vadd.f32 v12, v3;
	v3 =	vperm.xlane v10, v53  }
0x1a6: {  	vm2 =	vnez.u8 v59;
	v0 =	vsel vm0, v0, v1;
	v1 =	vadd.f32 v11, v54  }
0x1a7: {  	v0 =	vsel vm1, v0, v2;
	v2 =	vadd.f32 v10, v3;
	v3 =	vperm.xlane v7, v53  }
0x1a8: {  	vm4 =	vnez.u8 v62;
	v0 =	vsel vm2, v0, v1;
	v1 =	vadd.f32 v8, v57  }
0x1a9: {  	v0 =	vsel vm3, v0, v2;
	v2 =	vadd.f32 v7, v3;
	v3 =	vperm.xlane v6, v53  }
0x1aa: {  	vm5 =	vnez.u8 v63;
	v0 =	vsel vm4, v0, v1  }
0x1ab: {  	v0 =	vsel vm5, v0, v2;
	v2 =	vadd.f32 v6, v3;
	v3 =	vld [tilespmem:$0x1FFE0];
	_ =	sdelay $0x1  }
0x1ac: {  	v60 =	vperm.xlane v5, v53;
	_ =	sdelay $0x1  }
0x1ad: {  	v1 =	vadd.f32 v5, v60  }
0x1ae: {  	vm6 =	vnez.u8 v3  }
0x1af: {  	v0 =	vsel vm6, v0, v1;
	v1 =	vld [tilespmem:$0x1FFF0];
	_ =	sdelay $0x4  }
0x1b0: {  	s26 =	sadd.s32 $0x1, s26;
	vm7 =	vnez.u8 v1  }
0x1b1: {  	p0 =	sne.s32 s26, s10;
	v0 =	vsel vm7, v0, v2  }
.Ltmp2:
0x1b2: {  	[tilespmem:s28+$0xC800] =	vst v0;
	(pc) =	sbr.rel @p0 .LBB2_1-.Ltmp2, $4  }
0x1b3: {  	[hbm4b:s9+s2] =	stream.linear.scatter [tilespmem:s25], [sflag:$0x2], $0x200, $0x38;
	[tilespmem:$0xCA00] =	vst v63  }
0x1b4: {  	_ =	swait.ge [sflag:s11], $0x200  }
0x1b5: {  	[sflag:s11] =	ssyncset.done $0x0  }
0x1b6: {  	v0 =	vlaneseq.u32;
	[sflag:s11] =	ssyncadd.s32 $0xFFFFFE00  }
0x1b7: {  	_ =	sfence.sel $0x180000  }
0x1b8: {  	[bflag:$0x0] =	sbarrier.arrive $0xFFFF  }
0x1b9: {  	_ =	strace $0x90000047  }
0x1ba: {  	s0 =	stileid.u32;
	[bflag:$0x2] =	sbarrier.arrive $0xFFFF  }
0x1bb: {  	p0 =	sne.s32 s0, $0x0;
	s0 =	rddreg [dreg:$0x4]  }
0x1bc: {  	s0 =	sadd.s32 @!p0 $0x100000, s0  }
0x1bd: {  	[sflag:s0] =	ssyncadd.tile.s32 @!p0 $0x1;
	_ =	shalt  }
.Lfunc_end2:
_tile_overlayer_lowered:
.L_overlay_start_2:
0x1be: {  	(tag) =	ssettag $0x2  }
0x1bf: {  	s0 =	rddreg [dreg:$0x0];
	s2 =	stileid.u32  }
0x1c0: {  	s1 =	rddreg [dreg:$0x1];
	p0 =	sne.s32 s2, $0x0  }
0x1c1: {  	s3 =	rddreg [dreg:$0x2];
	[bflag:$0x3] =	sbarrier.arrive $0xFFFF;
	s2 =	simm.s32 @!p0 $0x1C02  }
0x1c2: {  	[timem:s3], [sflag:s2] =	dma.local @!p0 [hbm:s0], s1  }
0x1c3: {  	s0 =	simm.s32 @!p0 $0x2  }
0x1c4: {  	_ =	swait.ge @!p0 [sflag:s0], s1  }
0x1c5: {  	s1 =	ssub.s32 @!p0 $0x0, s1;
	[sflag:s0] =	ssyncset.done @!p0 $0x0  }
0x1c6: {  	[sflag:s0] =	ssyncadd.s32 @!p0 s1  }
0x1c7: {  	[bflag:$0x3] =	sbarrier.arrive $0xFFFF  }
0x1c8: {  	_ =	shalt  }

</sc_bundles>
